<compile_context>
chip_gen: v7x
topology: tpu7x:2x2x1
jax: 0.10.2.dev20260603
libtpu: 0.0.44.dev20260713+nightly
codegen_flags: <defaults>
</compile_context>

<pallas_src>
import functools

import jax
import jax.numpy as jnp
from jax import lax
from jax.experimental import pallas as pl
from jax.experimental.pallas import tpu as pltpu
from jax.experimental.pallas import tpu_sc as plsc

_K = 16
_TH = 0.5
_INF = float("inf")


def _bf_round(x):
    u = plsc.bitcast(x, jnp.uint32)
    r = (u + jnp.uint32(0x7FFF) + ((u >> 16) & jnp.uint32(1))) & jnp.uint32(
        0xFFFF0000
    )
    return plsc.bitcast(r, jnp.float32)


def _splat(v, lane):
    idx = jnp.full((16,), lane, jnp.int32)
    return v.at[idx].get(mode="promise_in_bounds", unique_indices=False)


def _make_sc_knn(b, n):
    rows_per_w = (b * n) // 32
    groups = rows_per_w // 16
    chunks = n // 16
    wpb = 32 // b
    mesh = plsc.VectorSubcoreMesh(core_axis_name="c", subcore_axis_name="s")

    @functools.partial(
        pl.kernel,
        out_type=jax.ShapeDtypeStruct((b * n * _K,), jnp.int32),
        mesh=mesh,
        compiler_params=pltpu.CompilerParams(needs_layout_passes=False),
        scratch_types=[
            pltpu.VMEM((n,), jnp.float32),
            pltpu.VMEM((n,), jnp.float32),
            pltpu.VMEM((n,), jnp.float32),
            pltpu.VMEM((n,), jnp.float32),
            pltpu.VMEM((n,), jnp.float32),
            pltpu.VMEM((n,), jnp.float32),
            pltpu.VMEM((n,), jnp.float32),
            pltpu.VMEM((224,), jnp.float32),
            pltpu.VMEM((224,), jnp.int32),
            pltpu.VMEM((rows_per_w * _K,), jnp.int32),
        ],
    )
    def sc_knn(xa, ya, za, out_hbm, xv, yv, zv, xm2, ym2, zm2, csqv, bufd, bufi, obuf):
        wid = lax.axis_index("s") * 2 + lax.axis_index("c")
        batch = wid // wpb
        r0 = (wid % wpb) * rows_per_w

        pltpu.sync_copy(xa.at[pl.ds(batch * n, n)], xv)
        pltpu.sync_copy(ya.at[pl.ds(batch * n, n)], yv)
        pltpu.sync_copy(za.at[pl.ds(batch * n, n)], zv)

        def prep(i, carry):
            s = pl.ds(i * 16, 16)
            cx = xv[s]
            cy = yv[s]
            cz = zv[s]
            xm2[s] = _bf_round(cx) * -2.0
            ym2[s] = _bf_round(cy) * -2.0
            zm2[s] = _bf_round(cz) * -2.0
            csqv[s] = cx * cx + cy * cy + cz * cz
            return carry

        lax.fori_loop(0, chunks, prep, 0)

        lanes = lax.iota(jnp.int32, 16)

        def merge2(av, ai, bv, bi):
            rv = lax.rev(bv, (0,))
            ri = lax.rev(bi, (0,))
            take_b = rv < av
            nv = jnp.where(take_b, rv, av)
            ni = jnp.where(take_b, ri, ai)
            return plsc.sort_key_val(nv, ni)

        def flush(top_v, top_i, pos):
            blocks = []
            for blk in range(12):
                bd = bufd[pl.ds(blk * 16, 16)]
                bi = bufi[pl.ds(blk * 16, 16)]
                valid = (lanes + blk * 16) < pos
                bd = jnp.where(valid, bd, _INF)
                blocks.append(plsc.sort_key_val(bd, bi))
            while len(blocks) > 1:
                nxt = []
                for a in range(0, len(blocks) - 1, 2):
                    nxt.append(merge2(*blocks[a], *blocks[a + 1]))
                if len(blocks) % 2:
                    nxt.append(blocks[-1])
                blocks = nxt
            top_v, top_i = merge2(top_v, top_i, *blocks[0])
            bound = _splat(top_v, 15)
            return top_v, top_i, bound

        def group_body(g, carry):
            qs = pl.ds(r0 + g * 16, 16)
            qx = xv[qs]
            qy = yv[qs]
            qz = zv[qs]
            qbx = _bf_round(qx)
            qby = _bf_round(qy)
            qbz = _bf_round(qz)
            qsq = qx * qx + qy * qy + qz * qz

            def row_body(l, carry2):
                bx = _splat(qbx, l)
                by = _splat(qby, l)
                bz = _splat(qbz, l)
                sq = _splat(qsq, l)

                zf = jnp.zeros((16,), jnp.float32)
                zi = jnp.zeros((16,), jnp.int32)
                fmask = lanes < 0

                def do_append(st2):
                    top_v, top_i, bound, pos, pdes, pms, pbase = st2
                    for u in range(8):
                        cu = plsc.all_reduce_population_count(pms[u])[0]
                        plsc.store_compressed(
                            bufd.at[pl.ds(pos, 16)], pdes[u], mask=pms[u]
                        )
                        plsc.store_compressed(
                            bufi.at[pl.ds(pos, 16)],
                            lanes + (pbase + u * 16),
                            mask=pms[u],
                        )
                        pos = pos + cu

                    def do_flush(st3):
                        tv, ti, _, p = st3
                        tv, ti, bnd = flush(tv, ti, p)
                        return tv, ti, bnd, jnp.int32(0)

                    return lax.cond(
                        pos >= 64,
                        do_flush,
                        lambda st3: st3,
                        (top_v, top_i, bound, pos),
                    )

                def chunk_body(j, st):
                    (top_v, top_i, bound, pos, panyc, pdes, pms, pbase) = st
                    base = j * 128
                    des, ms = [], []
                    any_m = None
                    for u in range(8):
                        s = pl.ds(base + u * 16, 16)
                        d = (
                            sq + ((bx * xm2[s] + by * ym2[s]) + bz * zm2[s])
                        ) + csqv[s]
                        de = jnp.where(d > _TH, _INF, d)
                        m = de < bound
                        des.append(de)
                        ms.append(m)
                        any_m = m if any_m is None else (any_m | m)
                    anyc = plsc.all_reduce_population_count(any_m)[0]

                    top_v, top_i, bound, pos = lax.cond(
                        panyc > 0,
                        do_append,
                        lambda st2: st2[:4],
                        (top_v, top_i, bound, pos, pdes, pms, pbase),
                    )
                    return (top_v, top_i, bound, pos, anyc, tuple(des), tuple(ms), base)

                init = (
                    jnp.full((16,), _INF, jnp.float32),
                    lanes,
                    jnp.full((16,), _INF, jnp.float32),
                    jnp.int32(0),
                    jnp.int32(0),
                    (zf,) * 8,
                    (fmask,) * 8,
                    jnp.int32(0),
                )
                (top_v, top_i, bound, pos, panyc, pdes, pms, pbase) = lax.fori_loop(
                    0, chunks // 8, chunk_body, init
                )
                top_v, top_i, bound, pos = lax.cond(
                    panyc > 0,
                    do_append,
                    lambda st2: st2[:4],
                    (top_v, top_i, bound, pos, pdes, pms, pbase),
                )
                top_v, top_i, bound = flush(top_v, top_i, pos)
                up = jnp.minimum(lanes + 1, 15)
                dn = jnp.maximum(lanes - 1, 0)
                nv = top_v.at[up].get(mode="promise_in_bounds")
                ni = top_i.at[up].get(mode="promise_in_bounds")
                pv = top_v.at[dn].get(mode="promise_in_bounds")
                pi = top_i.at[dn].get(mode="promise_in_bounds")
                swap_hi = (top_v == nv) & (top_i > ni)
                swap_lo = (top_v == pv) & (pi > top_i)
                top_i = jnp.where(
                    swap_hi, ni, jnp.where(swap_lo, pi, top_i)
                )
                obuf[pl.ds((g * 16 + l) * _K, _K)] = top_i
                return carry2

            lax.fori_loop(0, 16, row_body, 0)
            return carry

        lax.fori_loop(0, groups, group_body, 0)
        pltpu.sync_copy(
            obuf, out_hbm.at[pl.ds((batch * n + r0) * _K, rows_per_w * _K)]
        )

    return sc_knn


def kernel(coords):
    b, n, d = coords.shape
    xa = coords[:, :, 0].reshape(-1)
    ya = coords[:, :, 1].reshape(-1)
    za = coords[:, :, 2].reshape(-1)
    nn_idx = _make_sc_knn(b, n)(xa, ya, za).reshape(b, n, _K)
    center_idx = jnp.broadcast_to(
        jnp.arange(n, dtype=nn_idx.dtype)[None, :, None], (b, n, _K)
    )
    return jnp.stack((nn_idx, center_idx), axis=0)

# --- scband reference (transcript-rebuilt; emitter-appended) ---
"""Pipeline reference for scband-knn-euclidean-64493228917427 (READ-ONLY COPY).

The authoritative reference and input builder live on the scoring server;
editing this copy changes nothing except your own understanding.
"""

import jax, jax.numpy as jnp
import numpy as np

K = 16
THRESHOLD = 0.5

def setup_inputs(seed: int = 0) -> dict:
    key = jax.random.key(seed)
    coords = jax.random.uniform(key, (4, 4096, 3), dtype=jnp.float32)
    return {"coords": coords}

def reference(coords):
    x = coords
    B, N, D = x.shape
    # pairwise squared euclidean distance (matches torch pairwise_distance)
    x_inner = -2.0 * jnp.matmul(x, jnp.swapaxes(x, 2, 1))
    x_square = jnp.sum(x * x, axis=-1, keepdims=True)
    dist = x_square + x_inner + jnp.swapaxes(x_square, 2, 1)
    # dist[dist > threshold] = inf
    dist = jnp.where(dist > THRESHOLD, jnp.inf, dist)
    # topk of -dist along last dim -> nearest neighbors
    _, nn_idx = jax.lax.top_k(-dist, K)  # [B, N, K]
    center_idx = jnp.broadcast_to(jnp.arange(N, dtype=nn_idx.dtype)[None, :, None], (B, N, K))
    edge_index = jnp.stack((nn_idx, center_idx), axis=0)  # [2, B, N, K]
    return edge_index

if __name__ == "__main__":
    import jax
    _d = setup_inputs()
    print(jax.jit(kernel)(*tuple(_d.values())))

</pallas_src>

<mosaic_0001>
#map = affine_map<(d0, d1) -> (0)>
module attributes {stable_mosaic.version = 14 : i64} {
  func.func @sc_knn(%arg0: i32, %arg1: i32, %arg2: memref<16384xf32, #tpu.memory_space<hbm>>, %arg3: memref<16384xf32, #tpu.memory_space<hbm>>, %arg4: memref<16384xf32, #tpu.memory_space<hbm>>, %arg5: memref<262144xi32, #tpu.memory_space<hbm>>, %arg6: memref<4096xf32, #tpu.memory_space<vmem>>, %arg7: memref<4096xf32, #tpu.memory_space<vmem>>, %arg8: memref<4096xf32, #tpu.memory_space<vmem>>, %arg9: memref<4096xf32, #tpu.memory_space<vmem>>, %arg10: memref<4096xf32, #tpu.memory_space<vmem>>, %arg11: memref<4096xf32, #tpu.memory_space<vmem>>, %arg12: memref<4096xf32, #tpu.memory_space<vmem>>, %arg13: memref<224xf32, #tpu.memory_space<vmem>>, %arg14: memref<224xi32, #tpu.memory_space<vmem>>, %arg15: memref<8192xi32, #tpu.memory_space<vmem>>) attributes {dimension_semantics = [#tpu.dimension_semantics<core_parallel>, #tpu.dimension_semantics<subcore_parallel>], iteration_bounds = array<i64: 2, 16>, scalar_prefetch = 0 : i64, scratch_operands = 10 : i64, tpu.core_type = #tpu.core_type<sc_vector_subcore>, window_params = [{transform_indices = #map}, {transform_indices = #map}, {transform_indices = #map}, {transform_indices = #map}]} {
    %mul3A = arith.constant 2 : i32
    %mul3A_0 = arith.muli %arg1, %mul3A : i32
    %add3A = arith.addi %mul3A_0, %arg0 : i32
    %jit3A = arith.constant 8 : i32
    %div3A = arith.divsi %add3A, %jit3A : i32
    %sign3A = arith.constant 0 : i32
    %sign3A_1 = arith.cmpi sgt, %add3A, %sign3A : i32
    %sign3A_2 = arith.extui %sign3A_1 : i1 to i32
    %sign3A_3 = arith.constant 0 : i32
    %sign3A_4 = arith.cmpi slt, %add3A, %sign3A_3 : i32
    %sign3A_5 = arith.extui %sign3A_4 : i1 to i32
    %sign3A_6 = arith.subi %sign3A_2, %sign3A_5 : i32
    %sign3A_7 = arith.constant 0 : i32
    %sign3A_8 = arith.cmpi sgt, %jit3A, %sign3A_7 : i32
    %sign3A_9 = arith.extui %sign3A_8 : i1 to i32
    %sign3A_10 = arith.constant 0 : i32
    %sign3A_11 = arith.cmpi slt, %jit3A, %sign3A_10 : i32
    %sign3A_12 = arith.extui %sign3A_11 : i1 to i32
    %sign3A_13 = arith.subi %sign3A_9, %sign3A_12 : i32
    %ne3A = arith.cmpi ne, %sign3A_6, %sign3A_13 : i32
    %rem3A = arith.remsi %add3A, %jit3A : i32
    %ne3A_14 = arith.constant 0 : i32
    %ne3A_15 = arith.cmpi ne, %rem3A, %ne3A_14 : i32
    %and3A = arith.andi %ne3A, %ne3A_15 : i1
    %sub3A = arith.constant 1 : i32
    %sub3A_16 = arith.subi %div3A, %sub3A : i32
    %select_n3A = arith.select %and3A, %sub3A_16, %div3A : i32
    %jit3A_17 = arith.constant 8 : i32
    %eq3A = arith.constant 0 : i32
    %eq3A_18 = arith.cmpi eq, %jit3A_17, %eq3A : i32
    %jit3A_19 = arith.constant 1 : i32
    %select_n3A_20 = arith.select %eq3A_18, %jit3A_19, %jit3A_17 : i32
    %rem3A_21 = arith.remsi %add3A, %select_n3A_20 : i32
    %ne3A_22 = arith.constant 0 : i32
    %ne3A_23 = arith.cmpi ne, %rem3A_21, %ne3A_22 : i32
    %lt3A = arith.constant 0 : i32
    %lt3A_24 = arith.cmpi slt, %rem3A_21, %lt3A : i32
    %lt3A_25 = arith.constant 0 : i32
    %lt3A_26 = arith.cmpi slt, %select_n3A_20, %lt3A_25 : i32
    %ne3A_27 = arith.xori %lt3A_24, %lt3A_26 : i1
    %and3A_28 = arith.andi %ne3A_27, %ne3A_23 : i1
    %add3A_29 = arith.addi %rem3A_21, %select_n3A_20 : i32
    %select_n3A_30 = arith.select %and3A_28, %add3A_29, %rem3A_21 : i32
    %mul3A_31 = arith.constant 512 : i32
    %mul3A_32 = arith.muli %select_n3A_30, %mul3A_31 : i32
    %mul3A_33 = arith.constant 4096 : i32
    %mul3A_34 = arith.muli %select_n3A, %mul3A_33 : i32
    "tpu.region"() ({
      %run_scoped3A = tpu.sem_alloc : memref<!tpu.dma_semaphore, #tpu.memory_space<semaphore_mem>>
      %dma_start3A = tpu.memref_slice %arg2[%mul3A_34] : memref<16384xf32, #tpu.memory_space<hbm>> -> memref<4096xf32, #tpu.memory_space<hbm>>
      %dma_start3A_55 = tpu.memref_slice %arg2[%mul3A_34] : memref<16384xf32, #tpu.memory_space<hbm>> -> memref<4096xf32, #tpu.memory_space<hbm>>
      tpu.enqueue_dma source(%dma_start3A_55 : memref<4096xf32, #tpu.memory_space<hbm>>) target(%arg6 : memref<4096xf32, #tpu.memory_space<vmem>>) target_semaphore(%run_scoped3A : memref<!tpu.dma_semaphore, #tpu.memory_space<semaphore_mem>>)
      %dma_wait3A = tpu.memref_slice %arg2[%mul3A_34] : memref<16384xf32, #tpu.memory_space<hbm>> -> memref<4096xf32, #tpu.memory_space<hbm>>
      %dma_wait3A_56 = tpu.memref_slice %arg2[%mul3A_34] : memref<16384xf32, #tpu.memory_space<hbm>> -> memref<4096xf32, #tpu.memory_space<hbm>>
      tpu.wait_dma2 semaphore(%run_scoped3A : memref<!tpu.dma_semaphore, #tpu.memory_space<semaphore_mem>>) src(%dma_wait3A_56 : memref<4096xf32, #tpu.memory_space<hbm>>) dst(%arg6 : memref<4096xf32, #tpu.memory_space<vmem>>)
      tpu.yield
    }) : () -> ()
    %mul3A_35 = arith.constant 4096 : i32
    %mul3A_36 = arith.muli %select_n3A, %mul3A_35 : i32
    "tpu.region"() ({
      %run_scoped3A = tpu.sem_alloc : memref<!tpu.dma_semaphore, #tpu.memory_space<semaphore_mem>>
      %dma_start3A = tpu.memref_slice %arg3[%mul3A_36] : memref<16384xf32, #tpu.memory_space<hbm>> -> memref<4096xf32, #tpu.memory_space<hbm>>
      %dma_start3A_55 = tpu.memref_slice %arg3[%mul3A_36] : memref<16384xf32, #tpu.memory_space<hbm>> -> memref<4096xf32, #tpu.memory_space<hbm>>
      tpu.enqueue_dma source(%dma_start3A_55 : memref<4096xf32, #tpu.memory_space<hbm>>) target(%arg7 : memref<4096xf32, #tpu.memory_space<vmem>>) target_semaphore(%run_scoped3A : memref<!tpu.dma_semaphore, #tpu.memory_space<semaphore_mem>>)
      %dma_wait3A = tpu.memref_slice %arg3[%mul3A_36] : memref<16384xf32, #tpu.memory_space<hbm>> -> memref<4096xf32, #tpu.memory_space<hbm>>
      %dma_wait3A_56 = tpu.memref_slice %arg3[%mul3A_36] : memref<16384xf32, #tpu.memory_space<hbm>> -> memref<4096xf32, #tpu.memory_space<hbm>>
      tpu.wait_dma2 semaphore(%run_scoped3A : memref<!tpu.dma_semaphore, #tpu.memory_space<semaphore_mem>>) src(%dma_wait3A_56 : memref<4096xf32, #tpu.memory_space<hbm>>) dst(%arg7 : memref<4096xf32, #tpu.memory_space<vmem>>)
      tpu.yield
    }) : () -> ()
    %mul3A_37 = arith.constant 4096 : i32
    %mul3A_38 = arith.muli %select_n3A, %mul3A_37 : i32
    "tpu.region"() ({
      %run_scoped3A = tpu.sem_alloc : memref<!tpu.dma_semaphore, #tpu.memory_space<semaphore_mem>>
      %dma_start3A = tpu.memref_slice %arg4[%mul3A_38] : memref<16384xf32, #tpu.memory_space<hbm>> -> memref<4096xf32, #tpu.memory_space<hbm>>
      %dma_start3A_55 = tpu.memref_slice %arg4[%mul3A_38] : memref<16384xf32, #tpu.memory_space<hbm>> -> memref<4096xf32, #tpu.memory_space<hbm>>
      tpu.enqueue_dma source(%dma_start3A_55 : memref<4096xf32, #tpu.memory_space<hbm>>) target(%arg8 : memref<4096xf32, #tpu.memory_space<vmem>>) target_semaphore(%run_scoped3A : memref<!tpu.dma_semaphore, #tpu.memory_space<semaphore_mem>>)
      %dma_wait3A = tpu.memref_slice %arg4[%mul3A_38] : memref<16384xf32, #tpu.memory_space<hbm>> -> memref<4096xf32, #tpu.memory_space<hbm>>
      %dma_wait3A_56 = tpu.memref_slice %arg4[%mul3A_38] : memref<16384xf32, #tpu.memory_space<hbm>> -> memref<4096xf32, #tpu.memory_space<hbm>>
      tpu.wait_dma2 semaphore(%run_scoped3A : memref<!tpu.dma_semaphore, #tpu.memory_space<semaphore_mem>>) src(%dma_wait3A_56 : memref<4096xf32, #tpu.memory_space<hbm>>) dst(%arg8 : memref<4096xf32, #tpu.memory_space<vmem>>)
      tpu.yield
    }) : () -> ()
    %scan3A = arith.constant 0 : i32
    %scan3A_39 = arith.constant 0 : i32
    %scan3A_40 = arith.constant 256 : i32
    %scan3A_41 = arith.addi %scan3A_39, %scan3A_40 : i32
    %scan3A_42 = arith.constant 1 : i32
    scf.for %scan3A_55 = %scan3A_39 to %scan3A_41 step %scan3A_42  : i32 {
      %mul3A_56 = arith.constant 16 : i32
      %mul3A_57 = arith.muli %scan3A_55, %mul3A_56 : i32
      %get3A = arith.index_cast %mul3A_57 : i32 to index
      %get3A_58 = tpu.vector_load %arg6[%get3A] {strides = array<i32>} : memref<4096xf32, #tpu.memory_space<vmem>>, vector<16xf32>,
      %get3A_59 = arith.index_cast %mul3A_57 : i32 to index
      %get3A_60 = tpu.vector_load %arg7[%get3A_59] {strides = array<i32>} : memref<4096xf32, #tpu.memory_space<vmem>>, vector<16xf32>,
      %get3A_61 = arith.index_cast %mul3A_57 : i32 to index
      %get3A_62 = tpu.vector_load %arg8[%get3A_61] {strides = array<i32>} : memref<4096xf32, #tpu.memory_space<vmem>>, vector<16xf32>,
      %bitcast3A = vector.bitcast %get3A_58 : vector<16xf32> to vector<16xi32>
      %add3A_63 = arith.constant 32767 : i32
      %add3A_64 = vector.broadcast %add3A_63 : i32 to vector<16xi32>
      %add3A_65 = arith.addi %bitcast3A, %add3A_64 : vector<16xi32>
      %shift_right_logical3A = arith.constant 16 : i32
      %shift_right_logical3A_66 = vector.broadcast %shift_right_logical3A : i32 to vector<16xi32>
      %shift_right_logical3A_67 = arith.shrui %bitcast3A, %shift_right_logical3A_66 : vector<16xi32>
      %and3A_68 = arith.constant 1 : i32
      %and3A_69 = vector.broadcast %and3A_68 : i32 to vector<16xi32>
      %and3A_70 = arith.andi %shift_right_logical3A_67, %and3A_69 : vector<16xi32>
      %add3A_71 = arith.addi %add3A_65, %and3A_70 : vector<16xi32>
      %and3A_72 = arith.constant -65536 : i32
      %and3A_73 = vector.broadcast %and3A_72 : i32 to vector<16xi32>
      %and3A_74 = arith.andi %add3A_71, %and3A_73 : vector<16xi32>
      %bitcast3A_75 = vector.bitcast %and3A_74 : vector<16xi32> to vector<16xf32>
      %mul3A_76 = arith.constant -2.000000e+00 : f32
      %mul3A_77 = vector.broadcast %mul3A_76 : f32 to vector<16xf32>
      %mul3A_78 = arith.mulf %bitcast3A_75, %mul3A_77 : vector<16xf32>
      %swap3A = arith.index_cast %mul3A_57 : i32 to index
      %swap3A_79 = tpu.vector_load %arg9[%swap3A] {strides = array<i32>} : memref<4096xf32, #tpu.memory_space<vmem>>, vector<16xf32>,
      tpu.vector_store %arg9[%swap3A], %mul3A_78 {strides = array<i32>} : memref<4096xf32, #tpu.memory_space<vmem>>, vector<16xf32>,
      %bitcast3A_80 = vector.bitcast %get3A_60 : vector<16xf32> to vector<16xi32>
      %add3A_81 = arith.constant 32767 : i32
      %add3A_82 = vector.broadcast %add3A_81 : i32 to vector<16xi32>
      %add3A_83 = arith.addi %bitcast3A_80, %add3A_82 : vector<16xi32>
      %shift_right_logical3A_84 = arith.constant 16 : i32
      %shift_right_logical3A_85 = vector.broadcast %shift_right_logical3A_84 : i32 to vector<16xi32>
      %shift_right_logical3A_86 = arith.shrui %bitcast3A_80, %shift_right_logical3A_85 : vector<16xi32>
      %and3A_87 = arith.constant 1 : i32
      %and3A_88 = vector.broadcast %and3A_87 : i32 to vector<16xi32>
      %and3A_89 = arith.andi %shift_right_logical3A_86, %and3A_88 : vector<16xi32>
      %add3A_90 = arith.addi %add3A_83, %and3A_89 : vector<16xi32>
      %and3A_91 = arith.constant -65536 : i32
      %and3A_92 = vector.broadcast %and3A_91 : i32 to vector<16xi32>
      %and3A_93 = arith.andi %add3A_90, %and3A_92 : vector<16xi32>
      %bitcast3A_94 = vector.bitcast %and3A_93 : vector<16xi32> to vector<16xf32>
      %mul3A_95 = arith.constant -2.000000e+00 : f32
      %mul3A_96 = vector.broadcast %mul3A_95 : f32 to vector<16xf32>
      %mul3A_97 = arith.mulf %bitcast3A_94, %mul3A_96 : vector<16xf32>
      %swap3A_98 = arith.index_cast %mul3A_57 : i32 to index
      %swap3A_99 = tpu.vector_load %arg10[%swap3A_98] {strides = array<i32>} : memref<4096xf32, #tpu.memory_space<vmem>>, vector<16xf32>,
      tpu.vector_store %arg10[%swap3A_98], %mul3A_97 {strides = array<i32>} : memref<4096xf32, #tpu.memory_space<vmem>>, vector<16xf32>,
      %bitcast3A_100 = vector.bitcast %get3A_62 : vector<16xf32> to vector<16xi32>
      %add3A_101 = arith.constant 32767 : i32
      %add3A_102 = vector.broadcast %add3A_101 : i32 to vector<16xi32>
      %add3A_103 = arith.addi %bitcast3A_100, %add3A_102 : vector<16xi32>
      %shift_right_logical3A_104 = arith.constant 16 : i32
      %shift_right_logical3A_105 = vector.broadcast %shift_right_logical3A_104 : i32 to vector<16xi32>
      %shift_right_logical3A_106 = arith.shrui %bitcast3A_100, %shift_right_logical3A_105 : vector<16xi32>
      %and3A_107 = arith.constant 1 : i32
      %and3A_108 = vector.broadcast %and3A_107 : i32 to vector<16xi32>
      %and3A_109 = arith.andi %shift_right_logical3A_106, %and3A_108 : vector<16xi32>
      %add3A_110 = arith.addi %add3A_103, %and3A_109 : vector<16xi32>
      %and3A_111 = arith.constant -65536 : i32
      %and3A_112 = vector.broadcast %and3A_111 : i32 to vector<16xi32>
      %and3A_113 = arith.andi %add3A_110, %and3A_112 : vector<16xi32>
      %bitcast3A_114 = vector.bitcast %and3A_113 : vector<16xi32> to vector<16xf32>
      %mul3A_115 = arith.constant -2.000000e+00 : f32
      %mul3A_116 = vector.broadcast %mul3A_115 : f32 to vector<16xf32>
      %mul3A_117 = arith.mulf %bitcast3A_114, %mul3A_116 : vector<16xf32>
      %swap3A_118 = arith.index_cast %mul3A_57 : i32 to index
      %swap3A_119 = tpu.vector_load %arg11[%swap3A_118] {strides = array<i32>} : memref<4096xf32, #tpu.memory_space<vmem>>, vector<16xf32>,
      tpu.vector_store %arg11[%swap3A_118], %mul3A_117 {strides = array<i32>} : memref<4096xf32, #tpu.memory_space<vmem>>, vector<16xf32>,
      %mul3A_120 = arith.mulf %get3A_58, %get3A_58 : vector<16xf32>
      %mul3A_121 = arith.mulf %get3A_60, %get3A_60 : vector<16xf32>
      %add3A_122 = arith.addf %mul3A_120, %mul3A_121 : vector<16xf32>
      %mul3A_123 = arith.mulf %get3A_62, %get3A_62 : vector<16xf32>
      %add3A_124 = arith.addf %add3A_122, %mul3A_123 : vector<16xf32>
      %swap3A_125 = arith.index_cast %mul3A_57 : i32 to index
      %swap3A_126 = tpu.vector_load %arg12[%swap3A_125] {strides = array<i32>} : memref<4096xf32, #tpu.memory_space<vmem>>, vector<16xf32>,
      tpu.vector_store %arg12[%swap3A_125], %add3A_124 {strides = array<i32>} : memref<4096xf32, #tpu.memory_space<vmem>>, vector<16xf32>,
    }
    %scan3A_43 = arith.constant 256 : i32
    %iota3A = tpu.iota {dimensions = array<i32: 0>} : vector<16xi32>
    %scan3A_44 = arith.constant 0 : i32
    %scan3A_45 = arith.constant 0 : i32
    %scan3A_46 = arith.constant 32 : i32
    %scan3A_47 = arith.addi %scan3A_45, %scan3A_46 : i32
    %scan3A_48 = arith.constant 1 : i32
    scf.for %scan3A_55 = %scan3A_45 to %scan3A_47 step %scan3A_48  : i32 {
      %mul3A_56 = arith.constant 16 : i32
      %mul3A_57 = arith.muli %scan3A_55, %mul3A_56 : i32
      %add3A_58 = arith.addi %mul3A_32, %mul3A_57 : i32
      %get3A = arith.index_cast %add3A_58 : i32 to index
      %get3A_59 = tpu.vector_load %arg6[%get3A] {strides = array<i32>} : memref<4096xf32, #tpu.memory_space<vmem>>, vector<16xf32>,
      %get3A_60 = arith.index_cast %add3A_58 : i32 to index
      %get3A_61 = tpu.vector_load %arg7[%get3A_60] {strides = array<i32>} : memref<4096xf32, #tpu.memory_space<vmem>>, vector<16xf32>,
      %get3A_62 = arith.index_cast %add3A_58 : i32 to index
      %get3A_63 = tpu.vector_load %arg8[%get3A_62] {strides = array<i32>} : memref<4096xf32, #tpu.memory_space<vmem>>, vector<16xf32>,
      %bitcast3A = vector.bitcast %get3A_59 : vector<16xf32> to vector<16xi32>
      %add3A_64 = arith.constant 32767 : i32
      %add3A_65 = vector.broadcast %add3A_64 : i32 to vector<16xi32>
      %add3A_66 = arith.addi %bitcast3A, %add3A_65 : vector<16xi32>
      %shift_right_logical3A = arith.constant 16 : i32
      %shift_right_logical3A_67 = vector.broadcast %shift_right_logical3A : i32 to vector<16xi32>
      %shift_right_logical3A_68 = arith.shrui %bitcast3A, %shift_right_logical3A_67 : vector<16xi32>
      %and3A_69 = arith.constant 1 : i32
      %and3A_70 = vector.broadcast %and3A_69 : i32 to vector<16xi32>
      %and3A_71 = arith.andi %shift_right_logical3A_68, %and3A_70 : vector<16xi32>
      %add3A_72 = arith.addi %add3A_66, %and3A_71 : vector<16xi32>
      %and3A_73 = arith.constant -65536 : i32
      %and3A_74 = vector.broadcast %and3A_73 : i32 to vector<16xi32>
      %and3A_75 = arith.andi %add3A_72, %and3A_74 : vector<16xi32>
      %bitcast3A_76 = vector.bitcast %and3A_75 : vector<16xi32> to vector<16xf32>
      %bitcast3A_77 = vector.bitcast %get3A_61 : vector<16xf32> to vector<16xi32>
      %add3A_78 = arith.constant 32767 : i32
      %add3A_79 = vector.broadcast %add3A_78 : i32 to vector<16xi32>
      %add3A_80 = arith.addi %bitcast3A_77, %add3A_79 : vector<16xi32>
      %shift_right_logical3A_81 = arith.constant 16 : i32
      %shift_right_logical3A_82 = vector.broadcast %shift_right_logical3A_81 : i32 to vector<16xi32>
      %shift_right_logical3A_83 = arith.shrui %bitcast3A_77, %shift_right_logical3A_82 : vector<16xi32>
      %and3A_84 = arith.constant 1 : i32
      %and3A_85 = vector.broadcast %and3A_84 : i32 to vector<16xi32>
      %and3A_86 = arith.andi %shift_right_logical3A_83, %and3A_85 : vector<16xi32>
      %add3A_87 = arith.addi %add3A_80, %and3A_86 : vector<16xi32>
      %and3A_88 = arith.constant -65536 : i32
      %and3A_89 = vector.broadcast %and3A_88 : i32 to vector<16xi32>
      %and3A_90 = arith.andi %add3A_87, %and3A_89 : vector<16xi32>
      %bitcast3A_91 = vector.bitcast %and3A_90 : vector<16xi32> to vector<16xf32>
      %bitcast3A_92 = vector.bitcast %get3A_63 : vector<16xf32> to vector<16xi32>
      %add3A_93 = arith.constant 32767 : i32
      %add3A_94 = vector.broadcast %add3A_93 : i32 to vector<16xi32>
      %add3A_95 = arith.addi %bitcast3A_92, %add3A_94 : vector<16xi32>
      %shift_right_logical3A_96 = arith.constant 16 : i32
      %shift_right_logical3A_97 = vector.broadcast %shift_right_logical3A_96 : i32 to vector<16xi32>
      %shift_right_logical3A_98 = arith.shrui %bitcast3A_92, %shift_right_logical3A_97 : vector<16xi32>
      %and3A_99 = arith.constant 1 : i32
      %and3A_100 = vector.broadcast %and3A_99 : i32 to vector<16xi32>
      %and3A_101 = arith.andi %shift_right_logical3A_98, %and3A_100 : vector<16xi32>
      %add3A_102 = arith.addi %add3A_95, %and3A_101 : vector<16xi32>
      %and3A_103 = arith.constant -65536 : i32
      %and3A_104 = vector.broadcast %and3A_103 : i32 to vector<16xi32>
      %and3A_105 = arith.andi %add3A_102, %and3A_104 : vector<16xi32>
      %bitcast3A_106 = vector.bitcast %and3A_105 : vector<16xi32> to vector<16xf32>
      %mul3A_107 = arith.mulf %get3A_59, %get3A_59 : vector<16xf32>
      %mul3A_108 = arith.mulf %get3A_61, %get3A_61 : vector<16xf32>
      %add3A_109 = arith.addf %mul3A_107, %mul3A_108 : vector<16xf32>
      %mul3A_110 = arith.mulf %get3A_63, %get3A_63 : vector<16xf32>
      %add3A_111 = arith.addf %add3A_109, %mul3A_110 : vector<16xf32>
      %scan3A_112 = arith.constant 0 : i32
      %scan3A_113 = arith.constant 0 : i32
      %scan3A_114 = arith.constant 16 : i32
      %scan3A_115 = arith.addi %scan3A_113, %scan3A_114 : i32
      %scan3A_116 = arith.constant 1 : i32
      scf.for %scan3A_118 = %scan3A_113 to %scan3A_115 step %scan3A_116  : i32 {
        %broadcast_in_dim3A = vector.broadcast %scan3A_118 : i32 to vector<16xi32>
        %lt3A_119 = arith.constant 0 : i32
        %lt3A_120 = vector.broadcast %lt3A_119 : i32 to vector<16xi32>
        %lt3A_121 = arith.cmpi slt, %broadcast_in_dim3A, %lt3A_120 : vector<16xi32>
        %add3A_122 = arith.constant 16 : i32
        %add3A_123 = vector.broadcast %add3A_122 : i32 to vector<16xi32>
        %add3A_124 = arith.addi %broadcast_in_dim3A, %add3A_123 : vector<16xi32>
        %select_n3A_125 = arith.select %lt3A_121, %add3A_124, %broadcast_in_dim3A : vector<16xi1>, vector<16xi32>
        %broadcast_in_dim3A_126 = vector.shape_cast %select_n3A_125 : vector<16xi32> to vector<16x1xi32>
        %gather3A = vector.shape_cast %broadcast_in_dim3A_126 : vector<16x1xi32> to vector<16xi32>
        %gather3A_127 = tpu.dynamic_gather %bitcast3A_76[%gather3A] in [0] : vector<16xf32>, vector<16xi32> -> vector<16xf32>
        %broadcast_in_dim3A_128 = vector.broadcast %scan3A_118 : i32 to vector<16xi32>
        %lt3A_129 = arith.constant 0 : i32
        %lt3A_130 = vector.broadcast %lt3A_129 : i32 to vector<16xi32>
        %lt3A_131 = arith.cmpi slt, %broadcast_in_dim3A_128, %lt3A_130 : vector<16xi32>
        %add3A_132 = arith.constant 16 : i32
        %add3A_133 = vector.broadcast %add3A_132 : i32 to vector<16xi32>
        %add3A_134 = arith.addi %broadcast_in_dim3A_128, %add3A_133 : vector<16xi32>
        %select_n3A_135 = arith.select %lt3A_131, %add3A_134, %broadcast_in_dim3A_128 : vector<16xi1>, vector<16xi32>
        %broadcast_in_dim3A_136 = vector.shape_cast %select_n3A_135 : vector<16xi32> to vector<16x1xi32>
        %gather3A_137 = vector.shape_cast %broadcast_in_dim3A_136 : vector<16x1xi32> to vector<16xi32>
        %gather3A_138 = tpu.dynamic_gather %bitcast3A_91[%gather3A_137] in [0] : vector<16xf32>, vector<16xi32> -> vector<16xf32>
        %broadcast_in_dim3A_139 = vector.broadcast %scan3A_118 : i32 to vector<16xi32>
        %lt3A_140 = arith.constant 0 : i32
        %lt3A_141 = vector.broadcast %lt3A_140 : i32 to vector<16xi32>
        %lt3A_142 = arith.cmpi slt, %broadcast_in_dim3A_139, %lt3A_141 : vector<16xi32>
        %add3A_143 = arith.constant 16 : i32
        %add3A_144 = vector.broadcast %add3A_143 : i32 to vector<16xi32>
        %add3A_145 = arith.addi %broadcast_in_dim3A_139, %add3A_144 : vector<16xi32>
        %select_n3A_146 = arith.select %lt3A_142, %add3A_145, %broadcast_in_dim3A_139 : vector<16xi1>, vector<16xi32>
        %broadcast_in_dim3A_147 = vector.shape_cast %select_n3A_146 : vector<16xi32> to vector<16x1xi32>
        %gather3A_148 = vector.shape_cast %broadcast_in_dim3A_147 : vector<16x1xi32> to vector<16xi32>
        %gather3A_149 = tpu.dynamic_gather %bitcast3A_106[%gather3A_148] in [0] : vector<16xf32>, vector<16xi32> -> vector<16xf32>
        %broadcast_in_dim3A_150 = vector.broadcast %scan3A_118 : i32 to vector<16xi32>
        %lt3A_151 = arith.constant 0 : i32
        %lt3A_152 = vector.broadcast %lt3A_151 : i32 to vector<16xi32>
        %lt3A_153 = arith.cmpi slt, %broadcast_in_dim3A_150, %lt3A_152 : vector<16xi32>
        %add3A_154 = arith.constant 16 : i32
        %add3A_155 = vector.broadcast %add3A_154 : i32 to vector<16xi32>
        %add3A_156 = arith.addi %broadcast_in_dim3A_150, %add3A_155 : vector<16xi32>
        %select_n3A_157 = arith.select %lt3A_153, %add3A_156, %broadcast_in_dim3A_150 : vector<16xi1>, vector<16xi32>
        %broadcast_in_dim3A_158 = vector.shape_cast %select_n3A_157 : vector<16xi32> to vector<16x1xi32>
        %gather3A_159 = vector.shape_cast %broadcast_in_dim3A_158 : vector<16x1xi32> to vector<16xi32>
        %gather3A_160 = tpu.dynamic_gather %add3A_111[%gather3A_159] in [0] : vector<16xf32>, vector<16xi32> -> vector<16xf32>
        %broadcast_in_dim3A_161 = arith.constant 0.000000e+00 : f32
        %broadcast_in_dim3A_162 = vector.broadcast %broadcast_in_dim3A_161 : f32 to vector<16xf32>
        %broadcast_in_dim3A_163 = arith.constant 0 : i32
        %broadcast_in_dim3A_164 = vector.broadcast %broadcast_in_dim3A_163 : i32 to vector<16xi32>
        %lt3A_165 = arith.constant 0 : i32
        %lt3A_166 = vector.broadcast %lt3A_165 : i32 to vector<16xi32>
        %lt3A_167 = arith.cmpi slt, %iota3A, %lt3A_166 : vector<16xi32>
        %broadcast_in_dim3A_168 = arith.constant 0x7F800000 : f32
        %broadcast_in_dim3A_169 = vector.broadcast %broadcast_in_dim3A_168 : f32 to vector<16xf32>
        %broadcast_in_dim3A_170 = arith.constant 0x7F800000 : f32
        %broadcast_in_dim3A_171 = vector.broadcast %broadcast_in_dim3A_170 : f32 to vector<16xf32>
        %scan3A_172 = arith.constant 0 : i32
        %scan3A_173 = arith.constant 0 : i32
        %scan3A_174 = arith.constant 0 : i32
        %scan3A_175 = arith.constant 0 : i32
        %scan3A_176 = arith.constant 32 : i32
        %scan3A_177 = arith.addi %scan3A_175, %scan3A_176 : i32
        %scan3A_178 = arith.constant 1 : i32
        %scan3A_179:22 = scf.for %scan3A_654 = %scan3A_175 to %scan3A_177 step %scan3A_178 iter_args(%scan3A_655 = %broadcast_in_dim3A_169, %scan3A_656 = %iota3A, %scan3A_657 = %broadcast_in_dim3A_171, %scan3A_658 = %scan3A_172, %scan3A_659 = %scan3A_173, %scan3A_660 = %broadcast_in_dim3A_162, %scan3A_661 = %broadcast_in_dim3A_162, %scan3A_662 = %broadcast_in_dim3A_162, %scan3A_663 = %broadcast_in_dim3A_162, %scan3A_664 = %broadcast_in_dim3A_162, %scan3A_665 = %broadcast_in_dim3A_162, %scan3A_666 = %broadcast_in_dim3A_162, %scan3A_667 = %broadcast_in_dim3A_162, %scan3A_668 = %lt3A_167, %scan3A_669 = %lt3A_167, %scan3A_670 = %lt3A_167, %scan3A_671 = %lt3A_167, %scan3A_672 = %lt3A_167, %scan3A_673 = %lt3A_167, %scan3A_674 = %lt3A_167, %scan3A_675 = %lt3A_167, %scan3A_676 = %scan3A_174) -> (vector<16xf32>, vector<16xi32>, vector<16xf32>, i32, i32, vector<16xf32>, vector<16xf32>, vector<16xf32>, vector<16xf32>, vector<16xf32>, vector<16xf32>, vector<16xf32>, vector<16xf32>, vector<16xi1>, vector<16xi1>, vector<16xi1>, vector<16xi1>, vector<16xi1>, vector<16xi1>, vector<16xi1>, vector<16xi1>, i32)  : i32 {
          %mul3A_677 = arith.constant 128 : i32
          %mul3A_678 = arith.muli %scan3A_654, %mul3A_677 : i32
          %add3A_679 = arith.constant 0 : i32
          %add3A_680 = arith.addi %mul3A_678, %add3A_679 : i32
          %get3A_681 = arith.index_cast %add3A_680 : i32 to index
          %get3A_682 = tpu.vector_load %arg9[%get3A_681] {strides = array<i32>} : memref<4096xf32, #tpu.memory_space<vmem>>, vector<16xf32>,
          %mul3A_683 = arith.mulf %gather3A_127, %get3A_682 : vector<16xf32>
          %get3A_684 = arith.index_cast %add3A_680 : i32 to index
          %get3A_685 = tpu.vector_load %arg10[%get3A_684] {strides = array<i32>} : memref<4096xf32, #tpu.memory_space<vmem>>, vector<16xf32>,
          %mul3A_686 = arith.mulf %gather3A_138, %get3A_685 : vector<16xf32>
          %add3A_687 = arith.addf %mul3A_683, %mul3A_686 : vector<16xf32>
          %get3A_688 = arith.index_cast %add3A_680 : i32 to index
          %get3A_689 = tpu.vector_load %arg11[%get3A_688] {strides = array<i32>} : memref<4096xf32, #tpu.memory_space<vmem>>, vector<16xf32>,
          %mul3A_690 = arith.mulf %gather3A_149, %get3A_689 : vector<16xf32>
          %add3A_691 = arith.addf %add3A_687, %mul3A_690 : vector<16xf32>
          %add3A_692 = arith.addf %gather3A_160, %add3A_691 : vector<16xf32>
          %get3A_693 = arith.index_cast %add3A_680 : i32 to index
          %get3A_694 = tpu.vector_load %arg12[%get3A_693] {strides = array<i32>} : memref<4096xf32, #tpu.memory_space<vmem>>, vector<16xf32>,
          %add3A_695 = arith.addf %add3A_692, %get3A_694 : vector<16xf32>
          %gt3A_696 = arith.constant 5.000000e-01 : f32
          %gt3A_697 = vector.broadcast %gt3A_696 : f32 to vector<16xf32>
          %gt3A_698 = arith.cmpf ogt, %add3A_695, %gt3A_697 : vector<16xf32>
          %jit3A_699 = arith.constant 0x7F800000 : f32
          %broadcast_in_dim3A_700 = vector.broadcast %jit3A_699 : f32 to vector<16xf32>
          %select_n3A_701 = arith.select %gt3A_698, %broadcast_in_dim3A_700, %add3A_695 : vector<16xi1>, vector<16xf32>
          %lt3A_702 = arith.cmpf olt, %select_n3A_701, %scan3A_657 : vector<16xf32>
          %add3A_703 = arith.constant 16 : i32
          %add3A_704 = arith.addi %mul3A_678, %add3A_703 : i32
          %get3A_705 = arith.index_cast %add3A_704 : i32 to index
          %get3A_706 = tpu.vector_load %arg9[%get3A_705] {strides = array<i32>} : memref<4096xf32, #tpu.memory_space<vmem>>, vector<16xf32>,
          %mul3A_707 = arith.mulf %gather3A_127, %get3A_706 : vector<16xf32>
          %get3A_708 = arith.index_cast %add3A_704 : i32 to index
          %get3A_709 = tpu.vector_load %arg10[%get3A_708] {strides = array<i32>} : memref<4096xf32, #tpu.memory_space<vmem>>, vector<16xf32>,
          %mul3A_710 = arith.mulf %gather3A_138, %get3A_709 : vector<16xf32>
          %add3A_711 = arith.addf %mul3A_707, %mul3A_710 : vector<16xf32>
          %get3A_712 = arith.index_cast %add3A_704 : i32 to index
          %get3A_713 = tpu.vector_load %arg11[%get3A_712] {strides = array<i32>} : memref<4096xf32, #tpu.memory_space<vmem>>, vector<16xf32>,
          %mul3A_714 = arith.mulf %gather3A_149, %get3A_713 : vector<16xf32>
          %add3A_715 = arith.addf %add3A_711, %mul3A_714 : vector<16xf32>
          %add3A_716 = arith.addf %gather3A_160, %add3A_715 : vector<16xf32>
          %get3A_717 = arith.index_cast %add3A_704 : i32 to index
          %get3A_718 = tpu.vector_load %arg12[%get3A_717] {strides = array<i32>} : memref<4096xf32, #tpu.memory_space<vmem>>, vector<16xf32>,
          %add3A_719 = arith.addf %add3A_716, %get3A_718 : vector<16xf32>
          %gt3A_720 = arith.constant 5.000000e-01 : f32
          %gt3A_721 = vector.broadcast %gt3A_720 : f32 to vector<16xf32>
          %gt3A_722 = arith.cmpf ogt, %add3A_719, %gt3A_721 : vector<16xf32>
          %jit3A_723 = arith.constant 0x7F800000 : f32
          %broadcast_in_dim3A_724 = vector.broadcast %jit3A_723 : f32 to vector<16xf32>
          %select_n3A_725 = arith.select %gt3A_722, %broadcast_in_dim3A_724, %add3A_719 : vector<16xi1>, vector<16xf32>
          %lt3A_726 = arith.cmpf olt, %select_n3A_725, %scan3A_657 : vector<16xf32>
          %or3A = arith.ori %lt3A_702, %lt3A_726 : vector<16xi1>
          %add3A_727 = arith.constant 32 : i32
          %add3A_728 = arith.addi %mul3A_678, %add3A_727 : i32
          %get3A_729 = arith.index_cast %add3A_728 : i32 to index
          %get3A_730 = tpu.vector_load %arg9[%get3A_729] {strides = array<i32>} : memref<4096xf32, #tpu.memory_space<vmem>>, vector<16xf32>,
          %mul3A_731 = arith.mulf %gather3A_127, %get3A_730 : vector<16xf32>
          %get3A_732 = arith.index_cast %add3A_728 : i32 to index
          %get3A_733 = tpu.vector_load %arg10[%get3A_732] {strides = array<i32>} : memref<4096xf32, #tpu.memory_space<vmem>>, vector<16xf32>,
          %mul3A_734 = arith.mulf %gather3A_138, %get3A_733 : vector<16xf32>
          %add3A_735 = arith.addf %mul3A_731, %mul3A_734 : vector<16xf32>
          %get3A_736 = arith.index_cast %add3A_728 : i32 to index
          %get3A_737 = tpu.vector_load %arg11[%get3A_736] {strides = array<i32>} : memref<4096xf32, #tpu.memory_space<vmem>>, vector<16xf32>,
          %mul3A_738 = arith.mulf %gather3A_149, %get3A_737 : vector<16xf32>
          %add3A_739 = arith.addf %add3A_735, %mul3A_738 : vector<16xf32>
          %add3A_740 = arith.addf %gather3A_160, %add3A_739 : vector<16xf32>
          %get3A_741 = arith.index_cast %add3A_728 : i32 to index
          %get3A_742 = tpu.vector_load %arg12[%get3A_741] {strides = array<i32>} : memref<4096xf32, #tpu.memory_space<vmem>>, vector<16xf32>,
          %add3A_743 = arith.addf %add3A_740, %get3A_742 : vector<16xf32>
          %gt3A_744 = arith.constant 5.000000e-01 : f32
          %gt3A_745 = vector.broadcast %gt3A_744 : f32 to vector<16xf32>
          %gt3A_746 = arith.cmpf ogt, %add3A_743, %gt3A_745 : vector<16xf32>
          %jit3A_747 = arith.constant 0x7F800000 : f32
          %broadcast_in_dim3A_748 = vector.broadcast %jit3A_747 : f32 to vector<16xf32>
          %select_n3A_749 = arith.select %gt3A_746, %broadcast_in_dim3A_748, %add3A_743 : vector<16xi1>, vector<16xf32>
          %lt3A_750 = arith.cmpf olt, %select_n3A_749, %scan3A_657 : vector<16xf32>
          %or3A_751 = arith.ori %or3A, %lt3A_750 : vector<16xi1>
          %add3A_752 = arith.constant 48 : i32
          %add3A_753 = arith.addi %mul3A_678, %add3A_752 : i32
          %get3A_754 = arith.index_cast %add3A_753 : i32 to index
          %get3A_755 = tpu.vector_load %arg9[%get3A_754] {strides = array<i32>} : memref<4096xf32, #tpu.memory_space<vmem>>, vector<16xf32>,
          %mul3A_756 = arith.mulf %gather3A_127, %get3A_755 : vector<16xf32>
          %get3A_757 = arith.index_cast %add3A_753 : i32 to index
          %get3A_758 = tpu.vector_load %arg10[%get3A_757] {strides = array<i32>} : memref<4096xf32, #tpu.memory_space<vmem>>, vector<16xf32>,
          %mul3A_759 = arith.mulf %gather3A_138, %get3A_758 : vector<16xf32>
          %add3A_760 = arith.addf %mul3A_756, %mul3A_759 : vector<16xf32>
          %get3A_761 = arith.index_cast %add3A_753 : i32 to index
          %get3A_762 = tpu.vector_load %arg11[%get3A_761] {strides = array<i32>} : memref<4096xf32, #tpu.memory_space<vmem>>, vector<16xf32>,
          %mul3A_763 = arith.mulf %gather3A_149, %get3A_762 : vector<16xf32>
          %add3A_764 = arith.addf %add3A_760, %mul3A_763 : vector<16xf32>
          %add3A_765 = arith.addf %gather3A_160, %add3A_764 : vector<16xf32>
          %get3A_766 = arith.index_cast %add3A_753 : i32 to index
          %get3A_767 = tpu.vector_load %arg12[%get3A_766] {strides = array<i32>} : memref<4096xf32, #tpu.memory_space<vmem>>, vector<16xf32>,
          %add3A_768 = arith.addf %add3A_765, %get3A_767 : vector<16xf32>
          %gt3A_769 = arith.constant 5.000000e-01 : f32
          %gt3A_770 = vector.broadcast %gt3A_769 : f32 to vector<16xf32>
          %gt3A_771 = arith.cmpf ogt, %add3A_768, %gt3A_770 : vector<16xf32>
          %jit3A_772 = arith.constant 0x7F800000 : f32
          %broadcast_in_dim3A_773 = vector.broadcast %jit3A_772 : f32 to vector<16xf32>
          %select_n3A_774 = arith.select %gt3A_771, %broadcast_in_dim3A_773, %add3A_768 : vector<16xi1>, vector<16xf32>
          %lt3A_775 = arith.cmpf olt, %select_n3A_774, %scan3A_657 : vector<16xf32>
          %or3A_776 = arith.ori %or3A_751, %lt3A_775 : vector<16xi1>
          %add3A_777 = arith.constant 64 : i32
          %add3A_778 = arith.addi %mul3A_678, %add3A_777 : i32
          %get3A_779 = arith.index_cast %add3A_778 : i32 to index
          %get3A_780 = tpu.vector_load %arg9[%get3A_779] {strides = array<i32>} : memref<4096xf32, #tpu.memory_space<vmem>>, vector<16xf32>,
          %mul3A_781 = arith.mulf %gather3A_127, %get3A_780 : vector<16xf32>
          %get3A_782 = arith.index_cast %add3A_778 : i32 to index
          %get3A_783 = tpu.vector_load %arg10[%get3A_782] {strides = array<i32>} : memref<4096xf32, #tpu.memory_space<vmem>>, vector<16xf32>,
          %mul3A_784 = arith.mulf %gather3A_138, %get3A_783 : vector<16xf32>
          %add3A_785 = arith.addf %mul3A_781, %mul3A_784 : vector<16xf32>
          %get3A_786 = arith.index_cast %add3A_778 : i32 to index
          %get3A_787 = tpu.vector_load %arg11[%get3A_786] {strides = array<i32>} : memref<4096xf32, #tpu.memory_space<vmem>>, vector<16xf32>,
          %mul3A_788 = arith.mulf %gather3A_149, %get3A_787 : vector<16xf32>
          %add3A_789 = arith.addf %add3A_785, %mul3A_788 : vector<16xf32>
          %add3A_790 = arith.addf %gather3A_160, %add3A_789 : vector<16xf32>
          %get3A_791 = arith.index_cast %add3A_778 : i32 to index
          %get3A_792 = tpu.vector_load %arg12[%get3A_791] {strides = array<i32>} : memref<4096xf32, #tpu.memory_space<vmem>>, vector<16xf32>,
          %add3A_793 = arith.addf %add3A_790, %get3A_792 : vector<16xf32>
          %gt3A_794 = arith.constant 5.000000e-01 : f32
          %gt3A_795 = vector.broadcast %gt3A_794 : f32 to vector<16xf32>
          %gt3A_796 = arith.cmpf ogt, %add3A_793, %gt3A_795 : vector<16xf32>
          %jit3A_797 = arith.constant 0x7F800000 : f32
          %broadcast_in_dim3A_798 = vector.broadcast %jit3A_797 : f32 to vector<16xf32>
          %select_n3A_799 = arith.select %gt3A_796, %broadcast_in_dim3A_798, %add3A_793 : vector<16xi1>, vector<16xf32>
          %lt3A_800 = arith.cmpf olt, %select_n3A_799, %scan3A_657 : vector<16xf32>
          %or3A_801 = arith.ori %or3A_776, %lt3A_800 : vector<16xi1>
          %add3A_802 = arith.constant 80 : i32
          %add3A_803 = arith.addi %mul3A_678, %add3A_802 : i32
          %get3A_804 = arith.index_cast %add3A_803 : i32 to index
          %get3A_805 = tpu.vector_load %arg9[%get3A_804] {strides = array<i32>} : memref<4096xf32, #tpu.memory_space<vmem>>, vector<16xf32>,
          %mul3A_806 = arith.mulf %gather3A_127, %get3A_805 : vector<16xf32>
          %get3A_807 = arith.index_cast %add3A_803 : i32 to index
          %get3A_808 = tpu.vector_load %arg10[%get3A_807] {strides = array<i32>} : memref<4096xf32, #tpu.memory_space<vmem>>, vector<16xf32>,
          %mul3A_809 = arith.mulf %gather3A_138, %get3A_808 : vector<16xf32>
          %add3A_810 = arith.addf %mul3A_806, %mul3A_809 : vector<16xf32>
          %get3A_811 = arith.index_cast %add3A_803 : i32 to index
          %get3A_812 = tpu.vector_load %arg11[%get3A_811] {strides = array<i32>} : memref<4096xf32, #tpu.memory_space<vmem>>, vector<16xf32>,
          %mul3A_813 = arith.mulf %gather3A_149, %get3A_812 : vector<16xf32>
          %add3A_814 = arith.addf %add3A_810, %mul3A_813 : vector<16xf32>
          %add3A_815 = arith.addf %gather3A_160, %add3A_814 : vector<16xf32>
          %get3A_816 = arith.index_cast %add3A_803 : i32 to index
          %get3A_817 = tpu.vector_load %arg12[%get3A_816] {strides = array<i32>} : memref<4096xf32, #tpu.memory_space<vmem>>, vector<16xf32>,
          %add3A_818 = arith.addf %add3A_815, %get3A_817 : vector<16xf32>
          %gt3A_819 = arith.constant 5.000000e-01 : f32
          %gt3A_820 = vector.broadcast %gt3A_819 : f32 to vector<16xf32>
          %gt3A_821 = arith.cmpf ogt, %add3A_818, %gt3A_820 : vector<16xf32>
          %jit3A_822 = arith.constant 0x7F800000 : f32
          %broadcast_in_dim3A_823 = vector.broadcast %jit3A_822 : f32 to vector<16xf32>
          %select_n3A_824 = arith.select %gt3A_821, %broadcast_in_dim3A_823, %add3A_818 : vector<16xi1>, vector<16xf32>
          %lt3A_825 = arith.cmpf olt, %select_n3A_824, %scan3A_657 : vector<16xf32>
          %or3A_826 = arith.ori %or3A_801, %lt3A_825 : vector<16xi1>
          %add3A_827 = arith.constant 96 : i32
          %add3A_828 = arith.addi %mul3A_678, %add3A_827 : i32
          %get3A_829 = arith.index_cast %add3A_828 : i32 to index
          %get3A_830 = tpu.vector_load %arg9[%get3A_829] {strides = array<i32>} : memref<4096xf32, #tpu.memory_space<vmem>>, vector<16xf32>,
          %mul3A_831 = arith.mulf %gather3A_127, %get3A_830 : vector<16xf32>
          %get3A_832 = arith.index_cast %add3A_828 : i32 to index
          %get3A_833 = tpu.vector_load %arg10[%get3A_832] {strides = array<i32>} : memref<4096xf32, #tpu.memory_space<vmem>>, vector<16xf32>,
          %mul3A_834 = arith.mulf %gather3A_138, %get3A_833 : vector<16xf32>
          %add3A_835 = arith.addf %mul3A_831, %mul3A_834 : vector<16xf32>
          %get3A_836 = arith.index_cast %add3A_828 : i32 to index
          %get3A_837 = tpu.vector_load %arg11[%get3A_836] {strides = array<i32>} : memref<4096xf32, #tpu.memory_space<vmem>>, vector<16xf32>,
          %mul3A_838 = arith.mulf %gather3A_149, %get3A_837 : vector<16xf32>
          %add3A_839 = arith.addf %add3A_835, %mul3A_838 : vector<16xf32>
          %add3A_840 = arith.addf %gather3A_160, %add3A_839 : vector<16xf32>
          %get3A_841 = arith.index_cast %add3A_828 : i32 to index
          %get3A_842 = tpu.vector_load %arg12[%get3A_841] {strides = array<i32>} : memref<4096xf32, #tpu.memory_space<vmem>>, vector<16xf32>,
          %add3A_843 = arith.addf %add3A_840, %get3A_842 : vector<16xf32>
          %gt3A_844 = arith.constant 5.000000e-01 : f32
          %gt3A_845 = vector.broadcast %gt3A_844 : f32 to vector<16xf32>
          %gt3A_846 = arith.cmpf ogt, %add3A_843, %gt3A_845 : vector<16xf32>
          %jit3A_847 = arith.constant 0x7F800000 : f32
          %broadcast_in_dim3A_848 = vector.broadcast %jit3A_847 : f32 to vector<16xf32>
          %select_n3A_849 = arith.select %gt3A_846, %broadcast_in_dim3A_848, %add3A_843 : vector<16xi1>, vector<16xf32>
          %lt3A_850 = arith.cmpf olt, %select_n3A_849, %scan3A_657 : vector<16xf32>
          %or3A_851 = arith.ori %or3A_826, %lt3A_850 : vector<16xi1>
          %add3A_852 = arith.constant 112 : i32
          %add3A_853 = arith.addi %mul3A_678, %add3A_852 : i32
          %get3A_854 = arith.index_cast %add3A_853 : i32 to index
          %get3A_855 = tpu.vector_load %arg9[%get3A_854] {strides = array<i32>} : memref<4096xf32, #tpu.memory_space<vmem>>, vector<16xf32>,
          %mul3A_856 = arith.mulf %gather3A_127, %get3A_855 : vector<16xf32>
          %get3A_857 = arith.index_cast %add3A_853 : i32 to index
          %get3A_858 = tpu.vector_load %arg10[%get3A_857] {strides = array<i32>} : memref<4096xf32, #tpu.memory_space<vmem>>, vector<16xf32>,
          %mul3A_859 = arith.mulf %gather3A_138, %get3A_858 : vector<16xf32>
          %add3A_860 = arith.addf %mul3A_856, %mul3A_859 : vector<16xf32>
          %get3A_861 = arith.index_cast %add3A_853 : i32 to index
          %get3A_862 = tpu.vector_load %arg11[%get3A_861] {strides = array<i32>} : memref<4096xf32, #tpu.memory_space<vmem>>, vector<16xf32>,
          %mul3A_863 = arith.mulf %gather3A_149, %get3A_862 : vector<16xf32>
          %add3A_864 = arith.addf %add3A_860, %mul3A_863 : vector<16xf32>
          %add3A_865 = arith.addf %gather3A_160, %add3A_864 : vector<16xf32>
          %get3A_866 = arith.index_cast %add3A_853 : i32 to index
          %get3A_867 = tpu.vector_load %arg12[%get3A_866] {strides = array<i32>} : memref<4096xf32, #tpu.memory_space<vmem>>, vector<16xf32>,
          %add3A_868 = arith.addf %add3A_865, %get3A_867 : vector<16xf32>
          %gt3A_869 = arith.constant 5.000000e-01 : f32
          %gt3A_870 = vector.broadcast %gt3A_869 : f32 to vector<16xf32>
          %gt3A_871 = arith.cmpf ogt, %add3A_868, %gt3A_870 : vector<16xf32>
          %jit3A_872 = arith.constant 0x7F800000 : f32
          %broadcast_in_dim3A_873 = vector.broadcast %jit3A_872 : f32 to vector<16xf32>
          %select_n3A_874 = arith.select %gt3A_871, %broadcast_in_dim3A_873, %add3A_868 : vector<16xi1>, vector<16xf32>
          %lt3A_875 = arith.cmpf olt, %select_n3A_874, %scan3A_657 : vector<16xf32>
          %or3A_876 = arith.ori %or3A_851, %lt3A_875 : vector<16xi1>
          %all_reduce_population_count3A = tpu.all_reduce %or3A_876 {dim = 0 : i64, kind = #tpu.reduction_kind<sum>} : vector<16xi1> -> vector<16xi32>
          %slice3A = vector.extract_strided_slice %all_reduce_population_count3A {offsets = [0], sizes = [1], strides = [1]} : vector<16xi32> to vector<1xi32>
          %squeeze3A = vector.extract %slice3A[0] : i32 from vector<1xi32>
          %gt3A_877 = arith.constant 0 : i32
          %gt3A_878 = arith.cmpi sgt, %scan3A_659, %gt3A_877 : i32
          %convert_element_type3A_879 = arith.extui %gt3A_878 : i1 to i32
          %cond3A_880 = arith.constant 0 : i32
          %cond3A_881 = arith.cmpi ne, %convert_element_type3A_879, %cond3A_880 : i32
          %cond3A_882:4 = scf.if %cond3A_881 -> (vector<16xf32>, vector<16xi32>, vector<16xf32>, i32) {
            %all_reduce_population_count3A_883 = tpu.all_reduce %scan3A_668 {dim = 0 : i64, kind = #tpu.reduction_kind<sum>} : vector<16xi1> -> vector<16xi32>
            %slice3A_884 = vector.extract_strided_slice %all_reduce_population_count3A_883 {offsets = [0], sizes = [1], strides = [1]} : vector<16xi32> to vector<1xi32>
            %squeeze3A_885 = vector.extract %slice3A_884[0] : i32 from vector<1xi32>
            %swap3A_886 = arith.index_cast %scan3A_658 : i32 to index
            %swap3A_887 = tpu.vector_load %arg13[%swap3A_886] masked %scan3A_668 {strides = array<i32>} : memref<224xf32, #tpu.memory_space<vmem>>, vector<16xf32>, vector<16xi1>
            tpu.vector_store %arg13[%swap3A_886], %scan3A_660 masked %scan3A_668 {strides = array<i32>} : memref<224xf32, #tpu.memory_space<vmem>>, vector<16xf32>, vector<16xi1>
            %add3A_888 = arith.constant 0 : i32
            %add3A_889 = arith.addi %scan3A_676, %add3A_888 : i32
            %add3A_890 = vector.broadcast %add3A_889 : i32 to vector<16xi32>
            %add3A_891 = arith.addi %iota3A, %add3A_890 : vector<16xi32>
            %swap3A_892 = arith.index_cast %scan3A_658 : i32 to index
            %swap3A_893 = tpu.vector_load %arg14[%swap3A_892] masked %scan3A_668 {strides = array<i32>} : memref<224xi32, #tpu.memory_space<vmem>>, vector<16xi32>, vector<16xi1>
            tpu.vector_store %arg14[%swap3A_892], %add3A_891 masked %scan3A_668 {strides = array<i32>} : memref<224xi32, #tpu.memory_space<vmem>>, vector<16xi32>, vector<16xi1>
            %add3A_894 = arith.addi %scan3A_658, %squeeze3A_885 : i32
            %all_reduce_population_count3A_895 = tpu.all_reduce %scan3A_669 {dim = 0 : i64, kind = #tpu.reduction_kind<sum>} : vector<16xi1> -> vector<16xi32>
            %slice3A_896 = vector.extract_strided_slice %all_reduce_population_count3A_895 {offsets = [0], sizes = [1], strides = [1]} : vector<16xi32> to vector<1xi32>
            %squeeze3A_897 = vector.extract %slice3A_896[0] : i32 from vector<1xi32>
            %swap3A_898 = arith.index_cast %add3A_894 : i32 to index
            %swap3A_899 = tpu.vector_load %arg13[%swap3A_898] masked %scan3A_669 {strides = array<i32>} : memref<224xf32, #tpu.memory_space<vmem>>, vector<16xf32>, vector<16xi1>
            tpu.vector_store %arg13[%swap3A_898], %scan3A_661 masked %scan3A_669 {strides = array<i32>} : memref<224xf32, #tpu.memory_space<vmem>>, vector<16xf32>, vector<16xi1>
            %add3A_900 = arith.constant 16 : i32
            %add3A_901 = arith.addi %scan3A_676, %add3A_900 : i32
            %add3A_902 = vector.broadcast %add3A_901 : i32 to vector<16xi32>
            %add3A_903 = arith.addi %iota3A, %add3A_902 : vector<16xi32>
            %swap3A_904 = arith.index_cast %add3A_894 : i32 to index
            %swap3A_905 = tpu.vector_load %arg14[%swap3A_904] masked %scan3A_669 {strides = array<i32>} : memref<224xi32, #tpu.memory_space<vmem>>, vector<16xi32>, vector<16xi1>
            tpu.vector_store %arg14[%swap3A_904], %add3A_903 masked %scan3A_669 {strides = array<i32>} : memref<224xi32, #tpu.memory_space<vmem>>, vector<16xi32>, vector<16xi1>
            %add3A_906 = arith.addi %add3A_894, %squeeze3A_897 : i32
            %all_reduce_population_count3A_907 = tpu.all_reduce %scan3A_670 {dim = 0 : i64, kind = #tpu.reduction_kind<sum>} : vector<16xi1> -> vector<16xi32>
            %slice3A_908 = vector.extract_strided_slice %all_reduce_population_count3A_907 {offsets = [0], sizes = [1], strides = [1]} : vector<16xi32> to vector<1xi32>
            %squeeze3A_909 = vector.extract %slice3A_908[0] : i32 from vector<1xi32>
            %swap3A_910 = arith.index_cast %add3A_906 : i32 to index
            %swap3A_911 = tpu.vector_load %arg13[%swap3A_910] masked %scan3A_670 {strides = array<i32>} : memref<224xf32, #tpu.memory_space<vmem>>, vector<16xf32>, vector<16xi1>
            tpu.vector_store %arg13[%swap3A_910], %scan3A_662 masked %scan3A_670 {strides = array<i32>} : memref<224xf32, #tpu.memory_space<vmem>>, vector<16xf32>, vector<16xi1>
            %add3A_912 = arith.constant 32 : i32
            %add3A_913 = arith.addi %scan3A_676, %add3A_912 : i32
            %add3A_914 = vector.broadcast %add3A_913 : i32 to vector<16xi32>
            %add3A_915 = arith.addi %iota3A, %add3A_914 : vector<16xi32>
            %swap3A_916 = arith.index_cast %add3A_906 : i32 to index
            %swap3A_917 = tpu.vector_load %arg14[%swap3A_916] masked %scan3A_670 {strides = array<i32>} : memref<224xi32, #tpu.memory_space<vmem>>, vector<16xi32>, vector<16xi1>
            tpu.vector_store %arg14[%swap3A_916], %add3A_915 masked %scan3A_670 {strides = array<i32>} : memref<224xi32, #tpu.memory_space<vmem>>, vector<16xi32>, vector<16xi1>
            %add3A_918 = arith.addi %add3A_906, %squeeze3A_909 : i32
            %all_reduce_population_count3A_919 = tpu.all_reduce %scan3A_671 {dim = 0 : i64, kind = #tpu.reduction_kind<sum>} : vector<16xi1> -> vector<16xi32>
            %slice3A_920 = vector.extract_strided_slice %all_reduce_population_count3A_919 {offsets = [0], sizes = [1], strides = [1]} : vector<16xi32> to vector<1xi32>
            %squeeze3A_921 = vector.extract %slice3A_920[0] : i32 from vector<1xi32>
            %swap3A_922 = arith.index_cast %add3A_918 : i32 to index
            %swap3A_923 = tpu.vector_load %arg13[%swap3A_922] masked %scan3A_671 {strides = array<i32>} : memref<224xf32, #tpu.memory_space<vmem>>, vector<16xf32>, vector<16xi1>
            tpu.vector_store %arg13[%swap3A_922], %scan3A_663 masked %scan3A_671 {strides = array<i32>} : memref<224xf32, #tpu.memory_space<vmem>>, vector<16xf32>, vector<16xi1>
            %add3A_924 = arith.constant 48 : i32
            %add3A_925 = arith.addi %scan3A_676, %add3A_924 : i32
            %add3A_926 = vector.broadcast %add3A_925 : i32 to vector<16xi32>
            %add3A_927 = arith.addi %iota3A, %add3A_926 : vector<16xi32>
            %swap3A_928 = arith.index_cast %add3A_918 : i32 to index
            %swap3A_929 = tpu.vector_load %arg14[%swap3A_928] masked %scan3A_671 {strides = array<i32>} : memref<224xi32, #tpu.memory_space<vmem>>, vector<16xi32>, vector<16xi1>
            tpu.vector_store %arg14[%swap3A_928], %add3A_927 masked %scan3A_671 {strides = array<i32>} : memref<224xi32, #tpu.memory_space<vmem>>, vector<16xi32>, vector<16xi1>
            %add3A_930 = arith.addi %add3A_918, %squeeze3A_921 : i32
            %all_reduce_population_count3A_931 = tpu.all_reduce %scan3A_672 {dim = 0 : i64, kind = #tpu.reduction_kind<sum>} : vector<16xi1> -> vector<16xi32>
            %slice3A_932 = vector.extract_strided_slice %all_reduce_population_count3A_931 {offsets = [0], sizes = [1], strides = [1]} : vector<16xi32> to vector<1xi32>
            %squeeze3A_933 = vector.extract %slice3A_932[0] : i32 from vector<1xi32>
            %swap3A_934 = arith.index_cast %add3A_930 : i32 to index
            %swap3A_935 = tpu.vector_load %arg13[%swap3A_934] masked %scan3A_672 {strides = array<i32>} : memref<224xf32, #tpu.memory_space<vmem>>, vector<16xf32>, vector<16xi1>
            tpu.vector_store %arg13[%swap3A_934], %scan3A_664 masked %scan3A_672 {strides = array<i32>} : memref<224xf32, #tpu.memory_space<vmem>>, vector<16xf32>, vector<16xi1>
            %add3A_936 = arith.constant 64 : i32
            %add3A_937 = arith.addi %scan3A_676, %add3A_936 : i32
            %add3A_938 = vector.broadcast %add3A_937 : i32 to vector<16xi32>
            %add3A_939 = arith.addi %iota3A, %add3A_938 : vector<16xi32>
            %swap3A_940 = arith.index_cast %add3A_930 : i32 to index
            %swap3A_941 = tpu.vector_load %arg14[%swap3A_940] masked %scan3A_672 {strides = array<i32>} : memref<224xi32, #tpu.memory_space<vmem>>, vector<16xi32>, vector<16xi1>
            tpu.vector_store %arg14[%swap3A_940], %add3A_939 masked %scan3A_672 {strides = array<i32>} : memref<224xi32, #tpu.memory_space<vmem>>, vector<16xi32>, vector<16xi1>
            %add3A_942 = arith.addi %add3A_930, %squeeze3A_933 : i32
            %all_reduce_population_count3A_943 = tpu.all_reduce %scan3A_673 {dim = 0 : i64, kind = #tpu.reduction_kind<sum>} : vector<16xi1> -> vector<16xi32>
            %slice3A_944 = vector.extract_strided_slice %all_reduce_population_count3A_943 {offsets = [0], sizes = [1], strides = [1]} : vector<16xi32> to vector<1xi32>
            %squeeze3A_945 = vector.extract %slice3A_944[0] : i32 from vector<1xi32>
            %swap3A_946 = arith.index_cast %add3A_942 : i32 to index
            %swap3A_947 = tpu.vector_load %arg13[%swap3A_946] masked %scan3A_673 {strides = array<i32>} : memref<224xf32, #tpu.memory_space<vmem>>, vector<16xf32>, vector<16xi1>
            tpu.vector_store %arg13[%swap3A_946], %scan3A_665 masked %scan3A_673 {strides = array<i32>} : memref<224xf32, #tpu.memory_space<vmem>>, vector<16xf32>, vector<16xi1>
            %add3A_948 = arith.constant 80 : i32
            %add3A_949 = arith.addi %scan3A_676, %add3A_948 : i32
            %add3A_950 = vector.broadcast %add3A_949 : i32 to vector<16xi32>
            %add3A_951 = arith.addi %iota3A, %add3A_950 : vector<16xi32>
            %swap3A_952 = arith.index_cast %add3A_942 : i32 to index
            %swap3A_953 = tpu.vector_load %arg14[%swap3A_952] masked %scan3A_673 {strides = array<i32>} : memref<224xi32, #tpu.memory_space<vmem>>, vector<16xi32>, vector<16xi1>
            tpu.vector_store %arg14[%swap3A_952], %add3A_951 masked %scan3A_673 {strides = array<i32>} : memref<224xi32, #tpu.memory_space<vmem>>, vector<16xi32>, vector<16xi1>
            %add3A_954 = arith.addi %add3A_942, %squeeze3A_945 : i32
            %all_reduce_population_count3A_955 = tpu.all_reduce %scan3A_674 {dim = 0 : i64, kind = #tpu.reduction_kind<sum>} : vector<16xi1> -> vector<16xi32>
            %slice3A_956 = vector.extract_strided_slice %all_reduce_population_count3A_955 {offsets = [0], sizes = [1], strides = [1]} : vector<16xi32> to vector<1xi32>
            %squeeze3A_957 = vector.extract %slice3A_956[0] : i32 from vector<1xi32>
            %swap3A_958 = arith.index_cast %add3A_954 : i32 to index
            %swap3A_959 = tpu.vector_load %arg13[%swap3A_958] masked %scan3A_674 {strides = array<i32>} : memref<224xf32, #tpu.memory_space<vmem>>, vector<16xf32>, vector<16xi1>
            tpu.vector_store %arg13[%swap3A_958], %scan3A_666 masked %scan3A_674 {strides = array<i32>} : memref<224xf32, #tpu.memory_space<vmem>>, vector<16xf32>, vector<16xi1>
            %add3A_960 = arith.constant 96 : i32
            %add3A_961 = arith.addi %scan3A_676, %add3A_960 : i32
            %add3A_962 = vector.broadcast %add3A_961 : i32 to vector<16xi32>
            %add3A_963 = arith.addi %iota3A, %add3A_962 : vector<16xi32>
            %swap3A_964 = arith.index_cast %add3A_954 : i32 to index
            %swap3A_965 = tpu.vector_load %arg14[%swap3A_964] masked %scan3A_674 {strides = array<i32>} : memref<224xi32, #tpu.memory_space<vmem>>, vector<16xi32>, vector<16xi1>
            tpu.vector_store %arg14[%swap3A_964], %add3A_963 masked %scan3A_674 {strides = array<i32>} : memref<224xi32, #tpu.memory_space<vmem>>, vector<16xi32>, vector<16xi1>
            %add3A_966 = arith.addi %add3A_954, %squeeze3A_957 : i32
            %all_reduce_population_count3A_967 = tpu.all_reduce %scan3A_675 {dim = 0 : i64, kind = #tpu.reduction_kind<sum>} : vector<16xi1> -> vector<16xi32>
            %slice3A_968 = vector.extract_strided_slice %all_reduce_population_count3A_967 {offsets = [0], sizes = [1], strides = [1]} : vector<16xi32> to vector<1xi32>
            %squeeze3A_969 = vector.extract %slice3A_968[0] : i32 from vector<1xi32>
            %swap3A_970 = arith.index_cast %add3A_966 : i32 to index
            %swap3A_971 = tpu.vector_load %arg13[%swap3A_970] masked %scan3A_675 {strides = array<i32>} : memref<224xf32, #tpu.memory_space<vmem>>, vector<16xf32>, vector<16xi1>
            tpu.vector_store %arg13[%swap3A_970], %scan3A_667 masked %scan3A_675 {strides = array<i32>} : memref<224xf32, #tpu.memory_space<vmem>>, vector<16xf32>, vector<16xi1>
            %add3A_972 = arith.constant 112 : i32
            %add3A_973 = arith.addi %scan3A_676, %add3A_972 : i32
            %add3A_974 = vector.broadcast %add3A_973 : i32 to vector<16xi32>
            %add3A_975 = arith.addi %iota3A, %add3A_974 : vector<16xi32>
            %swap3A_976 = arith.index_cast %add3A_966 : i32 to index
            %swap3A_977 = tpu.vector_load %arg14[%swap3A_976] masked %scan3A_675 {strides = array<i32>} : memref<224xi32, #tpu.memory_space<vmem>>, vector<16xi32>, vector<16xi1>
            tpu.vector_store %arg14[%swap3A_976], %add3A_975 masked %scan3A_675 {strides = array<i32>} : memref<224xi32, #tpu.memory_space<vmem>>, vector<16xi32>, vector<16xi1>
            %add3A_978 = arith.addi %add3A_966, %squeeze3A_969 : i32
            %ge3A = arith.constant 64 : i32
            %ge3A_979 = arith.cmpi sge, %add3A_978, %ge3A : i32
            %convert_element_type3A_980 = arith.extui %ge3A_979 : i1 to i32
            %cond3A_981 = arith.constant 0 : i32
            %cond3A_982 = arith.cmpi ne, %convert_element_type3A_980, %cond3A_981 : i32
            %cond3A_983:4 = scf.if %cond3A_982 -> (vector<16xf32>, vector<16xi32>, vector<16xf32>, i32) {
              %get3A_984 = arith.constant 0 : index
              %get3A_985 = tpu.vector_load %arg13[%get3A_984] {strides = array<i32>} : memref<224xf32, #tpu.memory_space<vmem>>, vector<16xf32>,
              %get3A_986 = arith.constant 0 : index
              %get3A_987 = tpu.vector_load %arg14[%get3A_986] {strides = array<i32>} : memref<224xi32, #tpu.memory_space<vmem>>, vector<16xi32>,
              %add3A_988 = arith.constant 0 : i32
              %add3A_989 = vector.broadcast %add3A_988 : i32 to vector<16xi32>
              %add3A_990 = arith.addi %iota3A, %add3A_989 : vector<16xi32>
              %lt3A_991 = vector.broadcast %add3A_978 : i32 to vector<16xi32>
              %lt3A_992 = arith.cmpi slt, %add3A_990, %lt3A_991 : vector<16xi32>
              %jit3A_993 = arith.constant 0x7F800000 : f32
              %broadcast_in_dim3A_994 = vector.broadcast %jit3A_993 : f32 to vector<16xf32>
              %select_n3A_995 = arith.select %lt3A_992, %get3A_985, %broadcast_in_dim3A_994 : vector<16xi1>, vector<16xf32>
              %masked_sort3A_996 = arith.constant dense<true> : vector<16xi1>
              %masked_sort3A_997, %masked_sort3A_998, %masked_sort3A_999 = tpu.sort %select_n3A_995, %get3A_987 masked %masked_sort3A_996 : (vector<16xf32>, vector<16xi32>, vector<16xi1>) -> (vector<16xi1>, vector<16xf32>, vector<16xi32>)
              %get3A_1000 = arith.constant 16 : index
              %get3A_1001 = tpu.vector_load %arg13[%get3A_1000] {strides = array<i32>} : memref<224xf32, #tpu.memory_space<vmem>>, vector<16xf32>,
              %get3A_1002 = arith.constant 16 : index
              %get3A_1003 = tpu.vector_load %arg14[%get3A_1002] {strides = array<i32>} : memref<224xi32, #tpu.memory_space<vmem>>, vector<16xi32>,
              %add3A_1004 = arith.constant 16 : i32
              %add3A_1005 = vector.broadcast %add3A_1004 : i32 to vector<16xi32>
              %add3A_1006 = arith.addi %iota3A, %add3A_1005 : vector<16xi32>
              %lt3A_1007 = vector.broadcast %add3A_978 : i32 to vector<16xi32>
              %lt3A_1008 = arith.cmpi slt, %add3A_1006, %lt3A_1007 : vector<16xi32>
              %jit3A_1009 = arith.constant 0x7F800000 : f32
              %broadcast_in_dim3A_1010 = vector.broadcast %jit3A_1009 : f32 to vector<16xf32>
              %select_n3A_1011 = arith.select %lt3A_1008, %get3A_1001, %broadcast_in_dim3A_1010 : vector<16xi1>, vector<16xf32>
              %masked_sort3A_1012 = arith.constant dense<true> : vector<16xi1>
              %masked_sort3A_1013, %masked_sort3A_1014, %masked_sort3A_1015 = tpu.sort %select_n3A_1011, %get3A_1003 masked %masked_sort3A_1012 : (vector<16xf32>, vector<16xi32>, vector<16xi1>) -> (vector<16xi1>, vector<16xf32>, vector<16xi32>)
              %get3A_1016 = arith.constant 32 : index
              %get3A_1017 = tpu.vector_load %arg13[%get3A_1016] {strides = array<i32>} : memref<224xf32, #tpu.memory_space<vmem>>, vector<16xf32>,
              %get3A_1018 = arith.constant 32 : index
              %get3A_1019 = tpu.vector_load %arg14[%get3A_1018] {strides = array<i32>} : memref<224xi32, #tpu.memory_space<vmem>>, vector<16xi32>,
              %add3A_1020 = arith.constant 32 : i32
              %add3A_1021 = vector.broadcast %add3A_1020 : i32 to vector<16xi32>
              %add3A_1022 = arith.addi %iota3A, %add3A_1021 : vector<16xi32>
              %lt3A_1023 = vector.broadcast %add3A_978 : i32 to vector<16xi32>
              %lt3A_1024 = arith.cmpi slt, %add3A_1022, %lt3A_1023 : vector<16xi32>
              %jit3A_1025 = arith.constant 0x7F800000 : f32
              %broadcast_in_dim3A_1026 = vector.broadcast %jit3A_1025 : f32 to vector<16xf32>
              %select_n3A_1027 = arith.select %lt3A_1024, %get3A_1017, %broadcast_in_dim3A_1026 : vector<16xi1>, vector<16xf32>
              %masked_sort3A_1028 = arith.constant dense<true> : vector<16xi1>
              %masked_sort3A_1029, %masked_sort3A_1030, %masked_sort3A_1031 = tpu.sort %select_n3A_1027, %get3A_1019 masked %masked_sort3A_1028 : (vector<16xf32>, vector<16xi32>, vector<16xi1>) -> (vector<16xi1>, vector<16xf32>, vector<16xi32>)
              %get3A_1032 = arith.constant 48 : index
              %get3A_1033 = tpu.vector_load %arg13[%get3A_1032] {strides = array<i32>} : memref<224xf32, #tpu.memory_space<vmem>>, vector<16xf32>,
              %get3A_1034 = arith.constant 48 : index
              %get3A_1035 = tpu.vector_load %arg14[%get3A_1034] {strides = array<i32>} : memref<224xi32, #tpu.memory_space<vmem>>, vector<16xi32>,
              %add3A_1036 = arith.constant 48 : i32
              %add3A_1037 = vector.broadcast %add3A_1036 : i32 to vector<16xi32>
              %add3A_1038 = arith.addi %iota3A, %add3A_1037 : vector<16xi32>
              %lt3A_1039 = vector.broadcast %add3A_978 : i32 to vector<16xi32>
              %lt3A_1040 = arith.cmpi slt, %add3A_1038, %lt3A_1039 : vector<16xi32>
              %jit3A_1041 = arith.constant 0x7F800000 : f32
              %broadcast_in_dim3A_1042 = vector.broadcast %jit3A_1041 : f32 to vector<16xf32>
              %select_n3A_1043 = arith.select %lt3A_1040, %get3A_1033, %broadcast_in_dim3A_1042 : vector<16xi1>, vector<16xf32>
              %masked_sort3A_1044 = arith.constant dense<true> : vector<16xi1>
              %masked_sort3A_1045, %masked_sort3A_1046, %masked_sort3A_1047 = tpu.sort %select_n3A_1043, %get3A_1035 masked %masked_sort3A_1044 : (vector<16xf32>, vector<16xi32>, vector<16xi1>) -> (vector<16xi1>, vector<16xf32>, vector<16xi32>)
              %get3A_1048 = arith.constant 64 : index
              %get3A_1049 = tpu.vector_load %arg13[%get3A_1048] {strides = array<i32>} : memref<224xf32, #tpu.memory_space<vmem>>, vector<16xf32>,
              %get3A_1050 = arith.constant 64 : index
              %get3A_1051 = tpu.vector_load %arg14[%get3A_1050] {strides = array<i32>} : memref<224xi32, #tpu.memory_space<vmem>>, vector<16xi32>,
              %add3A_1052 = arith.constant 64 : i32
              %add3A_1053 = vector.broadcast %add3A_1052 : i32 to vector<16xi32>
              %add3A_1054 = arith.addi %iota3A, %add3A_1053 : vector<16xi32>
              %lt3A_1055 = vector.broadcast %add3A_978 : i32 to vector<16xi32>
              %lt3A_1056 = arith.cmpi slt, %add3A_1054, %lt3A_1055 : vector<16xi32>
              %jit3A_1057 = arith.constant 0x7F800000 : f32
              %broadcast_in_dim3A_1058 = vector.broadcast %jit3A_1057 : f32 to vector<16xf32>
              %select_n3A_1059 = arith.select %lt3A_1056, %get3A_1049, %broadcast_in_dim3A_1058 : vector<16xi1>, vector<16xf32>
              %masked_sort3A_1060 = arith.constant dense<true> : vector<16xi1>
              %masked_sort3A_1061, %masked_sort3A_1062, %masked_sort3A_1063 = tpu.sort %select_n3A_1059, %get3A_1051 masked %masked_sort3A_1060 : (vector<16xf32>, vector<16xi32>, vector<16xi1>) -> (vector<16xi1>, vector<16xf32>, vector<16xi32>)
              %get3A_1064 = arith.constant 80 : index
              %get3A_1065 = tpu.vector_load %arg13[%get3A_1064] {strides = array<i32>} : memref<224xf32, #tpu.memory_space<vmem>>, vector<16xf32>,
              %get3A_1066 = arith.constant 80 : index
              %get3A_1067 = tpu.vector_load %arg14[%get3A_1066] {strides = array<i32>} : memref<224xi32, #tpu.memory_space<vmem>>, vector<16xi32>,
              %add3A_1068 = arith.constant 80 : i32
              %add3A_1069 = vector.broadcast %add3A_1068 : i32 to vector<16xi32>
              %add3A_1070 = arith.addi %iota3A, %add3A_1069 : vector<16xi32>
              %lt3A_1071 = vector.broadcast %add3A_978 : i32 to vector<16xi32>
              %lt3A_1072 = arith.cmpi slt, %add3A_1070, %lt3A_1071 : vector<16xi32>
              %jit3A_1073 = arith.constant 0x7F800000 : f32
              %broadcast_in_dim3A_1074 = vector.broadcast %jit3A_1073 : f32 to vector<16xf32>
              %select_n3A_1075 = arith.select %lt3A_1072, %get3A_1065, %broadcast_in_dim3A_1074 : vector<16xi1>, vector<16xf32>
              %masked_sort3A_1076 = arith.constant dense<true> : vector<16xi1>
              %masked_sort3A_1077, %masked_sort3A_1078, %masked_sort3A_1079 = tpu.sort %select_n3A_1075, %get3A_1067 masked %masked_sort3A_1076 : (vector<16xf32>, vector<16xi32>, vector<16xi1>) -> (vector<16xi1>, vector<16xf32>, vector<16xi32>)
              %get3A_1080 = arith.constant 96 : index
              %get3A_1081 = tpu.vector_load %arg13[%get3A_1080] {strides = array<i32>} : memref<224xf32, #tpu.memory_space<vmem>>, vector<16xf32>,
              %get3A_1082 = arith.constant 96 : index
              %get3A_1083 = tpu.vector_load %arg14[%get3A_1082] {strides = array<i32>} : memref<224xi32, #tpu.memory_space<vmem>>, vector<16xi32>,
              %add3A_1084 = arith.constant 96 : i32
              %add3A_1085 = vector.broadcast %add3A_1084 : i32 to vector<16xi32>
              %add3A_1086 = arith.addi %iota3A, %add3A_1085 : vector<16xi32>
              %lt3A_1087 = vector.broadcast %add3A_978 : i32 to vector<16xi32>
              %lt3A_1088 = arith.cmpi slt, %add3A_1086, %lt3A_1087 : vector<16xi32>
              %jit3A_1089 = arith.constant 0x7F800000 : f32
              %broadcast_in_dim3A_1090 = vector.broadcast %jit3A_1089 : f32 to vector<16xf32>
              %select_n3A_1091 = arith.select %lt3A_1088, %get3A_1081, %broadcast_in_dim3A_1090 : vector<16xi1>, vector<16xf32>
              %masked_sort3A_1092 = arith.constant dense<true> : vector<16xi1>
              %masked_sort3A_1093, %masked_sort3A_1094, %masked_sort3A_1095 = tpu.sort %select_n3A_1091, %get3A_1083 masked %masked_sort3A_1092 : (vector<16xf32>, vector<16xi32>, vector<16xi1>) -> (vector<16xi1>, vector<16xf32>, vector<16xi32>)
              %get3A_1096 = arith.constant 112 : index
              %get3A_1097 = tpu.vector_load %arg13[%get3A_1096] {strides = array<i32>} : memref<224xf32, #tpu.memory_space<vmem>>, vector<16xf32>,
              %get3A_1098 = arith.constant 112 : index
              %get3A_1099 = tpu.vector_load %arg14[%get3A_1098] {strides = array<i32>} : memref<224xi32, #tpu.memory_space<vmem>>, vector<16xi32>,
              %add3A_1100 = arith.constant 112 : i32
              %add3A_1101 = vector.broadcast %add3A_1100 : i32 to vector<16xi32>
              %add3A_1102 = arith.addi %iota3A, %add3A_1101 : vector<16xi32>
              %lt3A_1103 = vector.broadcast %add3A_978 : i32 to vector<16xi32>
              %lt3A_1104 = arith.cmpi slt, %add3A_1102, %lt3A_1103 : vector<16xi32>
              %jit3A_1105 = arith.constant 0x7F800000 : f32
              %broadcast_in_dim3A_1106 = vector.broadcast %jit3A_1105 : f32 to vector<16xf32>
              %select_n3A_1107 = arith.select %lt3A_1104, %get3A_1097, %broadcast_in_dim3A_1106 : vector<16xi1>, vector<16xf32>
              %masked_sort3A_1108 = arith.constant dense<true> : vector<16xi1>
              %masked_sort3A_1109, %masked_sort3A_1110, %masked_sort3A_1111 = tpu.sort %select_n3A_1107, %get3A_1099 masked %masked_sort3A_1108 : (vector<16xf32>, vector<16xi32>, vector<16xi1>) -> (vector<16xi1>, vector<16xf32>, vector<16xi32>)
              %get3A_1112 = arith.constant 128 : index
              %get3A_1113 = tpu.vector_load %arg13[%get3A_1112] {strides = array<i32>} : memref<224xf32, #tpu.memory_space<vmem>>, vector<16xf32>,
              %get3A_1114 = arith.constant 128 : index
              %get3A_1115 = tpu.vector_load %arg14[%get3A_1114] {strides = array<i32>} : memref<224xi32, #tpu.memory_space<vmem>>, vector<16xi32>,
              %add3A_1116 = arith.constant 128 : i32
              %add3A_1117 = vector.broadcast %add3A_1116 : i32 to vector<16xi32>
              %add3A_1118 = arith.addi %iota3A, %add3A_1117 : vector<16xi32>
              %lt3A_1119 = vector.broadcast %add3A_978 : i32 to vector<16xi32>
              %lt3A_1120 = arith.cmpi slt, %add3A_1118, %lt3A_1119 : vector<16xi32>
              %jit3A_1121 = arith.constant 0x7F800000 : f32
              %broadcast_in_dim3A_1122 = vector.broadcast %jit3A_1121 : f32 to vector<16xf32>
              %select_n3A_1123 = arith.select %lt3A_1120, %get3A_1113, %broadcast_in_dim3A_1122 : vector<16xi1>, vector<16xf32>
              %masked_sort3A_1124 = arith.constant dense<true> : vector<16xi1>
              %masked_sort3A_1125, %masked_sort3A_1126, %masked_sort3A_1127 = tpu.sort %select_n3A_1123, %get3A_1115 masked %masked_sort3A_1124 : (vector<16xf32>, vector<16xi32>, vector<16xi1>) -> (vector<16xi1>, vector<16xf32>, vector<16xi32>)
              %get3A_1128 = arith.constant 144 : index
              %get3A_1129 = tpu.vector_load %arg13[%get3A_1128] {strides = array<i32>} : memref<224xf32, #tpu.memory_space<vmem>>, vector<16xf32>,
              %get3A_1130 = arith.constant 144 : index
              %get3A_1131 = tpu.vector_load %arg14[%get3A_1130] {strides = array<i32>} : memref<224xi32, #tpu.memory_space<vmem>>, vector<16xi32>,
              %add3A_1132 = arith.constant 144 : i32
              %add3A_1133 = vector.broadcast %add3A_1132 : i32 to vector<16xi32>
              %add3A_1134 = arith.addi %iota3A, %add3A_1133 : vector<16xi32>
              %lt3A_1135 = vector.broadcast %add3A_978 : i32 to vector<16xi32>
              %lt3A_1136 = arith.cmpi slt, %add3A_1134, %lt3A_1135 : vector<16xi32>
              %jit3A_1137 = arith.constant 0x7F800000 : f32
              %broadcast_in_dim3A_1138 = vector.broadcast %jit3A_1137 : f32 to vector<16xf32>
              %select_n3A_1139 = arith.select %lt3A_1136, %get3A_1129, %broadcast_in_dim3A_1138 : vector<16xi1>, vector<16xf32>
              %masked_sort3A_1140 = arith.constant dense<true> : vector<16xi1>
              %masked_sort3A_1141, %masked_sort3A_1142, %masked_sort3A_1143 = tpu.sort %select_n3A_1139, %get3A_1131 masked %masked_sort3A_1140 : (vector<16xf32>, vector<16xi32>, vector<16xi1>) -> (vector<16xi1>, vector<16xf32>, vector<16xi32>)
              %get3A_1144 = arith.constant 160 : index
              %get3A_1145 = tpu.vector_load %arg13[%get3A_1144] {strides = array<i32>} : memref<224xf32, #tpu.memory_space<vmem>>, vector<16xf32>,
              %get3A_1146 = arith.constant 160 : index
              %get3A_1147 = tpu.vector_load %arg14[%get3A_1146] {strides = array<i32>} : memref<224xi32, #tpu.memory_space<vmem>>, vector<16xi32>,
              %add3A_1148 = arith.constant 160 : i32
              %add3A_1149 = vector.broadcast %add3A_1148 : i32 to vector<16xi32>
              %add3A_1150 = arith.addi %iota3A, %add3A_1149 : vector<16xi32>
              %lt3A_1151 = vector.broadcast %add3A_978 : i32 to vector<16xi32>
              %lt3A_1152 = arith.cmpi slt, %add3A_1150, %lt3A_1151 : vector<16xi32>
              %jit3A_1153 = arith.constant 0x7F800000 : f32
              %broadcast_in_dim3A_1154 = vector.broadcast %jit3A_1153 : f32 to vector<16xf32>
              %select_n3A_1155 = arith.select %lt3A_1152, %get3A_1145, %broadcast_in_dim3A_1154 : vector<16xi1>, vector<16xf32>
              %masked_sort3A_1156 = arith.constant dense<true> : vector<16xi1>
              %masked_sort3A_1157, %masked_sort3A_1158, %masked_sort3A_1159 = tpu.sort %select_n3A_1155, %get3A_1147 masked %masked_sort3A_1156 : (vector<16xf32>, vector<16xi32>, vector<16xi1>) -> (vector<16xi1>, vector<16xf32>, vector<16xi32>)
              %get3A_1160 = arith.constant 176 : index
              %get3A_1161 = tpu.vector_load %arg13[%get3A_1160] {strides = array<i32>} : memref<224xf32, #tpu.memory_space<vmem>>, vector<16xf32>,
              %get3A_1162 = arith.constant 176 : index
              %get3A_1163 = tpu.vector_load %arg14[%get3A_1162] {strides = array<i32>} : memref<224xi32, #tpu.memory_space<vmem>>, vector<16xi32>,
              %add3A_1164 = arith.constant 176 : i32
              %add3A_1165 = vector.broadcast %add3A_1164 : i32 to vector<16xi32>
              %add3A_1166 = arith.addi %iota3A, %add3A_1165 : vector<16xi32>
              %lt3A_1167 = vector.broadcast %add3A_978 : i32 to vector<16xi32>
              %lt3A_1168 = arith.cmpi slt, %add3A_1166, %lt3A_1167 : vector<16xi32>
              %jit3A_1169 = arith.constant 0x7F800000 : f32
              %broadcast_in_dim3A_1170 = vector.broadcast %jit3A_1169 : f32 to vector<16xf32>
              %select_n3A_1171 = arith.select %lt3A_1168, %get3A_1161, %broadcast_in_dim3A_1170 : vector<16xi1>, vector<16xf32>
              %masked_sort3A_1172 = arith.constant dense<true> : vector<16xi1>
              %masked_sort3A_1173, %masked_sort3A_1174, %masked_sort3A_1175 = tpu.sort %select_n3A_1171, %get3A_1163 masked %masked_sort3A_1172 : (vector<16xf32>, vector<16xi32>, vector<16xi1>) -> (vector<16xi1>, vector<16xf32>, vector<16xi32>)
              %rev3A_1176 = arith.constant 15 : i32
              %rev3A_1177 = vector.broadcast %rev3A_1176 : i32 to vector<16xi32>
              %rev3A_1178 = tpu.iota {dimensions = array<i32: 0>} : vector<16xi32>
              %rev3A_1179 = arith.subi %rev3A_1177, %rev3A_1178 : vector<16xi32>
              %rev3A_1180 = tpu.dynamic_gather %masked_sort3A_1014[%rev3A_1179] in [0] : vector<16xf32>, vector<16xi32> -> vector<16xf32>
              %rev3A_1181 = arith.constant 15 : i32
              %rev3A_1182 = vector.broadcast %rev3A_1181 : i32 to vector<16xi32>
              %rev3A_1183 = tpu.iota {dimensions = array<i32: 0>} : vector<16xi32>
              %rev3A_1184 = arith.subi %rev3A_1182, %rev3A_1183 : vector<16xi32>
              %rev3A_1185 = tpu.dynamic_gather %masked_sort3A_1015[%rev3A_1184] in [0] : vector<16xi32>, vector<16xi32> -> vector<16xi32>
              %lt3A_1186 = arith.cmpf olt, %rev3A_1180, %masked_sort3A_998 : vector<16xf32>
              %select_n3A_1187 = arith.select %lt3A_1186, %rev3A_1180, %masked_sort3A_998 : vector<16xi1>, vector<16xf32>
              %select_n3A_1188 = arith.select %lt3A_1186, %rev3A_1185, %masked_sort3A_999 : vector<16xi1>, vector<16xi32>
              %masked_sort3A_1189 = arith.constant dense<true> : vector<16xi1>
              %masked_sort3A_1190, %masked_sort3A_1191, %masked_sort3A_1192 = tpu.sort %select_n3A_1187, %select_n3A_1188 masked %masked_sort3A_1189 : (vector<16xf32>, vector<16xi32>, vector<16xi1>) -> (vector<16xi1>, vector<16xf32>, vector<16xi32>)
              %rev3A_1193 = arith.constant 15 : i32
              %rev3A_1194 = vector.broadcast %rev3A_1193 : i32 to vector<16xi32>
              %rev3A_1195 = tpu.iota {dimensions = array<i32: 0>} : vector<16xi32>
              %rev3A_1196 = arith.subi %rev3A_1194, %rev3A_1195 : vector<16xi32>
              %rev3A_1197 = tpu.dynamic_gather %masked_sort3A_1046[%rev3A_1196] in [0] : vector<16xf32>, vector<16xi32> -> vector<16xf32>
              %rev3A_1198 = arith.constant 15 : i32
              %rev3A_1199 = vector.broadcast %rev3A_1198 : i32 to vector<16xi32>
              %rev3A_1200 = tpu.iota {dimensions = array<i32: 0>} : vector<16xi32>
              %rev3A_1201 = arith.subi %rev3A_1199, %rev3A_1200 : vector<16xi32>
              %rev3A_1202 = tpu.dynamic_gather %masked_sort3A_1047[%rev3A_1201] in [0] : vector<16xi32>, vector<16xi32> -> vector<16xi32>
              %lt3A_1203 = arith.cmpf olt, %rev3A_1197, %masked_sort3A_1030 : vector<16xf32>
              %select_n3A_1204 = arith.select %lt3A_1203, %rev3A_1197, %masked_sort3A_1030 : vector<16xi1>, vector<16xf32>
              %select_n3A_1205 = arith.select %lt3A_1203, %rev3A_1202, %masked_sort3A_1031 : vector<16xi1>, vector<16xi32>
              %masked_sort3A_1206 = arith.constant dense<true> : vector<16xi1>
              %masked_sort3A_1207, %masked_sort3A_1208, %masked_sort3A_1209 = tpu.sort %select_n3A_1204, %select_n3A_1205 masked %masked_sort3A_1206 : (vector<16xf32>, vector<16xi32>, vector<16xi1>) -> (vector<16xi1>, vector<16xf32>, vector<16xi32>)
              %rev3A_1210 = arith.constant 15 : i32
              %rev3A_1211 = vector.broadcast %rev3A_1210 : i32 to vector<16xi32>
              %rev3A_1212 = tpu.iota {dimensions = array<i32: 0>} : vector<16xi32>
              %rev3A_1213 = arith.subi %rev3A_1211, %rev3A_1212 : vector<16xi32>
              %rev3A_1214 = tpu.dynamic_gather %masked_sort3A_1078[%rev3A_1213] in [0] : vector<16xf32>, vector<16xi32> -> vector<16xf32>
              %rev3A_1215 = arith.constant 15 : i32
              %rev3A_1216 = vector.broadcast %rev3A_1215 : i32 to vector<16xi32>
              %rev3A_1217 = tpu.iota {dimensions = array<i32: 0>} : vector<16xi32>
              %rev3A_1218 = arith.subi %rev3A_1216, %rev3A_1217 : vector<16xi32>
              %rev3A_1219 = tpu.dynamic_gather %masked_sort3A_1079[%rev3A_1218] in [0] : vector<16xi32>, vector<16xi32> -> vector<16xi32>
              %lt3A_1220 = arith.cmpf olt, %rev3A_1214, %masked_sort3A_1062 : vector<16xf32>
              %select_n3A_1221 = arith.select %lt3A_1220, %rev3A_1214, %masked_sort3A_1062 : vector<16xi1>, vector<16xf32>
              %select_n3A_1222 = arith.select %lt3A_1220, %rev3A_1219, %masked_sort3A_1063 : vector<16xi1>, vector<16xi32>
              %masked_sort3A_1223 = arith.constant dense<true> : vector<16xi1>
              %masked_sort3A_1224, %masked_sort3A_1225, %masked_sort3A_1226 = tpu.sort %select_n3A_1221, %select_n3A_1222 masked %masked_sort3A_1223 : (vector<16xf32>, vector<16xi32>, vector<16xi1>) -> (vector<16xi1>, vector<16xf32>, vector<16xi32>)
              %rev3A_1227 = arith.constant 15 : i32
              %rev3A_1228 = vector.broadcast %rev3A_1227 : i32 to vector<16xi32>
              %rev3A_1229 = tpu.iota {dimensions = array<i32: 0>} : vector<16xi32>
              %rev3A_1230 = arith.subi %rev3A_1228, %rev3A_1229 : vector<16xi32>
              %rev3A_1231 = tpu.dynamic_gather %masked_sort3A_1110[%rev3A_1230] in [0] : vector<16xf32>, vector<16xi32> -> vector<16xf32>
              %rev3A_1232 = arith.constant 15 : i32
              %rev3A_1233 = vector.broadcast %rev3A_1232 : i32 to vector<16xi32>
              %rev3A_1234 = tpu.iota {dimensions = array<i32: 0>} : vector<16xi32>
              %rev3A_1235 = arith.subi %rev3A_1233, %rev3A_1234 : vector<16xi32>
              %rev3A_1236 = tpu.dynamic_gather %masked_sort3A_1111[%rev3A_1235] in [0] : vector<16xi32>, vector<16xi32> -> vector<16xi32>
              %lt3A_1237 = arith.cmpf olt, %rev3A_1231, %masked_sort3A_1094 : vector<16xf32>
              %select_n3A_1238 = arith.select %lt3A_1237, %rev3A_1231, %masked_sort3A_1094 : vector<16xi1>, vector<16xf32>
              %select_n3A_1239 = arith.select %lt3A_1237, %rev3A_1236, %masked_sort3A_1095 : vector<16xi1>, vector<16xi32>
              %masked_sort3A_1240 = arith.constant dense<true> : vector<16xi1>
              %masked_sort3A_1241, %masked_sort3A_1242, %masked_sort3A_1243 = tpu.sort %select_n3A_1238, %select_n3A_1239 masked %masked_sort3A_1240 : (vector<16xf32>, vector<16xi32>, vector<16xi1>) -> (vector<16xi1>, vector<16xf32>, vector<16xi32>)
              %rev3A_1244 = arith.constant 15 : i32
              %rev3A_1245 = vector.broadcast %rev3A_1244 : i32 to vector<16xi32>
              %rev3A_1246 = tpu.iota {dimensions = array<i32: 0>} : vector<16xi32>
              %rev3A_1247 = arith.subi %rev3A_1245, %rev3A_1246 : vector<16xi32>
              %rev3A_1248 = tpu.dynamic_gather %masked_sort3A_1142[%rev3A_1247] in [0] : vector<16xf32>, vector<16xi32> -> vector<16xf32>
              %rev3A_1249 = arith.constant 15 : i32
              %rev3A_1250 = vector.broadcast %rev3A_1249 : i32 to vector<16xi32>
              %rev3A_1251 = tpu.iota {dimensions = array<i32: 0>} : vector<16xi32>
              %rev3A_1252 = arith.subi %rev3A_1250, %rev3A_1251 : vector<16xi32>
              %rev3A_1253 = tpu.dynamic_gather %masked_sort3A_1143[%rev3A_1252] in [0] : vector<16xi32>, vector<16xi32> -> vector<16xi32>
              %lt3A_1254 = arith.cmpf olt, %rev3A_1248, %masked_sort3A_1126 : vector<16xf32>
              %select_n3A_1255 = arith.select %lt3A_1254, %rev3A_1248, %masked_sort3A_1126 : vector<16xi1>, vector<16xf32>
              %select_n3A_1256 = arith.select %lt3A_1254, %rev3A_1253, %masked_sort3A_1127 : vector<16xi1>, vector<16xi32>
              %masked_sort3A_1257 = arith.constant dense<true> : vector<16xi1>
              %masked_sort3A_1258, %masked_sort3A_1259, %masked_sort3A_1260 = tpu.sort %select_n3A_1255, %select_n3A_1256 masked %masked_sort3A_1257 : (vector<16xf32>, vector<16xi32>, vector<16xi1>) -> (vector<16xi1>, vector<16xf32>, vector<16xi32>)
              %rev3A_1261 = arith.constant 15 : i32
              %rev3A_1262 = vector.broadcast %rev3A_1261 : i32 to vector<16xi32>
              %rev3A_1263 = tpu.iota {dimensions = array<i32: 0>} : vector<16xi32>
              %rev3A_1264 = arith.subi %rev3A_1262, %rev3A_1263 : vector<16xi32>
              %rev3A_1265 = tpu.dynamic_gather %masked_sort3A_1174[%rev3A_1264] in [0] : vector<16xf32>, vector<16xi32> -> vector<16xf32>
              %rev3A_1266 = arith.constant 15 : i32
              %rev3A_1267 = vector.broadcast %rev3A_1266 : i32 to vector<16xi32>
              %rev3A_1268 = tpu.iota {dimensions = array<i32: 0>} : vector<16xi32>
              %rev3A_1269 = arith.subi %rev3A_1267, %rev3A_1268 : vector<16xi32>
              %rev3A_1270 = tpu.dynamic_gather %masked_sort3A_1175[%rev3A_1269] in [0] : vector<16xi32>, vector<16xi32> -> vector<16xi32>
              %lt3A_1271 = arith.cmpf olt, %rev3A_1265, %masked_sort3A_1158 : vector<16xf32>
              %select_n3A_1272 = arith.select %lt3A_1271, %rev3A_1265, %masked_sort3A_1158 : vector<16xi1>, vector<16xf32>
              %select_n3A_1273 = arith.select %lt3A_1271, %rev3A_1270, %masked_sort3A_1159 : vector<16xi1>, vector<16xi32>
              %masked_sort3A_1274 = arith.constant dense<true> : vector<16xi1>
              %masked_sort3A_1275, %masked_sort3A_1276, %masked_sort3A_1277 = tpu.sort %select_n3A_1272, %select_n3A_1273 masked %masked_sort3A_1274 : (vector<16xf32>, vector<16xi32>, vector<16xi1>) -> (vector<16xi1>, vector<16xf32>, vector<16xi32>)
              %rev3A_1278 = arith.constant 15 : i32
              %rev3A_1279 = vector.broadcast %rev3A_1278 : i32 to vector<16xi32>
              %rev3A_1280 = tpu.iota {dimensions = array<i32: 0>} : vector<16xi32>
              %rev3A_1281 = arith.subi %rev3A_1279, %rev3A_1280 : vector<16xi32>
              %rev3A_1282 = tpu.dynamic_gather %masked_sort3A_1208[%rev3A_1281] in [0] : vector<16xf32>, vector<16xi32> -> vector<16xf32>
              %rev3A_1283 = arith.constant 15 : i32
              %rev3A_1284 = vector.broadcast %rev3A_1283 : i32 to vector<16xi32>
              %rev3A_1285 = tpu.iota {dimensions = array<i32: 0>} : vector<16xi32>
              %rev3A_1286 = arith.subi %rev3A_1284, %rev3A_1285 : vector<16xi32>
              %rev3A_1287 = tpu.dynamic_gather %masked_sort3A_1209[%rev3A_1286] in [0] : vector<16xi32>, vector<16xi32> -> vector<16xi32>
              %lt3A_1288 = arith.cmpf olt, %rev3A_1282, %masked_sort3A_1191 : vector<16xf32>
              %select_n3A_1289 = arith.select %lt3A_1288, %rev3A_1282, %masked_sort3A_1191 : vector<16xi1>, vector<16xf32>
              %select_n3A_1290 = arith.select %lt3A_1288, %rev3A_1287, %masked_sort3A_1192 : vector<16xi1>, vector<16xi32>
              %masked_sort3A_1291 = arith.constant dense<true> : vector<16xi1>
              %masked_sort3A_1292, %masked_sort3A_1293, %masked_sort3A_1294 = tpu.sort %select_n3A_1289, %select_n3A_1290 masked %masked_sort3A_1291 : (vector<16xf32>, vector<16xi32>, vector<16xi1>) -> (vector<16xi1>, vector<16xf32>, vector<16xi32>)
              %rev3A_1295 = arith.constant 15 : i32
              %rev3A_1296 = vector.broadcast %rev3A_1295 : i32 to vector<16xi32>
              %rev3A_1297 = tpu.iota {dimensions = array<i32: 0>} : vector<16xi32>
              %rev3A_1298 = arith.subi %rev3A_1296, %rev3A_1297 : vector<16xi32>
              %rev3A_1299 = tpu.dynamic_gather %masked_sort3A_1242[%rev3A_1298] in [0] : vector<16xf32>, vector<16xi32> -> vector<16xf32>
              %rev3A_1300 = arith.constant 15 : i32
              %rev3A_1301 = vector.broadcast %rev3A_1300 : i32 to vector<16xi32>
              %rev3A_1302 = tpu.iota {dimensions = array<i32: 0>} : vector<16xi32>
              %rev3A_1303 = arith.subi %rev3A_1301, %rev3A_1302 : vector<16xi32>
              %rev3A_1304 = tpu.dynamic_gather %masked_sort3A_1243[%rev3A_1303] in [0] : vector<16xi32>, vector<16xi32> -> vector<16xi32>
              %lt3A_1305 = arith.cmpf olt, %rev3A_1299, %masked_sort3A_1225 : vector<16xf32>
              %select_n3A_1306 = arith.select %lt3A_1305, %rev3A_1299, %masked_sort3A_1225 : vector<16xi1>, vector<16xf32>
              %select_n3A_1307 = arith.select %lt3A_1305, %rev3A_1304, %masked_sort3A_1226 : vector<16xi1>, vector<16xi32>
              %masked_sort3A_1308 = arith.constant dense<true> : vector<16xi1>
              %masked_sort3A_1309, %masked_sort3A_1310, %masked_sort3A_1311 = tpu.sort %select_n3A_1306, %select_n3A_1307 masked %masked_sort3A_1308 : (vector<16xf32>, vector<16xi32>, vector<16xi1>) -> (vector<16xi1>, vector<16xf32>, vector<16xi32>)
              %rev3A_1312 = arith.constant 15 : i32
              %rev3A_1313 = vector.broadcast %rev3A_1312 : i32 to vector<16xi32>
              %rev3A_1314 = tpu.iota {dimensions = array<i32: 0>} : vector<16xi32>
              %rev3A_1315 = arith.subi %rev3A_1313, %rev3A_1314 : vector<16xi32>
              %rev3A_1316 = tpu.dynamic_gather %masked_sort3A_1276[%rev3A_1315] in [0] : vector<16xf32>, vector<16xi32> -> vector<16xf32>
              %rev3A_1317 = arith.constant 15 : i32
              %rev3A_1318 = vector.broadcast %rev3A_1317 : i32 to vector<16xi32>
              %rev3A_1319 = tpu.iota {dimensions = array<i32: 0>} : vector<16xi32>
              %rev3A_1320 = arith.subi %rev3A_1318, %rev3A_1319 : vector<16xi32>
              %rev3A_1321 = tpu.dynamic_gather %masked_sort3A_1277[%rev3A_1320] in [0] : vector<16xi32>, vector<16xi32> -> vector<16xi32>
              %lt3A_1322 = arith.cmpf olt, %rev3A_1316, %masked_sort3A_1259 : vector<16xf32>
              %select_n3A_1323 = arith.select %lt3A_1322, %rev3A_1316, %masked_sort3A_1259 : vector<16xi1>, vector<16xf32>
              %select_n3A_1324 = arith.select %lt3A_1322, %rev3A_1321, %masked_sort3A_1260 : vector<16xi1>, vector<16xi32>
              %masked_sort3A_1325 = arith.constant dense<true> : vector<16xi1>
              %masked_sort3A_1326, %masked_sort3A_1327, %masked_sort3A_1328 = tpu.sort %select_n3A_1323, %select_n3A_1324 masked %masked_sort3A_1325 : (vector<16xf32>, vector<16xi32>, vector<16xi1>) -> (vector<16xi1>, vector<16xf32>, vector<16xi32>)
              %rev3A_1329 = arith.constant 15 : i32
              %rev3A_1330 = vector.broadcast %rev3A_1329 : i32 to vector<16xi32>
              %rev3A_1331 = tpu.iota {dimensions = array<i32: 0>} : vector<16xi32>
              %rev3A_1332 = arith.subi %rev3A_1330, %rev3A_1331 : vector<16xi32>
              %rev3A_1333 = tpu.dynamic_gather %masked_sort3A_1310[%rev3A_1332] in [0] : vector<16xf32>, vector<16xi32> -> vector<16xf32>
              %rev3A_1334 = arith.constant 15 : i32
              %rev3A_1335 = vector.broadcast %rev3A_1334 : i32 to vector<16xi32>
              %rev3A_1336 = tpu.iota {dimensions = array<i32: 0>} : vector<16xi32>
              %rev3A_1337 = arith.subi %rev3A_1335, %rev3A_1336 : vector<16xi32>
              %rev3A_1338 = tpu.dynamic_gather %masked_sort3A_1311[%rev3A_1337] in [0] : vector<16xi32>, vector<16xi32> -> vector<16xi32>
              %lt3A_1339 = arith.cmpf olt, %rev3A_1333, %masked_sort3A_1293 : vector<16xf32>
              %select_n3A_1340 = arith.select %lt3A_1339, %rev3A_1333, %masked_sort3A_1293 : vector<16xi1>, vector<16xf32>
              %select_n3A_1341 = arith.select %lt3A_1339, %rev3A_1338, %masked_sort3A_1294 : vector<16xi1>, vector<16xi32>
              %masked_sort3A_1342 = arith.constant dense<true> : vector<16xi1>
              %masked_sort3A_1343, %masked_sort3A_1344, %masked_sort3A_1345 = tpu.sort %select_n3A_1340, %select_n3A_1341 masked %masked_sort3A_1342 : (vector<16xf32>, vector<16xi32>, vector<16xi1>) -> (vector<16xi1>, vector<16xf32>, vector<16xi32>)
              %rev3A_1346 = arith.constant 15 : i32
              %rev3A_1347 = vector.broadcast %rev3A_1346 : i32 to vector<16xi32>
              %rev3A_1348 = tpu.iota {dimensions = array<i32: 0>} : vector<16xi32>
              %rev3A_1349 = arith.subi %rev3A_1347, %rev3A_1348 : vector<16xi32>
              %rev3A_1350 = tpu.dynamic_gather %masked_sort3A_1327[%rev3A_1349] in [0] : vector<16xf32>, vector<16xi32> -> vector<16xf32>
              %rev3A_1351 = arith.constant 15 : i32
              %rev3A_1352 = vector.broadcast %rev3A_1351 : i32 to vector<16xi32>
              %rev3A_1353 = tpu.iota {dimensions = array<i32: 0>} : vector<16xi32>
              %rev3A_1354 = arith.subi %rev3A_1352, %rev3A_1353 : vector<16xi32>
              %rev3A_1355 = tpu.dynamic_gather %masked_sort3A_1328[%rev3A_1354] in [0] : vector<16xi32>, vector<16xi32> -> vector<16xi32>
              %lt3A_1356 = arith.cmpf olt, %rev3A_1350, %masked_sort3A_1344 : vector<16xf32>
              %select_n3A_1357 = arith.select %lt3A_1356, %rev3A_1350, %masked_sort3A_1344 : vector<16xi1>, vector<16xf32>
              %select_n3A_1358 = arith.select %lt3A_1356, %rev3A_1355, %masked_sort3A_1345 : vector<16xi1>, vector<16xi32>
              %masked_sort3A_1359 = arith.constant dense<true> : vector<16xi1>
              %masked_sort3A_1360, %masked_sort3A_1361, %masked_sort3A_1362 = tpu.sort %select_n3A_1357, %select_n3A_1358 masked %masked_sort3A_1359 : (vector<16xf32>, vector<16xi32>, vector<16xi1>) -> (vector<16xi1>, vector<16xf32>, vector<16xi32>)
              %rev3A_1363 = arith.constant 15 : i32
              %rev3A_1364 = vector.broadcast %rev3A_1363 : i32 to vector<16xi32>
              %rev3A_1365 = tpu.iota {dimensions = array<i32: 0>} : vector<16xi32>
              %rev3A_1366 = arith.subi %rev3A_1364, %rev3A_1365 : vector<16xi32>
              %rev3A_1367 = tpu.dynamic_gather %masked_sort3A_1361[%rev3A_1366] in [0] : vector<16xf32>, vector<16xi32> -> vector<16xf32>
              %rev3A_1368 = arith.constant 15 : i32
              %rev3A_1369 = vector.broadcast %rev3A_1368 : i32 to vector<16xi32>
              %rev3A_1370 = tpu.iota {dimensions = array<i32: 0>} : vector<16xi32>
              %rev3A_1371 = arith.subi %rev3A_1369, %rev3A_1370 : vector<16xi32>
              %rev3A_1372 = tpu.dynamic_gather %masked_sort3A_1362[%rev3A_1371] in [0] : vector<16xi32>, vector<16xi32> -> vector<16xi32>
              %lt3A_1373 = arith.cmpf olt, %rev3A_1367, %scan3A_655 : vector<16xf32>
              %select_n3A_1374 = arith.select %lt3A_1373, %rev3A_1367, %scan3A_655 : vector<16xi1>, vector<16xf32>
              %select_n3A_1375 = arith.select %lt3A_1373, %rev3A_1372, %scan3A_656 : vector<16xi1>, vector<16xi32>
              %masked_sort3A_1376 = arith.constant dense<true> : vector<16xi1>
              %masked_sort3A_1377, %masked_sort3A_1378, %masked_sort3A_1379 = tpu.sort %select_n3A_1374, %select_n3A_1375 masked %masked_sort3A_1376 : (vector<16xf32>, vector<16xi32>, vector<16xi1>) -> (vector<16xi1>, vector<16xf32>, vector<16xi32>)
              %broadcast_in_dim3A_1380 = arith.constant 15 : i32
              %broadcast_in_dim3A_1381 = vector.broadcast %broadcast_in_dim3A_1380 : i32 to vector<16xi32>
              %lt3A_1382 = arith.constant 0 : i32
              %lt3A_1383 = vector.broadcast %lt3A_1382 : i32 to vector<16xi32>
              %lt3A_1384 = arith.cmpi slt, %broadcast_in_dim3A_1381, %lt3A_1383 : vector<16xi32>
              %add3A_1385 = arith.constant 16 : i32
              %add3A_1386 = vector.broadcast %add3A_1385 : i32 to vector<16xi32>
              %add3A_1387 = arith.addi %broadcast_in_dim3A_1381, %add3A_1386 : vector<16xi32>
              %select_n3A_1388 = arith.select %lt3A_1384, %add3A_1387, %broadcast_in_dim3A_1381 : vector<16xi1>, vector<16xi32>
              %broadcast_in_dim3A_1389 = vector.shape_cast %select_n3A_1388 : vector<16xi32> to vector<16x1xi32>
              %gather3A_1390 = vector.shape_cast %broadcast_in_dim3A_1389 : vector<16x1xi32> to vector<16xi32>
              %gather3A_1391 = tpu.dynamic_gather %masked_sort3A_1378[%gather3A_1390] in [0] : vector<16xf32>, vector<16xi32> -> vector<16xf32>
              %cond3A_1392 = arith.constant 0 : i32
              scf.yield %masked_sort3A_1378, %masked_sort3A_1379, %gather3A_1391, %cond3A_1392 : vector<16xf32>, vector<16xi32>, vector<16xf32>, i32
            } else {
              scf.yield %scan3A_655, %scan3A_656, %scan3A_657, %add3A_978 : vector<16xf32>, vector<16xi32>, vector<16xf32>, i32
            }
            scf.yield %cond3A_983#0, %cond3A_983#1, %cond3A_983#2, %cond3A_983#3 : vector<16xf32>, vector<16xi32>, vector<16xf32>, i32
          } else {
            scf.yield %scan3A_655, %scan3A_656, %scan3A_657, %scan3A_658 : vector<16xf32>, vector<16xi32>, vector<16xf32>, i32
          }
          scf.yield %cond3A_882#0, %cond3A_882#1, %cond3A_882#2, %cond3A_882#3, %squeeze3A, %select_n3A_701, %select_n3A_725, %select_n3A_749, %select_n3A_774, %select_n3A_799, %select_n3A_824, %select_n3A_849, %select_n3A_874, %lt3A_702, %lt3A_726, %lt3A_750, %lt3A_775, %lt3A_800, %lt3A_825, %lt3A_850, %lt3A_875, %mul3A_678 : vector<16xf32>, vector<16xi32>, vector<16xf32>, i32, i32, vector<16xf32>, vector<16xf32>, vector<16xf32>, vector<16xf32>, vector<16xf32>, vector<16xf32>, vector<16xf32>, vector<16xf32>, vector<16xi1>, vector<16xi1>, vector<16xi1>, vector<16xi1>, vector<16xi1>, vector<16xi1>, vector<16xi1>, vector<16xi1>, i32
        }
        %scan3A_180 = arith.constant 32 : i32
        %gt3A = arith.constant 0 : i32
        %gt3A_181 = arith.cmpi sgt, %scan3A_179#4, %gt3A : i32
        %convert_element_type3A = arith.extui %gt3A_181 : i1 to i32
        %cond3A = arith.constant 0 : i32
        %cond3A_182 = arith.cmpi ne, %convert_element_type3A, %cond3A : i32
        %cond3A_183:4 = scf.if %cond3A_182 -> (vector<16xf32>, vector<16xi32>, vector<16xf32>, i32) {
          %all_reduce_population_count3A = tpu.all_reduce %scan3A_179#13 {dim = 0 : i64, kind = #tpu.reduction_kind<sum>} : vector<16xi1> -> vector<16xi32>
          %slice3A = vector.extract_strided_slice %all_reduce_population_count3A {offsets = [0], sizes = [1], strides = [1]} : vector<16xi32> to vector<1xi32>
          %squeeze3A = vector.extract %slice3A[0] : i32 from vector<1xi32>
          %swap3A_654 = arith.index_cast %scan3A_179#3 : i32 to index
          %swap3A_655 = tpu.vector_load %arg13[%swap3A_654] masked %scan3A_179#13 {strides = array<i32>} : memref<224xf32, #tpu.memory_space<vmem>>, vector<16xf32>, vector<16xi1>
          tpu.vector_store %arg13[%swap3A_654], %scan3A_179#5 masked %scan3A_179#13 {strides = array<i32>} : memref<224xf32, #tpu.memory_space<vmem>>, vector<16xf32>, vector<16xi1>
          %add3A_656 = arith.constant 0 : i32
          %add3A_657 = arith.addi %scan3A_179#21, %add3A_656 : i32
          %add3A_658 = vector.broadcast %add3A_657 : i32 to vector<16xi32>
          %add3A_659 = arith.addi %iota3A, %add3A_658 : vector<16xi32>
          %swap3A_660 = arith.index_cast %scan3A_179#3 : i32 to index
          %swap3A_661 = tpu.vector_load %arg14[%swap3A_660] masked %scan3A_179#13 {strides = array<i32>} : memref<224xi32, #tpu.memory_space<vmem>>, vector<16xi32>, vector<16xi1>
          tpu.vector_store %arg14[%swap3A_660], %add3A_659 masked %scan3A_179#13 {strides = array<i32>} : memref<224xi32, #tpu.memory_space<vmem>>, vector<16xi32>, vector<16xi1>
          %add3A_662 = arith.addi %scan3A_179#3, %squeeze3A : i32
          %all_reduce_population_count3A_663 = tpu.all_reduce %scan3A_179#14 {dim = 0 : i64, kind = #tpu.reduction_kind<sum>} : vector<16xi1> -> vector<16xi32>
          %slice3A_664 = vector.extract_strided_slice %all_reduce_population_count3A_663 {offsets = [0], sizes = [1], strides = [1]} : vector<16xi32> to vector<1xi32>
          %squeeze3A_665 = vector.extract %slice3A_664[0] : i32 from vector<1xi32>
          %swap3A_666 = arith.index_cast %add3A_662 : i32 to index
          %swap3A_667 = tpu.vector_load %arg13[%swap3A_666] masked %scan3A_179#14 {strides = array<i32>} : memref<224xf32, #tpu.memory_space<vmem>>, vector<16xf32>, vector<16xi1>
          tpu.vector_store %arg13[%swap3A_666], %scan3A_179#6 masked %scan3A_179#14 {strides = array<i32>} : memref<224xf32, #tpu.memory_space<vmem>>, vector<16xf32>, vector<16xi1>
          %add3A_668 = arith.constant 16 : i32
          %add3A_669 = arith.addi %scan3A_179#21, %add3A_668 : i32
          %add3A_670 = vector.broadcast %add3A_669 : i32 to vector<16xi32>
          %add3A_671 = arith.addi %iota3A, %add3A_670 : vector<16xi32>
          %swap3A_672 = arith.index_cast %add3A_662 : i32 to index
          %swap3A_673 = tpu.vector_load %arg14[%swap3A_672] masked %scan3A_179#14 {strides = array<i32>} : memref<224xi32, #tpu.memory_space<vmem>>, vector<16xi32>, vector<16xi1>
          tpu.vector_store %arg14[%swap3A_672], %add3A_671 masked %scan3A_179#14 {strides = array<i32>} : memref<224xi32, #tpu.memory_space<vmem>>, vector<16xi32>, vector<16xi1>
          %add3A_674 = arith.addi %add3A_662, %squeeze3A_665 : i32
          %all_reduce_population_count3A_675 = tpu.all_reduce %scan3A_179#15 {dim = 0 : i64, kind = #tpu.reduction_kind<sum>} : vector<16xi1> -> vector<16xi32>
          %slice3A_676 = vector.extract_strided_slice %all_reduce_population_count3A_675 {offsets = [0], sizes = [1], strides = [1]} : vector<16xi32> to vector<1xi32>
          %squeeze3A_677 = vector.extract %slice3A_676[0] : i32 from vector<1xi32>
          %swap3A_678 = arith.index_cast %add3A_674 : i32 to index
          %swap3A_679 = tpu.vector_load %arg13[%swap3A_678] masked %scan3A_179#15 {strides = array<i32>} : memref<224xf32, #tpu.memory_space<vmem>>, vector<16xf32>, vector<16xi1>
          tpu.vector_store %arg13[%swap3A_678], %scan3A_179#7 masked %scan3A_179#15 {strides = array<i32>} : memref<224xf32, #tpu.memory_space<vmem>>, vector<16xf32>, vector<16xi1>
          %add3A_680 = arith.constant 32 : i32
          %add3A_681 = arith.addi %scan3A_179#21, %add3A_680 : i32
          %add3A_682 = vector.broadcast %add3A_681 : i32 to vector<16xi32>
          %add3A_683 = arith.addi %iota3A, %add3A_682 : vector<16xi32>
          %swap3A_684 = arith.index_cast %add3A_674 : i32 to index
          %swap3A_685 = tpu.vector_load %arg14[%swap3A_684] masked %scan3A_179#15 {strides = array<i32>} : memref<224xi32, #tpu.memory_space<vmem>>, vector<16xi32>, vector<16xi1>
          tpu.vector_store %arg14[%swap3A_684], %add3A_683 masked %scan3A_179#15 {strides = array<i32>} : memref<224xi32, #tpu.memory_space<vmem>>, vector<16xi32>, vector<16xi1>
          %add3A_686 = arith.addi %add3A_674, %squeeze3A_677 : i32
          %all_reduce_population_count3A_687 = tpu.all_reduce %scan3A_179#16 {dim = 0 : i64, kind = #tpu.reduction_kind<sum>} : vector<16xi1> -> vector<16xi32>
          %slice3A_688 = vector.extract_strided_slice %all_reduce_population_count3A_687 {offsets = [0], sizes = [1], strides = [1]} : vector<16xi32> to vector<1xi32>
          %squeeze3A_689 = vector.extract %slice3A_688[0] : i32 from vector<1xi32>
          %swap3A_690 = arith.index_cast %add3A_686 : i32 to index
          %swap3A_691 = tpu.vector_load %arg13[%swap3A_690] masked %scan3A_179#16 {strides = array<i32>} : memref<224xf32, #tpu.memory_space<vmem>>, vector<16xf32>, vector<16xi1>
          tpu.vector_store %arg13[%swap3A_690], %scan3A_179#8 masked %scan3A_179#16 {strides = array<i32>} : memref<224xf32, #tpu.memory_space<vmem>>, vector<16xf32>, vector<16xi1>
          %add3A_692 = arith.constant 48 : i32
          %add3A_693 = arith.addi %scan3A_179#21, %add3A_692 : i32
          %add3A_694 = vector.broadcast %add3A_693 : i32 to vector<16xi32>
          %add3A_695 = arith.addi %iota3A, %add3A_694 : vector<16xi32>
          %swap3A_696 = arith.index_cast %add3A_686 : i32 to index
          %swap3A_697 = tpu.vector_load %arg14[%swap3A_696] masked %scan3A_179#16 {strides = array<i32>} : memref<224xi32, #tpu.memory_space<vmem>>, vector<16xi32>, vector<16xi1>
          tpu.vector_store %arg14[%swap3A_696], %add3A_695 masked %scan3A_179#16 {strides = array<i32>} : memref<224xi32, #tpu.memory_space<vmem>>, vector<16xi32>, vector<16xi1>
          %add3A_698 = arith.addi %add3A_686, %squeeze3A_689 : i32
          %all_reduce_population_count3A_699 = tpu.all_reduce %scan3A_179#17 {dim = 0 : i64, kind = #tpu.reduction_kind<sum>} : vector<16xi1> -> vector<16xi32>
          %slice3A_700 = vector.extract_strided_slice %all_reduce_population_count3A_699 {offsets = [0], sizes = [1], strides = [1]} : vector<16xi32> to vector<1xi32>
          %squeeze3A_701 = vector.extract %slice3A_700[0] : i32 from vector<1xi32>
          %swap3A_702 = arith.index_cast %add3A_698 : i32 to index
          %swap3A_703 = tpu.vector_load %arg13[%swap3A_702] masked %scan3A_179#17 {strides = array<i32>} : memref<224xf32, #tpu.memory_space<vmem>>, vector<16xf32>, vector<16xi1>
          tpu.vector_store %arg13[%swap3A_702], %scan3A_179#9 masked %scan3A_179#17 {strides = array<i32>} : memref<224xf32, #tpu.memory_space<vmem>>, vector<16xf32>, vector<16xi1>
          %add3A_704 = arith.constant 64 : i32
          %add3A_705 = arith.addi %scan3A_179#21, %add3A_704 : i32
          %add3A_706 = vector.broadcast %add3A_705 : i32 to vector<16xi32>
          %add3A_707 = arith.addi %iota3A, %add3A_706 : vector<16xi32>
          %swap3A_708 = arith.index_cast %add3A_698 : i32 to index
          %swap3A_709 = tpu.vector_load %arg14[%swap3A_708] masked %scan3A_179#17 {strides = array<i32>} : memref<224xi32, #tpu.memory_space<vmem>>, vector<16xi32>, vector<16xi1>
          tpu.vector_store %arg14[%swap3A_708], %add3A_707 masked %scan3A_179#17 {strides = array<i32>} : memref<224xi32, #tpu.memory_space<vmem>>, vector<16xi32>, vector<16xi1>
          %add3A_710 = arith.addi %add3A_698, %squeeze3A_701 : i32
          %all_reduce_population_count3A_711 = tpu.all_reduce %scan3A_179#18 {dim = 0 : i64, kind = #tpu.reduction_kind<sum>} : vector<16xi1> -> vector<16xi32>
          %slice3A_712 = vector.extract_strided_slice %all_reduce_population_count3A_711 {offsets = [0], sizes = [1], strides = [1]} : vector<16xi32> to vector<1xi32>
          %squeeze3A_713 = vector.extract %slice3A_712[0] : i32 from vector<1xi32>
          %swap3A_714 = arith.index_cast %add3A_710 : i32 to index
          %swap3A_715 = tpu.vector_load %arg13[%swap3A_714] masked %scan3A_179#18 {strides = array<i32>} : memref<224xf32, #tpu.memory_space<vmem>>, vector<16xf32>, vector<16xi1>
          tpu.vector_store %arg13[%swap3A_714], %scan3A_179#10 masked %scan3A_179#18 {strides = array<i32>} : memref<224xf32, #tpu.memory_space<vmem>>, vector<16xf32>, vector<16xi1>
          %add3A_716 = arith.constant 80 : i32
          %add3A_717 = arith.addi %scan3A_179#21, %add3A_716 : i32
          %add3A_718 = vector.broadcast %add3A_717 : i32 to vector<16xi32>
          %add3A_719 = arith.addi %iota3A, %add3A_718 : vector<16xi32>
          %swap3A_720 = arith.index_cast %add3A_710 : i32 to index
          %swap3A_721 = tpu.vector_load %arg14[%swap3A_720] masked %scan3A_179#18 {strides = array<i32>} : memref<224xi32, #tpu.memory_space<vmem>>, vector<16xi32>, vector<16xi1>
          tpu.vector_store %arg14[%swap3A_720], %add3A_719 masked %scan3A_179#18 {strides = array<i32>} : memref<224xi32, #tpu.memory_space<vmem>>, vector<16xi32>, vector<16xi1>
          %add3A_722 = arith.addi %add3A_710, %squeeze3A_713 : i32
          %all_reduce_population_count3A_723 = tpu.all_reduce %scan3A_179#19 {dim = 0 : i64, kind = #tpu.reduction_kind<sum>} : vector<16xi1> -> vector<16xi32>
          %slice3A_724 = vector.extract_strided_slice %all_reduce_population_count3A_723 {offsets = [0], sizes = [1], strides = [1]} : vector<16xi32> to vector<1xi32>
          %squeeze3A_725 = vector.extract %slice3A_724[0] : i32 from vector<1xi32>
          %swap3A_726 = arith.index_cast %add3A_722 : i32 to index
          %swap3A_727 = tpu.vector_load %arg13[%swap3A_726] masked %scan3A_179#19 {strides = array<i32>} : memref<224xf32, #tpu.memory_space<vmem>>, vector<16xf32>, vector<16xi1>
          tpu.vector_store %arg13[%swap3A_726], %scan3A_179#11 masked %scan3A_179#19 {strides = array<i32>} : memref<224xf32, #tpu.memory_space<vmem>>, vector<16xf32>, vector<16xi1>
          %add3A_728 = arith.constant 96 : i32
          %add3A_729 = arith.addi %scan3A_179#21, %add3A_728 : i32
          %add3A_730 = vector.broadcast %add3A_729 : i32 to vector<16xi32>
          %add3A_731 = arith.addi %iota3A, %add3A_730 : vector<16xi32>
          %swap3A_732 = arith.index_cast %add3A_722 : i32 to index
          %swap3A_733 = tpu.vector_load %arg14[%swap3A_732] masked %scan3A_179#19 {strides = array<i32>} : memref<224xi32, #tpu.memory_space<vmem>>, vector<16xi32>, vector<16xi1>
          tpu.vector_store %arg14[%swap3A_732], %add3A_731 masked %scan3A_179#19 {strides = array<i32>} : memref<224xi32, #tpu.memory_space<vmem>>, vector<16xi32>, vector<16xi1>
          %add3A_734 = arith.addi %add3A_722, %squeeze3A_725 : i32
          %all_reduce_population_count3A_735 = tpu.all_reduce %scan3A_179#20 {dim = 0 : i64, kind = #tpu.reduction_kind<sum>} : vector<16xi1> -> vector<16xi32>
          %slice3A_736 = vector.extract_strided_slice %all_reduce_population_count3A_735 {offsets = [0], sizes = [1], strides = [1]} : vector<16xi32> to vector<1xi32>
          %squeeze3A_737 = vector.extract %slice3A_736[0] : i32 from vector<1xi32>
          %swap3A_738 = arith.index_cast %add3A_734 : i32 to index
          %swap3A_739 = tpu.vector_load %arg13[%swap3A_738] masked %scan3A_179#20 {strides = array<i32>} : memref<224xf32, #tpu.memory_space<vmem>>, vector<16xf32>, vector<16xi1>
          tpu.vector_store %arg13[%swap3A_738], %scan3A_179#12 masked %scan3A_179#20 {strides = array<i32>} : memref<224xf32, #tpu.memory_space<vmem>>, vector<16xf32>, vector<16xi1>
          %add3A_740 = arith.constant 112 : i32
          %add3A_741 = arith.addi %scan3A_179#21, %add3A_740 : i32
          %add3A_742 = vector.broadcast %add3A_741 : i32 to vector<16xi32>
          %add3A_743 = arith.addi %iota3A, %add3A_742 : vector<16xi32>
          %swap3A_744 = arith.index_cast %add3A_734 : i32 to index
          %swap3A_745 = tpu.vector_load %arg14[%swap3A_744] masked %scan3A_179#20 {strides = array<i32>} : memref<224xi32, #tpu.memory_space<vmem>>, vector<16xi32>, vector<16xi1>
          tpu.vector_store %arg14[%swap3A_744], %add3A_743 masked %scan3A_179#20 {strides = array<i32>} : memref<224xi32, #tpu.memory_space<vmem>>, vector<16xi32>, vector<16xi1>
          %add3A_746 = arith.addi %add3A_734, %squeeze3A_737 : i32
          %ge3A = arith.constant 64 : i32
          %ge3A_747 = arith.cmpi sge, %add3A_746, %ge3A : i32
          %convert_element_type3A_748 = arith.extui %ge3A_747 : i1 to i32
          %cond3A_749 = arith.constant 0 : i32
          %cond3A_750 = arith.cmpi ne, %convert_element_type3A_748, %cond3A_749 : i32
          %cond3A_751:4 = scf.if %cond3A_750 -> (vector<16xf32>, vector<16xi32>, vector<16xf32>, i32) {
            %get3A_752 = arith.constant 0 : index
            %get3A_753 = tpu.vector_load %arg13[%get3A_752] {strides = array<i32>} : memref<224xf32, #tpu.memory_space<vmem>>, vector<16xf32>,
            %get3A_754 = arith.constant 0 : index
            %get3A_755 = tpu.vector_load %arg14[%get3A_754] {strides = array<i32>} : memref<224xi32, #tpu.memory_space<vmem>>, vector<16xi32>,
            %add3A_756 = arith.constant 0 : i32
            %add3A_757 = vector.broadcast %add3A_756 : i32 to vector<16xi32>
            %add3A_758 = arith.addi %iota3A, %add3A_757 : vector<16xi32>
            %lt3A_759 = vector.broadcast %add3A_746 : i32 to vector<16xi32>
            %lt3A_760 = arith.cmpi slt, %add3A_758, %lt3A_759 : vector<16xi32>
            %jit3A_761 = arith.constant 0x7F800000 : f32
            %broadcast_in_dim3A_762 = vector.broadcast %jit3A_761 : f32 to vector<16xf32>
            %select_n3A_763 = arith.select %lt3A_760, %get3A_753, %broadcast_in_dim3A_762 : vector<16xi1>, vector<16xf32>
            %masked_sort3A_764 = arith.constant dense<true> : vector<16xi1>
            %masked_sort3A_765, %masked_sort3A_766, %masked_sort3A_767 = tpu.sort %select_n3A_763, %get3A_755 masked %masked_sort3A_764 : (vector<16xf32>, vector<16xi32>, vector<16xi1>) -> (vector<16xi1>, vector<16xf32>, vector<16xi32>)
            %get3A_768 = arith.constant 16 : index
            %get3A_769 = tpu.vector_load %arg13[%get3A_768] {strides = array<i32>} : memref<224xf32, #tpu.memory_space<vmem>>, vector<16xf32>,
            %get3A_770 = arith.constant 16 : index
            %get3A_771 = tpu.vector_load %arg14[%get3A_770] {strides = array<i32>} : memref<224xi32, #tpu.memory_space<vmem>>, vector<16xi32>,
            %add3A_772 = arith.constant 16 : i32
            %add3A_773 = vector.broadcast %add3A_772 : i32 to vector<16xi32>
            %add3A_774 = arith.addi %iota3A, %add3A_773 : vector<16xi32>
            %lt3A_775 = vector.broadcast %add3A_746 : i32 to vector<16xi32>
            %lt3A_776 = arith.cmpi slt, %add3A_774, %lt3A_775 : vector<16xi32>
            %jit3A_777 = arith.constant 0x7F800000 : f32
            %broadcast_in_dim3A_778 = vector.broadcast %jit3A_777 : f32 to vector<16xf32>
            %select_n3A_779 = arith.select %lt3A_776, %get3A_769, %broadcast_in_dim3A_778 : vector<16xi1>, vector<16xf32>
            %masked_sort3A_780 = arith.constant dense<true> : vector<16xi1>
            %masked_sort3A_781, %masked_sort3A_782, %masked_sort3A_783 = tpu.sort %select_n3A_779, %get3A_771 masked %masked_sort3A_780 : (vector<16xf32>, vector<16xi32>, vector<16xi1>) -> (vector<16xi1>, vector<16xf32>, vector<16xi32>)
            %get3A_784 = arith.constant 32 : index
            %get3A_785 = tpu.vector_load %arg13[%get3A_784] {strides = array<i32>} : memref<224xf32, #tpu.memory_space<vmem>>, vector<16xf32>,
            %get3A_786 = arith.constant 32 : index
            %get3A_787 = tpu.vector_load %arg14[%get3A_786] {strides = array<i32>} : memref<224xi32, #tpu.memory_space<vmem>>, vector<16xi32>,
            %add3A_788 = arith.constant 32 : i32
            %add3A_789 = vector.broadcast %add3A_788 : i32 to vector<16xi32>
            %add3A_790 = arith.addi %iota3A, %add3A_789 : vector<16xi32>
            %lt3A_791 = vector.broadcast %add3A_746 : i32 to vector<16xi32>
            %lt3A_792 = arith.cmpi slt, %add3A_790, %lt3A_791 : vector<16xi32>
            %jit3A_793 = arith.constant 0x7F800000 : f32
            %broadcast_in_dim3A_794 = vector.broadcast %jit3A_793 : f32 to vector<16xf32>
            %select_n3A_795 = arith.select %lt3A_792, %get3A_785, %broadcast_in_dim3A_794 : vector<16xi1>, vector<16xf32>
            %masked_sort3A_796 = arith.constant dense<true> : vector<16xi1>
            %masked_sort3A_797, %masked_sort3A_798, %masked_sort3A_799 = tpu.sort %select_n3A_795, %get3A_787 masked %masked_sort3A_796 : (vector<16xf32>, vector<16xi32>, vector<16xi1>) -> (vector<16xi1>, vector<16xf32>, vector<16xi32>)
            %get3A_800 = arith.constant 48 : index
            %get3A_801 = tpu.vector_load %arg13[%get3A_800] {strides = array<i32>} : memref<224xf32, #tpu.memory_space<vmem>>, vector<16xf32>,
            %get3A_802 = arith.constant 48 : index
            %get3A_803 = tpu.vector_load %arg14[%get3A_802] {strides = array<i32>} : memref<224xi32, #tpu.memory_space<vmem>>, vector<16xi32>,
            %add3A_804 = arith.constant 48 : i32
            %add3A_805 = vector.broadcast %add3A_804 : i32 to vector<16xi32>
            %add3A_806 = arith.addi %iota3A, %add3A_805 : vector<16xi32>
            %lt3A_807 = vector.broadcast %add3A_746 : i32 to vector<16xi32>
            %lt3A_808 = arith.cmpi slt, %add3A_806, %lt3A_807 : vector<16xi32>
            %jit3A_809 = arith.constant 0x7F800000 : f32
            %broadcast_in_dim3A_810 = vector.broadcast %jit3A_809 : f32 to vector<16xf32>
            %select_n3A_811 = arith.select %lt3A_808, %get3A_801, %broadcast_in_dim3A_810 : vector<16xi1>, vector<16xf32>
            %masked_sort3A_812 = arith.constant dense<true> : vector<16xi1>
            %masked_sort3A_813, %masked_sort3A_814, %masked_sort3A_815 = tpu.sort %select_n3A_811, %get3A_803 masked %masked_sort3A_812 : (vector<16xf32>, vector<16xi32>, vector<16xi1>) -> (vector<16xi1>, vector<16xf32>, vector<16xi32>)
            %get3A_816 = arith.constant 64 : index
            %get3A_817 = tpu.vector_load %arg13[%get3A_816] {strides = array<i32>} : memref<224xf32, #tpu.memory_space<vmem>>, vector<16xf32>,
            %get3A_818 = arith.constant 64 : index
            %get3A_819 = tpu.vector_load %arg14[%get3A_818] {strides = array<i32>} : memref<224xi32, #tpu.memory_space<vmem>>, vector<16xi32>,
            %add3A_820 = arith.constant 64 : i32
            %add3A_821 = vector.broadcast %add3A_820 : i32 to vector<16xi32>
            %add3A_822 = arith.addi %iota3A, %add3A_821 : vector<16xi32>
            %lt3A_823 = vector.broadcast %add3A_746 : i32 to vector<16xi32>
            %lt3A_824 = arith.cmpi slt, %add3A_822, %lt3A_823 : vector<16xi32>
            %jit3A_825 = arith.constant 0x7F800000 : f32
            %broadcast_in_dim3A_826 = vector.broadcast %jit3A_825 : f32 to vector<16xf32>
            %select_n3A_827 = arith.select %lt3A_824, %get3A_817, %broadcast_in_dim3A_826 : vector<16xi1>, vector<16xf32>
            %masked_sort3A_828 = arith.constant dense<true> : vector<16xi1>
            %masked_sort3A_829, %masked_sort3A_830, %masked_sort3A_831 = tpu.sort %select_n3A_827, %get3A_819 masked %masked_sort3A_828 : (vector<16xf32>, vector<16xi32>, vector<16xi1>) -> (vector<16xi1>, vector<16xf32>, vector<16xi32>)
            %get3A_832 = arith.constant 80 : index
            %get3A_833 = tpu.vector_load %arg13[%get3A_832] {strides = array<i32>} : memref<224xf32, #tpu.memory_space<vmem>>, vector<16xf32>,
            %get3A_834 = arith.constant 80 : index
            %get3A_835 = tpu.vector_load %arg14[%get3A_834] {strides = array<i32>} : memref<224xi32, #tpu.memory_space<vmem>>, vector<16xi32>,
            %add3A_836 = arith.constant 80 : i32
            %add3A_837 = vector.broadcast %add3A_836 : i32 to vector<16xi32>
            %add3A_838 = arith.addi %iota3A, %add3A_837 : vector<16xi32>
            %lt3A_839 = vector.broadcast %add3A_746 : i32 to vector<16xi32>
            %lt3A_840 = arith.cmpi slt, %add3A_838, %lt3A_839 : vector<16xi32>
            %jit3A_841 = arith.constant 0x7F800000 : f32
            %broadcast_in_dim3A_842 = vector.broadcast %jit3A_841 : f32 to vector<16xf32>
            %select_n3A_843 = arith.select %lt3A_840, %get3A_833, %broadcast_in_dim3A_842 : vector<16xi1>, vector<16xf32>
            %masked_sort3A_844 = arith.constant dense<true> : vector<16xi1>
            %masked_sort3A_845, %masked_sort3A_846, %masked_sort3A_847 = tpu.sort %select_n3A_843, %get3A_835 masked %masked_sort3A_844 : (vector<16xf32>, vector<16xi32>, vector<16xi1>) -> (vector<16xi1>, vector<16xf32>, vector<16xi32>)
            %get3A_848 = arith.constant 96 : index
            %get3A_849 = tpu.vector_load %arg13[%get3A_848] {strides = array<i32>} : memref<224xf32, #tpu.memory_space<vmem>>, vector<16xf32>,
            %get3A_850 = arith.constant 96 : index
            %get3A_851 = tpu.vector_load %arg14[%get3A_850] {strides = array<i32>} : memref<224xi32, #tpu.memory_space<vmem>>, vector<16xi32>,
            %add3A_852 = arith.constant 96 : i32
            %add3A_853 = vector.broadcast %add3A_852 : i32 to vector<16xi32>
            %add3A_854 = arith.addi %iota3A, %add3A_853 : vector<16xi32>
            %lt3A_855 = vector.broadcast %add3A_746 : i32 to vector<16xi32>
            %lt3A_856 = arith.cmpi slt, %add3A_854, %lt3A_855 : vector<16xi32>
            %jit3A_857 = arith.constant 0x7F800000 : f32
            %broadcast_in_dim3A_858 = vector.broadcast %jit3A_857 : f32 to vector<16xf32>
            %select_n3A_859 = arith.select %lt3A_856, %get3A_849, %broadcast_in_dim3A_858 : vector<16xi1>, vector<16xf32>
            %masked_sort3A_860 = arith.constant dense<true> : vector<16xi1>
            %masked_sort3A_861, %masked_sort3A_862, %masked_sort3A_863 = tpu.sort %select_n3A_859, %get3A_851 masked %masked_sort3A_860 : (vector<16xf32>, vector<16xi32>, vector<16xi1>) -> (vector<16xi1>, vector<16xf32>, vector<16xi32>)
            %get3A_864 = arith.constant 112 : index
            %get3A_865 = tpu.vector_load %arg13[%get3A_864] {strides = array<i32>} : memref<224xf32, #tpu.memory_space<vmem>>, vector<16xf32>,
            %get3A_866 = arith.constant 112 : index
            %get3A_867 = tpu.vector_load %arg14[%get3A_866] {strides = array<i32>} : memref<224xi32, #tpu.memory_space<vmem>>, vector<16xi32>,
            %add3A_868 = arith.constant 112 : i32
            %add3A_869 = vector.broadcast %add3A_868 : i32 to vector<16xi32>
            %add3A_870 = arith.addi %iota3A, %add3A_869 : vector<16xi32>
            %lt3A_871 = vector.broadcast %add3A_746 : i32 to vector<16xi32>
            %lt3A_872 = arith.cmpi slt, %add3A_870, %lt3A_871 : vector<16xi32>
            %jit3A_873 = arith.constant 0x7F800000 : f32
            %broadcast_in_dim3A_874 = vector.broadcast %jit3A_873 : f32 to vector<16xf32>
            %select_n3A_875 = arith.select %lt3A_872, %get3A_865, %broadcast_in_dim3A_874 : vector<16xi1>, vector<16xf32>
            %masked_sort3A_876 = arith.constant dense<true> : vector<16xi1>
            %masked_sort3A_877, %masked_sort3A_878, %masked_sort3A_879 = tpu.sort %select_n3A_875, %get3A_867 masked %masked_sort3A_876 : (vector<16xf32>, vector<16xi32>, vector<16xi1>) -> (vector<16xi1>, vector<16xf32>, vector<16xi32>)
            %get3A_880 = arith.constant 128 : index
            %get3A_881 = tpu.vector_load %arg13[%get3A_880] {strides = array<i32>} : memref<224xf32, #tpu.memory_space<vmem>>, vector<16xf32>,
            %get3A_882 = arith.constant 128 : index
            %get3A_883 = tpu.vector_load %arg14[%get3A_882] {strides = array<i32>} : memref<224xi32, #tpu.memory_space<vmem>>, vector<16xi32>,
            %add3A_884 = arith.constant 128 : i32
            %add3A_885 = vector.broadcast %add3A_884 : i32 to vector<16xi32>
            %add3A_886 = arith.addi %iota3A, %add3A_885 : vector<16xi32>
            %lt3A_887 = vector.broadcast %add3A_746 : i32 to vector<16xi32>
            %lt3A_888 = arith.cmpi slt, %add3A_886, %lt3A_887 : vector<16xi32>
            %jit3A_889 = arith.constant 0x7F800000 : f32
            %broadcast_in_dim3A_890 = vector.broadcast %jit3A_889 : f32 to vector<16xf32>
            %select_n3A_891 = arith.select %lt3A_888, %get3A_881, %broadcast_in_dim3A_890 : vector<16xi1>, vector<16xf32>
            %masked_sort3A_892 = arith.constant dense<true> : vector<16xi1>
            %masked_sort3A_893, %masked_sort3A_894, %masked_sort3A_895 = tpu.sort %select_n3A_891, %get3A_883 masked %masked_sort3A_892 : (vector<16xf32>, vector<16xi32>, vector<16xi1>) -> (vector<16xi1>, vector<16xf32>, vector<16xi32>)
            %get3A_896 = arith.constant 144 : index
            %get3A_897 = tpu.vector_load %arg13[%get3A_896] {strides = array<i32>} : memref<224xf32, #tpu.memory_space<vmem>>, vector<16xf32>,
            %get3A_898 = arith.constant 144 : index
            %get3A_899 = tpu.vector_load %arg14[%get3A_898] {strides = array<i32>} : memref<224xi32, #tpu.memory_space<vmem>>, vector<16xi32>,
            %add3A_900 = arith.constant 144 : i32
            %add3A_901 = vector.broadcast %add3A_900 : i32 to vector<16xi32>
            %add3A_902 = arith.addi %iota3A, %add3A_901 : vector<16xi32>
            %lt3A_903 = vector.broadcast %add3A_746 : i32 to vector<16xi32>
            %lt3A_904 = arith.cmpi slt, %add3A_902, %lt3A_903 : vector<16xi32>
            %jit3A_905 = arith.constant 0x7F800000 : f32
            %broadcast_in_dim3A_906 = vector.broadcast %jit3A_905 : f32 to vector<16xf32>
            %select_n3A_907 = arith.select %lt3A_904, %get3A_897, %broadcast_in_dim3A_906 : vector<16xi1>, vector<16xf32>
            %masked_sort3A_908 = arith.constant dense<true> : vector<16xi1>
            %masked_sort3A_909, %masked_sort3A_910, %masked_sort3A_911 = tpu.sort %select_n3A_907, %get3A_899 masked %masked_sort3A_908 : (vector<16xf32>, vector<16xi32>, vector<16xi1>) -> (vector<16xi1>, vector<16xf32>, vector<16xi32>)
            %get3A_912 = arith.constant 160 : index
            %get3A_913 = tpu.vector_load %arg13[%get3A_912] {strides = array<i32>} : memref<224xf32, #tpu.memory_space<vmem>>, vector<16xf32>,
            %get3A_914 = arith.constant 160 : index
            %get3A_915 = tpu.vector_load %arg14[%get3A_914] {strides = array<i32>} : memref<224xi32, #tpu.memory_space<vmem>>, vector<16xi32>,
            %add3A_916 = arith.constant 160 : i32
            %add3A_917 = vector.broadcast %add3A_916 : i32 to vector<16xi32>
            %add3A_918 = arith.addi %iota3A, %add3A_917 : vector<16xi32>
            %lt3A_919 = vector.broadcast %add3A_746 : i32 to vector<16xi32>
            %lt3A_920 = arith.cmpi slt, %add3A_918, %lt3A_919 : vector<16xi32>
            %jit3A_921 = arith.constant 0x7F800000 : f32
            %broadcast_in_dim3A_922 = vector.broadcast %jit3A_921 : f32 to vector<16xf32>
            %select_n3A_923 = arith.select %lt3A_920, %get3A_913, %broadcast_in_dim3A_922 : vector<16xi1>, vector<16xf32>
            %masked_sort3A_924 = arith.constant dense<true> : vector<16xi1>
            %masked_sort3A_925, %masked_sort3A_926, %masked_sort3A_927 = tpu.sort %select_n3A_923, %get3A_915 masked %masked_sort3A_924 : (vector<16xf32>, vector<16xi32>, vector<16xi1>) -> (vector<16xi1>, vector<16xf32>, vector<16xi32>)
            %get3A_928 = arith.constant 176 : index
            %get3A_929 = tpu.vector_load %arg13[%get3A_928] {strides = array<i32>} : memref<224xf32, #tpu.memory_space<vmem>>, vector<16xf32>,
            %get3A_930 = arith.constant 176 : index
            %get3A_931 = tpu.vector_load %arg14[%get3A_930] {strides = array<i32>} : memref<224xi32, #tpu.memory_space<vmem>>, vector<16xi32>,
            %add3A_932 = arith.constant 176 : i32
            %add3A_933 = vector.broadcast %add3A_932 : i32 to vector<16xi32>
            %add3A_934 = arith.addi %iota3A, %add3A_933 : vector<16xi32>
            %lt3A_935 = vector.broadcast %add3A_746 : i32 to vector<16xi32>
            %lt3A_936 = arith.cmpi slt, %add3A_934, %lt3A_935 : vector<16xi32>
            %jit3A_937 = arith.constant 0x7F800000 : f32
            %broadcast_in_dim3A_938 = vector.broadcast %jit3A_937 : f32 to vector<16xf32>
            %select_n3A_939 = arith.select %lt3A_936, %get3A_929, %broadcast_in_dim3A_938 : vector<16xi1>, vector<16xf32>
            %masked_sort3A_940 = arith.constant dense<true> : vector<16xi1>
            %masked_sort3A_941, %masked_sort3A_942, %masked_sort3A_943 = tpu.sort %select_n3A_939, %get3A_931 masked %masked_sort3A_940 : (vector<16xf32>, vector<16xi32>, vector<16xi1>) -> (vector<16xi1>, vector<16xf32>, vector<16xi32>)
            %rev3A_944 = arith.constant 15 : i32
            %rev3A_945 = vector.broadcast %rev3A_944 : i32 to vector<16xi32>
            %rev3A_946 = tpu.iota {dimensions = array<i32: 0>} : vector<16xi32>
            %rev3A_947 = arith.subi %rev3A_945, %rev3A_946 : vector<16xi32>
            %rev3A_948 = tpu.dynamic_gather %masked_sort3A_782[%rev3A_947] in [0] : vector<16xf32>, vector<16xi32> -> vector<16xf32>
            %rev3A_949 = arith.constant 15 : i32
            %rev3A_950 = vector.broadcast %rev3A_949 : i32 to vector<16xi32>
            %rev3A_951 = tpu.iota {dimensions = array<i32: 0>} : vector<16xi32>
            %rev3A_952 = arith.subi %rev3A_950, %rev3A_951 : vector<16xi32>
            %rev3A_953 = tpu.dynamic_gather %masked_sort3A_783[%rev3A_952] in [0] : vector<16xi32>, vector<16xi32> -> vector<16xi32>
            %lt3A_954 = arith.cmpf olt, %rev3A_948, %masked_sort3A_766 : vector<16xf32>
            %select_n3A_955 = arith.select %lt3A_954, %rev3A_948, %masked_sort3A_766 : vector<16xi1>, vector<16xf32>
            %select_n3A_956 = arith.select %lt3A_954, %rev3A_953, %masked_sort3A_767 : vector<16xi1>, vector<16xi32>
            %masked_sort3A_957 = arith.constant dense<true> : vector<16xi1>
            %masked_sort3A_958, %masked_sort3A_959, %masked_sort3A_960 = tpu.sort %select_n3A_955, %select_n3A_956 masked %masked_sort3A_957 : (vector<16xf32>, vector<16xi32>, vector<16xi1>) -> (vector<16xi1>, vector<16xf32>, vector<16xi32>)
            %rev3A_961 = arith.constant 15 : i32
            %rev3A_962 = vector.broadcast %rev3A_961 : i32 to vector<16xi32>
            %rev3A_963 = tpu.iota {dimensions = array<i32: 0>} : vector<16xi32>
            %rev3A_964 = arith.subi %rev3A_962, %rev3A_963 : vector<16xi32>
            %rev3A_965 = tpu.dynamic_gather %masked_sort3A_814[%rev3A_964] in [0] : vector<16xf32>, vector<16xi32> -> vector<16xf32>
            %rev3A_966 = arith.constant 15 : i32
            %rev3A_967 = vector.broadcast %rev3A_966 : i32 to vector<16xi32>
            %rev3A_968 = tpu.iota {dimensions = array<i32: 0>} : vector<16xi32>
            %rev3A_969 = arith.subi %rev3A_967, %rev3A_968 : vector<16xi32>
            %rev3A_970 = tpu.dynamic_gather %masked_sort3A_815[%rev3A_969] in [0] : vector<16xi32>, vector<16xi32> -> vector<16xi32>
            %lt3A_971 = arith.cmpf olt, %rev3A_965, %masked_sort3A_798 : vector<16xf32>
            %select_n3A_972 = arith.select %lt3A_971, %rev3A_965, %masked_sort3A_798 : vector<16xi1>, vector<16xf32>
            %select_n3A_973 = arith.select %lt3A_971, %rev3A_970, %masked_sort3A_799 : vector<16xi1>, vector<16xi32>
            %masked_sort3A_974 = arith.constant dense<true> : vector<16xi1>
            %masked_sort3A_975, %masked_sort3A_976, %masked_sort3A_977 = tpu.sort %select_n3A_972, %select_n3A_973 masked %masked_sort3A_974 : (vector<16xf32>, vector<16xi32>, vector<16xi1>) -> (vector<16xi1>, vector<16xf32>, vector<16xi32>)
            %rev3A_978 = arith.constant 15 : i32
            %rev3A_979 = vector.broadcast %rev3A_978 : i32 to vector<16xi32>
            %rev3A_980 = tpu.iota {dimensions = array<i32: 0>} : vector<16xi32>
            %rev3A_981 = arith.subi %rev3A_979, %rev3A_980 : vector<16xi32>
            %rev3A_982 = tpu.dynamic_gather %masked_sort3A_846[%rev3A_981] in [0] : vector<16xf32>, vector<16xi32> -> vector<16xf32>
            %rev3A_983 = arith.constant 15 : i32
            %rev3A_984 = vector.broadcast %rev3A_983 : i32 to vector<16xi32>
            %rev3A_985 = tpu.iota {dimensions = array<i32: 0>} : vector<16xi32>
            %rev3A_986 = arith.subi %rev3A_984, %rev3A_985 : vector<16xi32>
            %rev3A_987 = tpu.dynamic_gather %masked_sort3A_847[%rev3A_986] in [0] : vector<16xi32>, vector<16xi32> -> vector<16xi32>
            %lt3A_988 = arith.cmpf olt, %rev3A_982, %masked_sort3A_830 : vector<16xf32>
            %select_n3A_989 = arith.select %lt3A_988, %rev3A_982, %masked_sort3A_830 : vector<16xi1>, vector<16xf32>
            %select_n3A_990 = arith.select %lt3A_988, %rev3A_987, %masked_sort3A_831 : vector<16xi1>, vector<16xi32>
            %masked_sort3A_991 = arith.constant dense<true> : vector<16xi1>
            %masked_sort3A_992, %masked_sort3A_993, %masked_sort3A_994 = tpu.sort %select_n3A_989, %select_n3A_990 masked %masked_sort3A_991 : (vector<16xf32>, vector<16xi32>, vector<16xi1>) -> (vector<16xi1>, vector<16xf32>, vector<16xi32>)
            %rev3A_995 = arith.constant 15 : i32
            %rev3A_996 = vector.broadcast %rev3A_995 : i32 to vector<16xi32>
            %rev3A_997 = tpu.iota {dimensions = array<i32: 0>} : vector<16xi32>
            %rev3A_998 = arith.subi %rev3A_996, %rev3A_997 : vector<16xi32>
            %rev3A_999 = tpu.dynamic_gather %masked_sort3A_878[%rev3A_998] in [0] : vector<16xf32>, vector<16xi32> -> vector<16xf32>
            %rev3A_1000 = arith.constant 15 : i32
            %rev3A_1001 = vector.broadcast %rev3A_1000 : i32 to vector<16xi32>
            %rev3A_1002 = tpu.iota {dimensions = array<i32: 0>} : vector<16xi32>
            %rev3A_1003 = arith.subi %rev3A_1001, %rev3A_1002 : vector<16xi32>
            %rev3A_1004 = tpu.dynamic_gather %masked_sort3A_879[%rev3A_1003] in [0] : vector<16xi32>, vector<16xi32> -> vector<16xi32>
            %lt3A_1005 = arith.cmpf olt, %rev3A_999, %masked_sort3A_862 : vector<16xf32>
            %select_n3A_1006 = arith.select %lt3A_1005, %rev3A_999, %masked_sort3A_862 : vector<16xi1>, vector<16xf32>
            %select_n3A_1007 = arith.select %lt3A_1005, %rev3A_1004, %masked_sort3A_863 : vector<16xi1>, vector<16xi32>
            %masked_sort3A_1008 = arith.constant dense<true> : vector<16xi1>
            %masked_sort3A_1009, %masked_sort3A_1010, %masked_sort3A_1011 = tpu.sort %select_n3A_1006, %select_n3A_1007 masked %masked_sort3A_1008 : (vector<16xf32>, vector<16xi32>, vector<16xi1>) -> (vector<16xi1>, vector<16xf32>, vector<16xi32>)
            %rev3A_1012 = arith.constant 15 : i32
            %rev3A_1013 = vector.broadcast %rev3A_1012 : i32 to vector<16xi32>
            %rev3A_1014 = tpu.iota {dimensions = array<i32: 0>} : vector<16xi32>
            %rev3A_1015 = arith.subi %rev3A_1013, %rev3A_1014 : vector<16xi32>
            %rev3A_1016 = tpu.dynamic_gather %masked_sort3A_910[%rev3A_1015] in [0] : vector<16xf32>, vector<16xi32> -> vector<16xf32>
            %rev3A_1017 = arith.constant 15 : i32
            %rev3A_1018 = vector.broadcast %rev3A_1017 : i32 to vector<16xi32>
            %rev3A_1019 = tpu.iota {dimensions = array<i32: 0>} : vector<16xi32>
            %rev3A_1020 = arith.subi %rev3A_1018, %rev3A_1019 : vector<16xi32>
            %rev3A_1021 = tpu.dynamic_gather %masked_sort3A_911[%rev3A_1020] in [0] : vector<16xi32>, vector<16xi32> -> vector<16xi32>
            %lt3A_1022 = arith.cmpf olt, %rev3A_1016, %masked_sort3A_894 : vector<16xf32>
            %select_n3A_1023 = arith.select %lt3A_1022, %rev3A_1016, %masked_sort3A_894 : vector<16xi1>, vector<16xf32>
            %select_n3A_1024 = arith.select %lt3A_1022, %rev3A_1021, %masked_sort3A_895 : vector<16xi1>, vector<16xi32>
            %masked_sort3A_1025 = arith.constant dense<true> : vector<16xi1>
            %masked_sort3A_1026, %masked_sort3A_1027, %masked_sort3A_1028 = tpu.sort %select_n3A_1023, %select_n3A_1024 masked %masked_sort3A_1025 : (vector<16xf32>, vector<16xi32>, vector<16xi1>) -> (vector<16xi1>, vector<16xf32>, vector<16xi32>)
            %rev3A_1029 = arith.constant 15 : i32
            %rev3A_1030 = vector.broadcast %rev3A_1029 : i32 to vector<16xi32>
            %rev3A_1031 = tpu.iota {dimensions = array<i32: 0>} : vector<16xi32>
            %rev3A_1032 = arith.subi %rev3A_1030, %rev3A_1031 : vector<16xi32>
            %rev3A_1033 = tpu.dynamic_gather %masked_sort3A_942[%rev3A_1032] in [0] : vector<16xf32>, vector<16xi32> -> vector<16xf32>
            %rev3A_1034 = arith.constant 15 : i32
            %rev3A_1035 = vector.broadcast %rev3A_1034 : i32 to vector<16xi32>
            %rev3A_1036 = tpu.iota {dimensions = array<i32: 0>} : vector<16xi32>
            %rev3A_1037 = arith.subi %rev3A_1035, %rev3A_1036 : vector<16xi32>
            %rev3A_1038 = tpu.dynamic_gather %masked_sort3A_943[%rev3A_1037] in [0] : vector<16xi32>, vector<16xi32> -> vector<16xi32>
            %lt3A_1039 = arith.cmpf olt, %rev3A_1033, %masked_sort3A_926 : vector<16xf32>
            %select_n3A_1040 = arith.select %lt3A_1039, %rev3A_1033, %masked_sort3A_926 : vector<16xi1>, vector<16xf32>
            %select_n3A_1041 = arith.select %lt3A_1039, %rev3A_1038, %masked_sort3A_927 : vector<16xi1>, vector<16xi32>
            %masked_sort3A_1042 = arith.constant dense<true> : vector<16xi1>
            %masked_sort3A_1043, %masked_sort3A_1044, %masked_sort3A_1045 = tpu.sort %select_n3A_1040, %select_n3A_1041 masked %masked_sort3A_1042 : (vector<16xf32>, vector<16xi32>, vector<16xi1>) -> (vector<16xi1>, vector<16xf32>, vector<16xi32>)
            %rev3A_1046 = arith.constant 15 : i32
            %rev3A_1047 = vector.broadcast %rev3A_1046 : i32 to vector<16xi32>
            %rev3A_1048 = tpu.iota {dimensions = array<i32: 0>} : vector<16xi32>
            %rev3A_1049 = arith.subi %rev3A_1047, %rev3A_1048 : vector<16xi32>
            %rev3A_1050 = tpu.dynamic_gather %masked_sort3A_976[%rev3A_1049] in [0] : vector<16xf32>, vector<16xi32> -> vector<16xf32>
            %rev3A_1051 = arith.constant 15 : i32
            %rev3A_1052 = vector.broadcast %rev3A_1051 : i32 to vector<16xi32>
            %rev3A_1053 = tpu.iota {dimensions = array<i32: 0>} : vector<16xi32>
            %rev3A_1054 = arith.subi %rev3A_1052, %rev3A_1053 : vector<16xi32>
            %rev3A_1055 = tpu.dynamic_gather %masked_sort3A_977[%rev3A_1054] in [0] : vector<16xi32>, vector<16xi32> -> vector<16xi32>
            %lt3A_1056 = arith.cmpf olt, %rev3A_1050, %masked_sort3A_959 : vector<16xf32>
            %select_n3A_1057 = arith.select %lt3A_1056, %rev3A_1050, %masked_sort3A_959 : vector<16xi1>, vector<16xf32>
            %select_n3A_1058 = arith.select %lt3A_1056, %rev3A_1055, %masked_sort3A_960 : vector<16xi1>, vector<16xi32>
            %masked_sort3A_1059 = arith.constant dense<true> : vector<16xi1>
            %masked_sort3A_1060, %masked_sort3A_1061, %masked_sort3A_1062 = tpu.sort %select_n3A_1057, %select_n3A_1058 masked %masked_sort3A_1059 : (vector<16xf32>, vector<16xi32>, vector<16xi1>) -> (vector<16xi1>, vector<16xf32>, vector<16xi32>)
            %rev3A_1063 = arith.constant 15 : i32
            %rev3A_1064 = vector.broadcast %rev3A_1063 : i32 to vector<16xi32>
            %rev3A_1065 = tpu.iota {dimensions = array<i32: 0>} : vector<16xi32>
            %rev3A_1066 = arith.subi %rev3A_1064, %rev3A_1065 : vector<16xi32>
            %rev3A_1067 = tpu.dynamic_gather %masked_sort3A_1010[%rev3A_1066] in [0] : vector<16xf32>, vector<16xi32> -> vector<16xf32>
            %rev3A_1068 = arith.constant 15 : i32
            %rev3A_1069 = vector.broadcast %rev3A_1068 : i32 to vector<16xi32>
            %rev3A_1070 = tpu.iota {dimensions = array<i32: 0>} : vector<16xi32>
            %rev3A_1071 = arith.subi %rev3A_1069, %rev3A_1070 : vector<16xi32>
            %rev3A_1072 = tpu.dynamic_gather %masked_sort3A_1011[%rev3A_1071] in [0] : vector<16xi32>, vector<16xi32> -> vector<16xi32>
            %lt3A_1073 = arith.cmpf olt, %rev3A_1067, %masked_sort3A_993 : vector<16xf32>
            %select_n3A_1074 = arith.select %lt3A_1073, %rev3A_1067, %masked_sort3A_993 : vector<16xi1>, vector<16xf32>
            %select_n3A_1075 = arith.select %lt3A_1073, %rev3A_1072, %masked_sort3A_994 : vector<16xi1>, vector<16xi32>
            %masked_sort3A_1076 = arith.constant dense<true> : vector<16xi1>
            %masked_sort3A_1077, %masked_sort3A_1078, %masked_sort3A_1079 = tpu.sort %select_n3A_1074, %select_n3A_1075 masked %masked_sort3A_1076 : (vector<16xf32>, vector<16xi32>, vector<16xi1>) -> (vector<16xi1>, vector<16xf32>, vector<16xi32>)
            %rev3A_1080 = arith.constant 15 : i32
            %rev3A_1081 = vector.broadcast %rev3A_1080 : i32 to vector<16xi32>
            %rev3A_1082 = tpu.iota {dimensions = array<i32: 0>} : vector<16xi32>
            %rev3A_1083 = arith.subi %rev3A_1081, %rev3A_1082 : vector<16xi32>
            %rev3A_1084 = tpu.dynamic_gather %masked_sort3A_1044[%rev3A_1083] in [0] : vector<16xf32>, vector<16xi32> -> vector<16xf32>
            %rev3A_1085 = arith.constant 15 : i32
            %rev3A_1086 = vector.broadcast %rev3A_1085 : i32 to vector<16xi32>
            %rev3A_1087 = tpu.iota {dimensions = array<i32: 0>} : vector<16xi32>
            %rev3A_1088 = arith.subi %rev3A_1086, %rev3A_1087 : vector<16xi32>
            %rev3A_1089 = tpu.dynamic_gather %masked_sort3A_1045[%rev3A_1088] in [0] : vector<16xi32>, vector<16xi32> -> vector<16xi32>
            %lt3A_1090 = arith.cmpf olt, %rev3A_1084, %masked_sort3A_1027 : vector<16xf32>
            %select_n3A_1091 = arith.select %lt3A_1090, %rev3A_1084, %masked_sort3A_1027 : vector<16xi1>, vector<16xf32>
            %select_n3A_1092 = arith.select %lt3A_1090, %rev3A_1089, %masked_sort3A_1028 : vector<16xi1>, vector<16xi32>
            %masked_sort3A_1093 = arith.constant dense<true> : vector<16xi1>
            %masked_sort3A_1094, %masked_sort3A_1095, %masked_sort3A_1096 = tpu.sort %select_n3A_1091, %select_n3A_1092 masked %masked_sort3A_1093 : (vector<16xf32>, vector<16xi32>, vector<16xi1>) -> (vector<16xi1>, vector<16xf32>, vector<16xi32>)
            %rev3A_1097 = arith.constant 15 : i32
            %rev3A_1098 = vector.broadcast %rev3A_1097 : i32 to vector<16xi32>
            %rev3A_1099 = tpu.iota {dimensions = array<i32: 0>} : vector<16xi32>
            %rev3A_1100 = arith.subi %rev3A_1098, %rev3A_1099 : vector<16xi32>
            %rev3A_1101 = tpu.dynamic_gather %masked_sort3A_1078[%rev3A_1100] in [0] : vector<16xf32>, vector<16xi32> -> vector<16xf32>
            %rev3A_1102 = arith.constant 15 : i32
            %rev3A_1103 = vector.broadcast %rev3A_1102 : i32 to vector<16xi32>
            %rev3A_1104 = tpu.iota {dimensions = array<i32: 0>} : vector<16xi32>
            %rev3A_1105 = arith.subi %rev3A_1103, %rev3A_1104 : vector<16xi32>
            %rev3A_1106 = tpu.dynamic_gather %masked_sort3A_1079[%rev3A_1105] in [0] : vector<16xi32>, vector<16xi32> -> vector<16xi32>
            %lt3A_1107 = arith.cmpf olt, %rev3A_1101, %masked_sort3A_1061 : vector<16xf32>
            %select_n3A_1108 = arith.select %lt3A_1107, %rev3A_1101, %masked_sort3A_1061 : vector<16xi1>, vector<16xf32>
            %select_n3A_1109 = arith.select %lt3A_1107, %rev3A_1106, %masked_sort3A_1062 : vector<16xi1>, vector<16xi32>
            %masked_sort3A_1110 = arith.constant dense<true> : vector<16xi1>
            %masked_sort3A_1111, %masked_sort3A_1112, %masked_sort3A_1113 = tpu.sort %select_n3A_1108, %select_n3A_1109 masked %masked_sort3A_1110 : (vector<16xf32>, vector<16xi32>, vector<16xi1>) -> (vector<16xi1>, vector<16xf32>, vector<16xi32>)
            %rev3A_1114 = arith.constant 15 : i32
            %rev3A_1115 = vector.broadcast %rev3A_1114 : i32 to vector<16xi32>
            %rev3A_1116 = tpu.iota {dimensions = array<i32: 0>} : vector<16xi32>
            %rev3A_1117 = arith.subi %rev3A_1115, %rev3A_1116 : vector<16xi32>
            %rev3A_1118 = tpu.dynamic_gather %masked_sort3A_1095[%rev3A_1117] in [0] : vector<16xf32>, vector<16xi32> -> vector<16xf32>
            %rev3A_1119 = arith.constant 15 : i32
            %rev3A_1120 = vector.broadcast %rev3A_1119 : i32 to vector<16xi32>
            %rev3A_1121 = tpu.iota {dimensions = array<i32: 0>} : vector<16xi32>
            %rev3A_1122 = arith.subi %rev3A_1120, %rev3A_1121 : vector<16xi32>
            %rev3A_1123 = tpu.dynamic_gather %masked_sort3A_1096[%rev3A_1122] in [0] : vector<16xi32>, vector<16xi32> -> vector<16xi32>
            %lt3A_1124 = arith.cmpf olt, %rev3A_1118, %masked_sort3A_1112 : vector<16xf32>
            %select_n3A_1125 = arith.select %lt3A_1124, %rev3A_1118, %masked_sort3A_1112 : vector<16xi1>, vector<16xf32>
            %select_n3A_1126 = arith.select %lt3A_1124, %rev3A_1123, %masked_sort3A_1113 : vector<16xi1>, vector<16xi32>
            %masked_sort3A_1127 = arith.constant dense<true> : vector<16xi1>
            %masked_sort3A_1128, %masked_sort3A_1129, %masked_sort3A_1130 = tpu.sort %select_n3A_1125, %select_n3A_1126 masked %masked_sort3A_1127 : (vector<16xf32>, vector<16xi32>, vector<16xi1>) -> (vector<16xi1>, vector<16xf32>, vector<16xi32>)
            %rev3A_1131 = arith.constant 15 : i32
            %rev3A_1132 = vector.broadcast %rev3A_1131 : i32 to vector<16xi32>
            %rev3A_1133 = tpu.iota {dimensions = array<i32: 0>} : vector<16xi32>
            %rev3A_1134 = arith.subi %rev3A_1132, %rev3A_1133 : vector<16xi32>
            %rev3A_1135 = tpu.dynamic_gather %masked_sort3A_1129[%rev3A_1134] in [0] : vector<16xf32>, vector<16xi32> -> vector<16xf32>
            %rev3A_1136 = arith.constant 15 : i32
            %rev3A_1137 = vector.broadcast %rev3A_1136 : i32 to vector<16xi32>
            %rev3A_1138 = tpu.iota {dimensions = array<i32: 0>} : vector<16xi32>
            %rev3A_1139 = arith.subi %rev3A_1137, %rev3A_1138 : vector<16xi32>
            %rev3A_1140 = tpu.dynamic_gather %masked_sort3A_1130[%rev3A_1139] in [0] : vector<16xi32>, vector<16xi32> -> vector<16xi32>
            %lt3A_1141 = arith.cmpf olt, %rev3A_1135, %scan3A_179#0 : vector<16xf32>
            %select_n3A_1142 = arith.select %lt3A_1141, %rev3A_1135, %scan3A_179#0 : vector<16xi1>, vector<16xf32>
            %select_n3A_1143 = arith.select %lt3A_1141, %rev3A_1140, %scan3A_179#1 : vector<16xi1>, vector<16xi32>
            %masked_sort3A_1144 = arith.constant dense<true> : vector<16xi1>
            %masked_sort3A_1145, %masked_sort3A_1146, %masked_sort3A_1147 = tpu.sort %select_n3A_1142, %select_n3A_1143 masked %masked_sort3A_1144 : (vector<16xf32>, vector<16xi32>, vector<16xi1>) -> (vector<16xi1>, vector<16xf32>, vector<16xi32>)
            %broadcast_in_dim3A_1148 = arith.constant 15 : i32
            %broadcast_in_dim3A_1149 = vector.broadcast %broadcast_in_dim3A_1148 : i32 to vector<16xi32>
            %lt3A_1150 = arith.constant 0 : i32
            %lt3A_1151 = vector.broadcast %lt3A_1150 : i32 to vector<16xi32>
            %lt3A_1152 = arith.cmpi slt, %broadcast_in_dim3A_1149, %lt3A_1151 : vector<16xi32>
            %add3A_1153 = arith.constant 16 : i32
            %add3A_1154 = vector.broadcast %add3A_1153 : i32 to vector<16xi32>
            %add3A_1155 = arith.addi %broadcast_in_dim3A_1149, %add3A_1154 : vector<16xi32>
            %select_n3A_1156 = arith.select %lt3A_1152, %add3A_1155, %broadcast_in_dim3A_1149 : vector<16xi1>, vector<16xi32>
            %broadcast_in_dim3A_1157 = vector.shape_cast %select_n3A_1156 : vector<16xi32> to vector<16x1xi32>
            %gather3A_1158 = vector.shape_cast %broadcast_in_dim3A_1157 : vector<16x1xi32> to vector<16xi32>
            %gather3A_1159 = tpu.dynamic_gather %masked_sort3A_1146[%gather3A_1158] in [0] : vector<16xf32>, vector<16xi32> -> vector<16xf32>
            %cond3A_1160 = arith.constant 0 : i32
            scf.yield %masked_sort3A_1146, %masked_sort3A_1147, %gather3A_1159, %cond3A_1160 : vector<16xf32>, vector<16xi32>, vector<16xf32>, i32
          } else {
            scf.yield %scan3A_179#0, %scan3A_179#1, %scan3A_179#2, %add3A_746 : vector<16xf32>, vector<16xi32>, vector<16xf32>, i32
          }
          scf.yield %cond3A_751#0, %cond3A_751#1, %cond3A_751#2, %cond3A_751#3 : vector<16xf32>, vector<16xi32>, vector<16xf32>, i32
        } else {
          scf.yield %scan3A_179#0, %scan3A_179#1, %scan3A_179#2, %scan3A_179#3 : vector<16xf32>, vector<16xi32>, vector<16xf32>, i32
        }
        %get3A_184 = arith.constant 0 : index
        %get3A_185 = tpu.vector_load %arg13[%get3A_184] {strides = array<i32>} : memref<224xf32, #tpu.memory_space<vmem>>, vector<16xf32>,
        %get3A_186 = arith.constant 0 : index
        %get3A_187 = tpu.vector_load %arg14[%get3A_186] {strides = array<i32>} : memref<224xi32, #tpu.memory_space<vmem>>, vector<16xi32>,
        %add3A_188 = arith.constant 0 : i32
        %add3A_189 = vector.broadcast %add3A_188 : i32 to vector<16xi32>
        %add3A_190 = arith.addi %iota3A, %add3A_189 : vector<16xi32>
        %lt3A_191 = vector.broadcast %cond3A_183#3 : i32 to vector<16xi32>
        %lt3A_192 = arith.cmpi slt, %add3A_190, %lt3A_191 : vector<16xi32>
        %jit3A_193 = arith.constant 0x7F800000 : f32
        %broadcast_in_dim3A_194 = vector.broadcast %jit3A_193 : f32 to vector<16xf32>
        %select_n3A_195 = arith.select %lt3A_192, %get3A_185, %broadcast_in_dim3A_194 : vector<16xi1>, vector<16xf32>
        %masked_sort3A = arith.constant dense<true> : vector<16xi1>
        %masked_sort3A_196, %masked_sort3A_197, %masked_sort3A_198 = tpu.sort %select_n3A_195, %get3A_187 masked %masked_sort3A : (vector<16xf32>, vector<16xi32>, vector<16xi1>) -> (vector<16xi1>, vector<16xf32>, vector<16xi32>)
        %get3A_199 = arith.constant 16 : index
        %get3A_200 = tpu.vector_load %arg13[%get3A_199] {strides = array<i32>} : memref<224xf32, #tpu.memory_space<vmem>>, vector<16xf32>,
        %get3A_201 = arith.constant 16 : index
        %get3A_202 = tpu.vector_load %arg14[%get3A_201] {strides = array<i32>} : memref<224xi32, #tpu.memory_space<vmem>>, vector<16xi32>,
        %add3A_203 = arith.constant 16 : i32
        %add3A_204 = vector.broadcast %add3A_203 : i32 to vector<16xi32>
        %add3A_205 = arith.addi %iota3A, %add3A_204 : vector<16xi32>
        %lt3A_206 = vector.broadcast %cond3A_183#3 : i32 to vector<16xi32>
        %lt3A_207 = arith.cmpi slt, %add3A_205, %lt3A_206 : vector<16xi32>
        %jit3A_208 = arith.constant 0x7F800000 : f32
        %broadcast_in_dim3A_209 = vector.broadcast %jit3A_208 : f32 to vector<16xf32>
        %select_n3A_210 = arith.select %lt3A_207, %get3A_200, %broadcast_in_dim3A_209 : vector<16xi1>, vector<16xf32>
        %masked_sort3A_211 = arith.constant dense<true> : vector<16xi1>
        %masked_sort3A_212, %masked_sort3A_213, %masked_sort3A_214 = tpu.sort %select_n3A_210, %get3A_202 masked %masked_sort3A_211 : (vector<16xf32>, vector<16xi32>, vector<16xi1>) -> (vector<16xi1>, vector<16xf32>, vector<16xi32>)
        %get3A_215 = arith.constant 32 : index
        %get3A_216 = tpu.vector_load %arg13[%get3A_215] {strides = array<i32>} : memref<224xf32, #tpu.memory_space<vmem>>, vector<16xf32>,
        %get3A_217 = arith.constant 32 : index
        %get3A_218 = tpu.vector_load %arg14[%get3A_217] {strides = array<i32>} : memref<224xi32, #tpu.memory_space<vmem>>, vector<16xi32>,
        %add3A_219 = arith.constant 32 : i32
        %add3A_220 = vector.broadcast %add3A_219 : i32 to vector<16xi32>
        %add3A_221 = arith.addi %iota3A, %add3A_220 : vector<16xi32>
        %lt3A_222 = vector.broadcast %cond3A_183#3 : i32 to vector<16xi32>
        %lt3A_223 = arith.cmpi slt, %add3A_221, %lt3A_222 : vector<16xi32>
        %jit3A_224 = arith.constant 0x7F800000 : f32
        %broadcast_in_dim3A_225 = vector.broadcast %jit3A_224 : f32 to vector<16xf32>
        %select_n3A_226 = arith.select %lt3A_223, %get3A_216, %broadcast_in_dim3A_225 : vector<16xi1>, vector<16xf32>
        %masked_sort3A_227 = arith.constant dense<true> : vector<16xi1>
        %masked_sort3A_228, %masked_sort3A_229, %masked_sort3A_230 = tpu.sort %select_n3A_226, %get3A_218 masked %masked_sort3A_227 : (vector<16xf32>, vector<16xi32>, vector<16xi1>) -> (vector<16xi1>, vector<16xf32>, vector<16xi32>)
        %get3A_231 = arith.constant 48 : index
        %get3A_232 = tpu.vector_load %arg13[%get3A_231] {strides = array<i32>} : memref<224xf32, #tpu.memory_space<vmem>>, vector<16xf32>,
        %get3A_233 = arith.constant 48 : index
        %get3A_234 = tpu.vector_load %arg14[%get3A_233] {strides = array<i32>} : memref<224xi32, #tpu.memory_space<vmem>>, vector<16xi32>,
        %add3A_235 = arith.constant 48 : i32
        %add3A_236 = vector.broadcast %add3A_235 : i32 to vector<16xi32>
        %add3A_237 = arith.addi %iota3A, %add3A_236 : vector<16xi32>
        %lt3A_238 = vector.broadcast %cond3A_183#3 : i32 to vector<16xi32>
        %lt3A_239 = arith.cmpi slt, %add3A_237, %lt3A_238 : vector<16xi32>
        %jit3A_240 = arith.constant 0x7F800000 : f32
        %broadcast_in_dim3A_241 = vector.broadcast %jit3A_240 : f32 to vector<16xf32>
        %select_n3A_242 = arith.select %lt3A_239, %get3A_232, %broadcast_in_dim3A_241 : vector<16xi1>, vector<16xf32>
        %masked_sort3A_243 = arith.constant dense<true> : vector<16xi1>
        %masked_sort3A_244, %masked_sort3A_245, %masked_sort3A_246 = tpu.sort %select_n3A_242, %get3A_234 masked %masked_sort3A_243 : (vector<16xf32>, vector<16xi32>, vector<16xi1>) -> (vector<16xi1>, vector<16xf32>, vector<16xi32>)
        %get3A_247 = arith.constant 64 : index
        %get3A_248 = tpu.vector_load %arg13[%get3A_247] {strides = array<i32>} : memref<224xf32, #tpu.memory_space<vmem>>, vector<16xf32>,
        %get3A_249 = arith.constant 64 : index
        %get3A_250 = tpu.vector_load %arg14[%get3A_249] {strides = array<i32>} : memref<224xi32, #tpu.memory_space<vmem>>, vector<16xi32>,
        %add3A_251 = arith.constant 64 : i32
        %add3A_252 = vector.broadcast %add3A_251 : i32 to vector<16xi32>
        %add3A_253 = arith.addi %iota3A, %add3A_252 : vector<16xi32>
        %lt3A_254 = vector.broadcast %cond3A_183#3 : i32 to vector<16xi32>
        %lt3A_255 = arith.cmpi slt, %add3A_253, %lt3A_254 : vector<16xi32>
        %jit3A_256 = arith.constant 0x7F800000 : f32
        %broadcast_in_dim3A_257 = vector.broadcast %jit3A_256 : f32 to vector<16xf32>
        %select_n3A_258 = arith.select %lt3A_255, %get3A_248, %broadcast_in_dim3A_257 : vector<16xi1>, vector<16xf32>
        %masked_sort3A_259 = arith.constant dense<true> : vector<16xi1>
        %masked_sort3A_260, %masked_sort3A_261, %masked_sort3A_262 = tpu.sort %select_n3A_258, %get3A_250 masked %masked_sort3A_259 : (vector<16xf32>, vector<16xi32>, vector<16xi1>) -> (vector<16xi1>, vector<16xf32>, vector<16xi32>)
        %get3A_263 = arith.constant 80 : index
        %get3A_264 = tpu.vector_load %arg13[%get3A_263] {strides = array<i32>} : memref<224xf32, #tpu.memory_space<vmem>>, vector<16xf32>,
        %get3A_265 = arith.constant 80 : index
        %get3A_266 = tpu.vector_load %arg14[%get3A_265] {strides = array<i32>} : memref<224xi32, #tpu.memory_space<vmem>>, vector<16xi32>,
        %add3A_267 = arith.constant 80 : i32
        %add3A_268 = vector.broadcast %add3A_267 : i32 to vector<16xi32>
        %add3A_269 = arith.addi %iota3A, %add3A_268 : vector<16xi32>
        %lt3A_270 = vector.broadcast %cond3A_183#3 : i32 to vector<16xi32>
        %lt3A_271 = arith.cmpi slt, %add3A_269, %lt3A_270 : vector<16xi32>
        %jit3A_272 = arith.constant 0x7F800000 : f32
        %broadcast_in_dim3A_273 = vector.broadcast %jit3A_272 : f32 to vector<16xf32>
        %select_n3A_274 = arith.select %lt3A_271, %get3A_264, %broadcast_in_dim3A_273 : vector<16xi1>, vector<16xf32>
        %masked_sort3A_275 = arith.constant dense<true> : vector<16xi1>
        %masked_sort3A_276, %masked_sort3A_277, %masked_sort3A_278 = tpu.sort %select_n3A_274, %get3A_266 masked %masked_sort3A_275 : (vector<16xf32>, vector<16xi32>, vector<16xi1>) -> (vector<16xi1>, vector<16xf32>, vector<16xi32>)
        %get3A_279 = arith.constant 96 : index
        %get3A_280 = tpu.vector_load %arg13[%get3A_279] {strides = array<i32>} : memref<224xf32, #tpu.memory_space<vmem>>, vector<16xf32>,
        %get3A_281 = arith.constant 96 : index
        %get3A_282 = tpu.vector_load %arg14[%get3A_281] {strides = array<i32>} : memref<224xi32, #tpu.memory_space<vmem>>, vector<16xi32>,
        %add3A_283 = arith.constant 96 : i32
        %add3A_284 = vector.broadcast %add3A_283 : i32 to vector<16xi32>
        %add3A_285 = arith.addi %iota3A, %add3A_284 : vector<16xi32>
        %lt3A_286 = vector.broadcast %cond3A_183#3 : i32 to vector<16xi32>
        %lt3A_287 = arith.cmpi slt, %add3A_285, %lt3A_286 : vector<16xi32>
        %jit3A_288 = arith.constant 0x7F800000 : f32
        %broadcast_in_dim3A_289 = vector.broadcast %jit3A_288 : f32 to vector<16xf32>
        %select_n3A_290 = arith.select %lt3A_287, %get3A_280, %broadcast_in_dim3A_289 : vector<16xi1>, vector<16xf32>
        %masked_sort3A_291 = arith.constant dense<true> : vector<16xi1>
        %masked_sort3A_292, %masked_sort3A_293, %masked_sort3A_294 = tpu.sort %select_n3A_290, %get3A_282 masked %masked_sort3A_291 : (vector<16xf32>, vector<16xi32>, vector<16xi1>) -> (vector<16xi1>, vector<16xf32>, vector<16xi32>)
        %get3A_295 = arith.constant 112 : index
        %get3A_296 = tpu.vector_load %arg13[%get3A_295] {strides = array<i32>} : memref<224xf32, #tpu.memory_space<vmem>>, vector<16xf32>,
        %get3A_297 = arith.constant 112 : index
        %get3A_298 = tpu.vector_load %arg14[%get3A_297] {strides = array<i32>} : memref<224xi32, #tpu.memory_space<vmem>>, vector<16xi32>,
        %add3A_299 = arith.constant 112 : i32
        %add3A_300 = vector.broadcast %add3A_299 : i32 to vector<16xi32>
        %add3A_301 = arith.addi %iota3A, %add3A_300 : vector<16xi32>
        %lt3A_302 = vector.broadcast %cond3A_183#3 : i32 to vector<16xi32>
        %lt3A_303 = arith.cmpi slt, %add3A_301, %lt3A_302 : vector<16xi32>
        %jit3A_304 = arith.constant 0x7F800000 : f32
        %broadcast_in_dim3A_305 = vector.broadcast %jit3A_304 : f32 to vector<16xf32>
        %select_n3A_306 = arith.select %lt3A_303, %get3A_296, %broadcast_in_dim3A_305 : vector<16xi1>, vector<16xf32>
        %masked_sort3A_307 = arith.constant dense<true> : vector<16xi1>
        %masked_sort3A_308, %masked_sort3A_309, %masked_sort3A_310 = tpu.sort %select_n3A_306, %get3A_298 masked %masked_sort3A_307 : (vector<16xf32>, vector<16xi32>, vector<16xi1>) -> (vector<16xi1>, vector<16xf32>, vector<16xi32>)
        %get3A_311 = arith.constant 128 : index
        %get3A_312 = tpu.vector_load %arg13[%get3A_311] {strides = array<i32>} : memref<224xf32, #tpu.memory_space<vmem>>, vector<16xf32>,
        %get3A_313 = arith.constant 128 : index
        %get3A_314 = tpu.vector_load %arg14[%get3A_313] {strides = array<i32>} : memref<224xi32, #tpu.memory_space<vmem>>, vector<16xi32>,
        %add3A_315 = arith.constant 128 : i32
        %add3A_316 = vector.broadcast %add3A_315 : i32 to vector<16xi32>
        %add3A_317 = arith.addi %iota3A, %add3A_316 : vector<16xi32>
        %lt3A_318 = vector.broadcast %cond3A_183#3 : i32 to vector<16xi32>
        %lt3A_319 = arith.cmpi slt, %add3A_317, %lt3A_318 : vector<16xi32>
        %jit3A_320 = arith.constant 0x7F800000 : f32
        %broadcast_in_dim3A_321 = vector.broadcast %jit3A_320 : f32 to vector<16xf32>
        %select_n3A_322 = arith.select %lt3A_319, %get3A_312, %broadcast_in_dim3A_321 : vector<16xi1>, vector<16xf32>
        %masked_sort3A_323 = arith.constant dense<true> : vector<16xi1>
        %masked_sort3A_324, %masked_sort3A_325, %masked_sort3A_326 = tpu.sort %select_n3A_322, %get3A_314 masked %masked_sort3A_323 : (vector<16xf32>, vector<16xi32>, vector<16xi1>) -> (vector<16xi1>, vector<16xf32>, vector<16xi32>)
        %get3A_327 = arith.constant 144 : index
        %get3A_328 = tpu.vector_load %arg13[%get3A_327] {strides = array<i32>} : memref<224xf32, #tpu.memory_space<vmem>>, vector<16xf32>,
        %get3A_329 = arith.constant 144 : index
        %get3A_330 = tpu.vector_load %arg14[%get3A_329] {strides = array<i32>} : memref<224xi32, #tpu.memory_space<vmem>>, vector<16xi32>,
        %add3A_331 = arith.constant 144 : i32
        %add3A_332 = vector.broadcast %add3A_331 : i32 to vector<16xi32>
        %add3A_333 = arith.addi %iota3A, %add3A_332 : vector<16xi32>
        %lt3A_334 = vector.broadcast %cond3A_183#3 : i32 to vector<16xi32>
        %lt3A_335 = arith.cmpi slt, %add3A_333, %lt3A_334 : vector<16xi32>
        %jit3A_336 = arith.constant 0x7F800000 : f32
        %broadcast_in_dim3A_337 = vector.broadcast %jit3A_336 : f32 to vector<16xf32>
        %select_n3A_338 = arith.select %lt3A_335, %get3A_328, %broadcast_in_dim3A_337 : vector<16xi1>, vector<16xf32>
        %masked_sort3A_339 = arith.constant dense<true> : vector<16xi1>
        %masked_sort3A_340, %masked_sort3A_341, %masked_sort3A_342 = tpu.sort %select_n3A_338, %get3A_330 masked %masked_sort3A_339 : (vector<16xf32>, vector<16xi32>, vector<16xi1>) -> (vector<16xi1>, vector<16xf32>, vector<16xi32>)
        %get3A_343 = arith.constant 160 : index
        %get3A_344 = tpu.vector_load %arg13[%get3A_343] {strides = array<i32>} : memref<224xf32, #tpu.memory_space<vmem>>, vector<16xf32>,
        %get3A_345 = arith.constant 160 : index
        %get3A_346 = tpu.vector_load %arg14[%get3A_345] {strides = array<i32>} : memref<224xi32, #tpu.memory_space<vmem>>, vector<16xi32>,
        %add3A_347 = arith.constant 160 : i32
        %add3A_348 = vector.broadcast %add3A_347 : i32 to vector<16xi32>
        %add3A_349 = arith.addi %iota3A, %add3A_348 : vector<16xi32>
        %lt3A_350 = vector.broadcast %cond3A_183#3 : i32 to vector<16xi32>
        %lt3A_351 = arith.cmpi slt, %add3A_349, %lt3A_350 : vector<16xi32>
        %jit3A_352 = arith.constant 0x7F800000 : f32
        %broadcast_in_dim3A_353 = vector.broadcast %jit3A_352 : f32 to vector<16xf32>
        %select_n3A_354 = arith.select %lt3A_351, %get3A_344, %broadcast_in_dim3A_353 : vector<16xi1>, vector<16xf32>
        %masked_sort3A_355 = arith.constant dense<true> : vector<16xi1>
        %masked_sort3A_356, %masked_sort3A_357, %masked_sort3A_358 = tpu.sort %select_n3A_354, %get3A_346 masked %masked_sort3A_355 : (vector<16xf32>, vector<16xi32>, vector<16xi1>) -> (vector<16xi1>, vector<16xf32>, vector<16xi32>)
        %get3A_359 = arith.constant 176 : index
        %get3A_360 = tpu.vector_load %arg13[%get3A_359] {strides = array<i32>} : memref<224xf32, #tpu.memory_space<vmem>>, vector<16xf32>,
        %get3A_361 = arith.constant 176 : index
        %get3A_362 = tpu.vector_load %arg14[%get3A_361] {strides = array<i32>} : memref<224xi32, #tpu.memory_space<vmem>>, vector<16xi32>,
        %add3A_363 = arith.constant 176 : i32
        %add3A_364 = vector.broadcast %add3A_363 : i32 to vector<16xi32>
        %add3A_365 = arith.addi %iota3A, %add3A_364 : vector<16xi32>
        %lt3A_366 = vector.broadcast %cond3A_183#3 : i32 to vector<16xi32>
        %lt3A_367 = arith.cmpi slt, %add3A_365, %lt3A_366 : vector<16xi32>
        %jit3A_368 = arith.constant 0x7F800000 : f32
        %broadcast_in_dim3A_369 = vector.broadcast %jit3A_368 : f32 to vector<16xf32>
        %select_n3A_370 = arith.select %lt3A_367, %get3A_360, %broadcast_in_dim3A_369 : vector<16xi1>, vector<16xf32>
        %masked_sort3A_371 = arith.constant dense<true> : vector<16xi1>
        %masked_sort3A_372, %masked_sort3A_373, %masked_sort3A_374 = tpu.sort %select_n3A_370, %get3A_362 masked %masked_sort3A_371 : (vector<16xf32>, vector<16xi32>, vector<16xi1>) -> (vector<16xi1>, vector<16xf32>, vector<16xi32>)
        %rev3A = arith.constant 15 : i32
        %rev3A_375 = vector.broadcast %rev3A : i32 to vector<16xi32>
        %rev3A_376 = tpu.iota {dimensions = array<i32: 0>} : vector<16xi32>
        %rev3A_377 = arith.subi %rev3A_375, %rev3A_376 : vector<16xi32>
        %rev3A_378 = tpu.dynamic_gather %masked_sort3A_213[%rev3A_377] in [0] : vector<16xf32>, vector<16xi32> -> vector<16xf32>
        %rev3A_379 = arith.constant 15 : i32
        %rev3A_380 = vector.broadcast %rev3A_379 : i32 to vector<16xi32>
        %rev3A_381 = tpu.iota {dimensions = array<i32: 0>} : vector<16xi32>
        %rev3A_382 = arith.subi %rev3A_380, %rev3A_381 : vector<16xi32>
        %rev3A_383 = tpu.dynamic_gather %masked_sort3A_214[%rev3A_382] in [0] : vector<16xi32>, vector<16xi32> -> vector<16xi32>
        %lt3A_384 = arith.cmpf olt, %rev3A_378, %masked_sort3A_197 : vector<16xf32>
        %select_n3A_385 = arith.select %lt3A_384, %rev3A_378, %masked_sort3A_197 : vector<16xi1>, vector<16xf32>
        %select_n3A_386 = arith.select %lt3A_384, %rev3A_383, %masked_sort3A_198 : vector<16xi1>, vector<16xi32>
        %masked_sort3A_387 = arith.constant dense<true> : vector<16xi1>
        %masked_sort3A_388, %masked_sort3A_389, %masked_sort3A_390 = tpu.sort %select_n3A_385, %select_n3A_386 masked %masked_sort3A_387 : (vector<16xf32>, vector<16xi32>, vector<16xi1>) -> (vector<16xi1>, vector<16xf32>, vector<16xi32>)
        %rev3A_391 = arith.constant 15 : i32
        %rev3A_392 = vector.broadcast %rev3A_391 : i32 to vector<16xi32>
        %rev3A_393 = tpu.iota {dimensions = array<i32: 0>} : vector<16xi32>
        %rev3A_394 = arith.subi %rev3A_392, %rev3A_393 : vector<16xi32>
        %rev3A_395 = tpu.dynamic_gather %masked_sort3A_245[%rev3A_394] in [0] : vector<16xf32>, vector<16xi32> -> vector<16xf32>
        %rev3A_396 = arith.constant 15 : i32
        %rev3A_397 = vector.broadcast %rev3A_396 : i32 to vector<16xi32>
        %rev3A_398 = tpu.iota {dimensions = array<i32: 0>} : vector<16xi32>
        %rev3A_399 = arith.subi %rev3A_397, %rev3A_398 : vector<16xi32>
        %rev3A_400 = tpu.dynamic_gather %masked_sort3A_246[%rev3A_399] in [0] : vector<16xi32>, vector<16xi32> -> vector<16xi32>
        %lt3A_401 = arith.cmpf olt, %rev3A_395, %masked_sort3A_229 : vector<16xf32>
        %select_n3A_402 = arith.select %lt3A_401, %rev3A_395, %masked_sort3A_229 : vector<16xi1>, vector<16xf32>
        %select_n3A_403 = arith.select %lt3A_401, %rev3A_400, %masked_sort3A_230 : vector<16xi1>, vector<16xi32>
        %masked_sort3A_404 = arith.constant dense<true> : vector<16xi1>
        %masked_sort3A_405, %masked_sort3A_406, %masked_sort3A_407 = tpu.sort %select_n3A_402, %select_n3A_403 masked %masked_sort3A_404 : (vector<16xf32>, vector<16xi32>, vector<16xi1>) -> (vector<16xi1>, vector<16xf32>, vector<16xi32>)
        %rev3A_408 = arith.constant 15 : i32
        %rev3A_409 = vector.broadcast %rev3A_408 : i32 to vector<16xi32>
        %rev3A_410 = tpu.iota {dimensions = array<i32: 0>} : vector<16xi32>
        %rev3A_411 = arith.subi %rev3A_409, %rev3A_410 : vector<16xi32>
        %rev3A_412 = tpu.dynamic_gather %masked_sort3A_277[%rev3A_411] in [0] : vector<16xf32>, vector<16xi32> -> vector<16xf32>
        %rev3A_413 = arith.constant 15 : i32
        %rev3A_414 = vector.broadcast %rev3A_413 : i32 to vector<16xi32>
        %rev3A_415 = tpu.iota {dimensions = array<i32: 0>} : vector<16xi32>
        %rev3A_416 = arith.subi %rev3A_414, %rev3A_415 : vector<16xi32>
        %rev3A_417 = tpu.dynamic_gather %masked_sort3A_278[%rev3A_416] in [0] : vector<16xi32>, vector<16xi32> -> vector<16xi32>
        %lt3A_418 = arith.cmpf olt, %rev3A_412, %masked_sort3A_261 : vector<16xf32>
        %select_n3A_419 = arith.select %lt3A_418, %rev3A_412, %masked_sort3A_261 : vector<16xi1>, vector<16xf32>
        %select_n3A_420 = arith.select %lt3A_418, %rev3A_417, %masked_sort3A_262 : vector<16xi1>, vector<16xi32>
        %masked_sort3A_421 = arith.constant dense<true> : vector<16xi1>
        %masked_sort3A_422, %masked_sort3A_423, %masked_sort3A_424 = tpu.sort %select_n3A_419, %select_n3A_420 masked %masked_sort3A_421 : (vector<16xf32>, vector<16xi32>, vector<16xi1>) -> (vector<16xi1>, vector<16xf32>, vector<16xi32>)
        %rev3A_425 = arith.constant 15 : i32
        %rev3A_426 = vector.broadcast %rev3A_425 : i32 to vector<16xi32>
        %rev3A_427 = tpu.iota {dimensions = array<i32: 0>} : vector<16xi32>
        %rev3A_428 = arith.subi %rev3A_426, %rev3A_427 : vector<16xi32>
        %rev3A_429 = tpu.dynamic_gather %masked_sort3A_309[%rev3A_428] in [0] : vector<16xf32>, vector<16xi32> -> vector<16xf32>
        %rev3A_430 = arith.constant 15 : i32
        %rev3A_431 = vector.broadcast %rev3A_430 : i32 to vector<16xi32>
        %rev3A_432 = tpu.iota {dimensions = array<i32: 0>} : vector<16xi32>
        %rev3A_433 = arith.subi %rev3A_431, %rev3A_432 : vector<16xi32>
        %rev3A_434 = tpu.dynamic_gather %masked_sort3A_310[%rev3A_433] in [0] : vector<16xi32>, vector<16xi32> -> vector<16xi32>
        %lt3A_435 = arith.cmpf olt, %rev3A_429, %masked_sort3A_293 : vector<16xf32>
        %select_n3A_436 = arith.select %lt3A_435, %rev3A_429, %masked_sort3A_293 : vector<16xi1>, vector<16xf32>
        %select_n3A_437 = arith.select %lt3A_435, %rev3A_434, %masked_sort3A_294 : vector<16xi1>, vector<16xi32>
        %masked_sort3A_438 = arith.constant dense<true> : vector<16xi1>
        %masked_sort3A_439, %masked_sort3A_440, %masked_sort3A_441 = tpu.sort %select_n3A_436, %select_n3A_437 masked %masked_sort3A_438 : (vector<16xf32>, vector<16xi32>, vector<16xi1>) -> (vector<16xi1>, vector<16xf32>, vector<16xi32>)
        %rev3A_442 = arith.constant 15 : i32
        %rev3A_443 = vector.broadcast %rev3A_442 : i32 to vector<16xi32>
        %rev3A_444 = tpu.iota {dimensions = array<i32: 0>} : vector<16xi32>
        %rev3A_445 = arith.subi %rev3A_443, %rev3A_444 : vector<16xi32>
        %rev3A_446 = tpu.dynamic_gather %masked_sort3A_341[%rev3A_445] in [0] : vector<16xf32>, vector<16xi32> -> vector<16xf32>
        %rev3A_447 = arith.constant 15 : i32
        %rev3A_448 = vector.broadcast %rev3A_447 : i32 to vector<16xi32>
        %rev3A_449 = tpu.iota {dimensions = array<i32: 0>} : vector<16xi32>
        %rev3A_450 = arith.subi %rev3A_448, %rev3A_449 : vector<16xi32>
        %rev3A_451 = tpu.dynamic_gather %masked_sort3A_342[%rev3A_450] in [0] : vector<16xi32>, vector<16xi32> -> vector<16xi32>
        %lt3A_452 = arith.cmpf olt, %rev3A_446, %masked_sort3A_325 : vector<16xf32>
        %select_n3A_453 = arith.select %lt3A_452, %rev3A_446, %masked_sort3A_325 : vector<16xi1>, vector<16xf32>
        %select_n3A_454 = arith.select %lt3A_452, %rev3A_451, %masked_sort3A_326 : vector<16xi1>, vector<16xi32>
        %masked_sort3A_455 = arith.constant dense<true> : vector<16xi1>
        %masked_sort3A_456, %masked_sort3A_457, %masked_sort3A_458 = tpu.sort %select_n3A_453, %select_n3A_454 masked %masked_sort3A_455 : (vector<16xf32>, vector<16xi32>, vector<16xi1>) -> (vector<16xi1>, vector<16xf32>, vector<16xi32>)
        %rev3A_459 = arith.constant 15 : i32
        %rev3A_460 = vector.broadcast %rev3A_459 : i32 to vector<16xi32>
        %rev3A_461 = tpu.iota {dimensions = array<i32: 0>} : vector<16xi32>
        %rev3A_462 = arith.subi %rev3A_460, %rev3A_461 : vector<16xi32>
        %rev3A_463 = tpu.dynamic_gather %masked_sort3A_373[%rev3A_462] in [0] : vector<16xf32>, vector<16xi32> -> vector<16xf32>
        %rev3A_464 = arith.constant 15 : i32
        %rev3A_465 = vector.broadcast %rev3A_464 : i32 to vector<16xi32>
        %rev3A_466 = tpu.iota {dimensions = array<i32: 0>} : vector<16xi32>
        %rev3A_467 = arith.subi %rev3A_465, %rev3A_466 : vector<16xi32>
        %rev3A_468 = tpu.dynamic_gather %masked_sort3A_374[%rev3A_467] in [0] : vector<16xi32>, vector<16xi32> -> vector<16xi32>
        %lt3A_469 = arith.cmpf olt, %rev3A_463, %masked_sort3A_357 : vector<16xf32>
        %select_n3A_470 = arith.select %lt3A_469, %rev3A_463, %masked_sort3A_357 : vector<16xi1>, vector<16xf32>
        %select_n3A_471 = arith.select %lt3A_469, %rev3A_468, %masked_sort3A_358 : vector<16xi1>, vector<16xi32>
        %masked_sort3A_472 = arith.constant dense<true> : vector<16xi1>
        %masked_sort3A_473, %masked_sort3A_474, %masked_sort3A_475 = tpu.sort %select_n3A_470, %select_n3A_471 masked %masked_sort3A_472 : (vector<16xf32>, vector<16xi32>, vector<16xi1>) -> (vector<16xi1>, vector<16xf32>, vector<16xi32>)
        %rev3A_476 = arith.constant 15 : i32
        %rev3A_477 = vector.broadcast %rev3A_476 : i32 to vector<16xi32>
        %rev3A_478 = tpu.iota {dimensions = array<i32: 0>} : vector<16xi32>
        %rev3A_479 = arith.subi %rev3A_477, %rev3A_478 : vector<16xi32>
        %rev3A_480 = tpu.dynamic_gather %masked_sort3A_406[%rev3A_479] in [0] : vector<16xf32>, vector<16xi32> -> vector<16xf32>
        %rev3A_481 = arith.constant 15 : i32
        %rev3A_482 = vector.broadcast %rev3A_481 : i32 to vector<16xi32>
        %rev3A_483 = tpu.iota {dimensions = array<i32: 0>} : vector<16xi32>
        %rev3A_484 = arith.subi %rev3A_482, %rev3A_483 : vector<16xi32>
        %rev3A_485 = tpu.dynamic_gather %masked_sort3A_407[%rev3A_484] in [0] : vector<16xi32>, vector<16xi32> -> vector<16xi32>
        %lt3A_486 = arith.cmpf olt, %rev3A_480, %masked_sort3A_389 : vector<16xf32>
        %select_n3A_487 = arith.select %lt3A_486, %rev3A_480, %masked_sort3A_389 : vector<16xi1>, vector<16xf32>
        %select_n3A_488 = arith.select %lt3A_486, %rev3A_485, %masked_sort3A_390 : vector<16xi1>, vector<16xi32>
        %masked_sort3A_489 = arith.constant dense<true> : vector<16xi1>
        %masked_sort3A_490, %masked_sort3A_491, %masked_sort3A_492 = tpu.sort %select_n3A_487, %select_n3A_488 masked %masked_sort3A_489 : (vector<16xf32>, vector<16xi32>, vector<16xi1>) -> (vector<16xi1>, vector<16xf32>, vector<16xi32>)
        %rev3A_493 = arith.constant 15 : i32
        %rev3A_494 = vector.broadcast %rev3A_493 : i32 to vector<16xi32>
        %rev3A_495 = tpu.iota {dimensions = array<i32: 0>} : vector<16xi32>
        %rev3A_496 = arith.subi %rev3A_494, %rev3A_495 : vector<16xi32>
        %rev3A_497 = tpu.dynamic_gather %masked_sort3A_440[%rev3A_496] in [0] : vector<16xf32>, vector<16xi32> -> vector<16xf32>
        %rev3A_498 = arith.constant 15 : i32
        %rev3A_499 = vector.broadcast %rev3A_498 : i32 to vector<16xi32>
        %rev3A_500 = tpu.iota {dimensions = array<i32: 0>} : vector<16xi32>
        %rev3A_501 = arith.subi %rev3A_499, %rev3A_500 : vector<16xi32>
        %rev3A_502 = tpu.dynamic_gather %masked_sort3A_441[%rev3A_501] in [0] : vector<16xi32>, vector<16xi32> -> vector<16xi32>
        %lt3A_503 = arith.cmpf olt, %rev3A_497, %masked_sort3A_423 : vector<16xf32>
        %select_n3A_504 = arith.select %lt3A_503, %rev3A_497, %masked_sort3A_423 : vector<16xi1>, vector<16xf32>
        %select_n3A_505 = arith.select %lt3A_503, %rev3A_502, %masked_sort3A_424 : vector<16xi1>, vector<16xi32>
        %masked_sort3A_506 = arith.constant dense<true> : vector<16xi1>
        %masked_sort3A_507, %masked_sort3A_508, %masked_sort3A_509 = tpu.sort %select_n3A_504, %select_n3A_505 masked %masked_sort3A_506 : (vector<16xf32>, vector<16xi32>, vector<16xi1>) -> (vector<16xi1>, vector<16xf32>, vector<16xi32>)
        %rev3A_510 = arith.constant 15 : i32
        %rev3A_511 = vector.broadcast %rev3A_510 : i32 to vector<16xi32>
        %rev3A_512 = tpu.iota {dimensions = array<i32: 0>} : vector<16xi32>
        %rev3A_513 = arith.subi %rev3A_511, %rev3A_512 : vector<16xi32>
        %rev3A_514 = tpu.dynamic_gather %masked_sort3A_474[%rev3A_513] in [0] : vector<16xf32>, vector<16xi32> -> vector<16xf32>
        %rev3A_515 = arith.constant 15 : i32
        %rev3A_516 = vector.broadcast %rev3A_515 : i32 to vector<16xi32>
        %rev3A_517 = tpu.iota {dimensions = array<i32: 0>} : vector<16xi32>
        %rev3A_518 = arith.subi %rev3A_516, %rev3A_517 : vector<16xi32>
        %rev3A_519 = tpu.dynamic_gather %masked_sort3A_475[%rev3A_518] in [0] : vector<16xi32>, vector<16xi32> -> vector<16xi32>
        %lt3A_520 = arith.cmpf olt, %rev3A_514, %masked_sort3A_457 : vector<16xf32>
        %select_n3A_521 = arith.select %lt3A_520, %rev3A_514, %masked_sort3A_457 : vector<16xi1>, vector<16xf32>
        %select_n3A_522 = arith.select %lt3A_520, %rev3A_519, %masked_sort3A_458 : vector<16xi1>, vector<16xi32>
        %masked_sort3A_523 = arith.constant dense<true> : vector<16xi1>
        %masked_sort3A_524, %masked_sort3A_525, %masked_sort3A_526 = tpu.sort %select_n3A_521, %select_n3A_522 masked %masked_sort3A_523 : (vector<16xf32>, vector<16xi32>, vector<16xi1>) -> (vector<16xi1>, vector<16xf32>, vector<16xi32>)
        %rev3A_527 = arith.constant 15 : i32
        %rev3A_528 = vector.broadcast %rev3A_527 : i32 to vector<16xi32>
        %rev3A_529 = tpu.iota {dimensions = array<i32: 0>} : vector<16xi32>
        %rev3A_530 = arith.subi %rev3A_528, %rev3A_529 : vector<16xi32>
        %rev3A_531 = tpu.dynamic_gather %masked_sort3A_508[%rev3A_530] in [0] : vector<16xf32>, vector<16xi32> -> vector<16xf32>
        %rev3A_532 = arith.constant 15 : i32
        %rev3A_533 = vector.broadcast %rev3A_532 : i32 to vector<16xi32>
        %rev3A_534 = tpu.iota {dimensions = array<i32: 0>} : vector<16xi32>
        %rev3A_535 = arith.subi %rev3A_533, %rev3A_534 : vector<16xi32>
        %rev3A_536 = tpu.dynamic_gather %masked_sort3A_509[%rev3A_535] in [0] : vector<16xi32>, vector<16xi32> -> vector<16xi32>
        %lt3A_537 = arith.cmpf olt, %rev3A_531, %masked_sort3A_491 : vector<16xf32>
        %select_n3A_538 = arith.select %lt3A_537, %rev3A_531, %masked_sort3A_491 : vector<16xi1>, vector<16xf32>
        %select_n3A_539 = arith.select %lt3A_537, %rev3A_536, %masked_sort3A_492 : vector<16xi1>, vector<16xi32>
        %masked_sort3A_540 = arith.constant dense<true> : vector<16xi1>
        %masked_sort3A_541, %masked_sort3A_542, %masked_sort3A_543 = tpu.sort %select_n3A_538, %select_n3A_539 masked %masked_sort3A_540 : (vector<16xf32>, vector<16xi32>, vector<16xi1>) -> (vector<16xi1>, vector<16xf32>, vector<16xi32>)
        %rev3A_544 = arith.constant 15 : i32
        %rev3A_545 = vector.broadcast %rev3A_544 : i32 to vector<16xi32>
        %rev3A_546 = tpu.iota {dimensions = array<i32: 0>} : vector<16xi32>
        %rev3A_547 = arith.subi %rev3A_545, %rev3A_546 : vector<16xi32>
        %rev3A_548 = tpu.dynamic_gather %masked_sort3A_525[%rev3A_547] in [0] : vector<16xf32>, vector<16xi32> -> vector<16xf32>
        %rev3A_549 = arith.constant 15 : i32
        %rev3A_550 = vector.broadcast %rev3A_549 : i32 to vector<16xi32>
        %rev3A_551 = tpu.iota {dimensions = array<i32: 0>} : vector<16xi32>
        %rev3A_552 = arith.subi %rev3A_550, %rev3A_551 : vector<16xi32>
        %rev3A_553 = tpu.dynamic_gather %masked_sort3A_526[%rev3A_552] in [0] : vector<16xi32>, vector<16xi32> -> vector<16xi32>
        %lt3A_554 = arith.cmpf olt, %rev3A_548, %masked_sort3A_542 : vector<16xf32>
        %select_n3A_555 = arith.select %lt3A_554, %rev3A_548, %masked_sort3A_542 : vector<16xi1>, vector<16xf32>
        %select_n3A_556 = arith.select %lt3A_554, %rev3A_553, %masked_sort3A_543 : vector<16xi1>, vector<16xi32>
        %masked_sort3A_557 = arith.constant dense<true> : vector<16xi1>
        %masked_sort3A_558, %masked_sort3A_559, %masked_sort3A_560 = tpu.sort %select_n3A_555, %select_n3A_556 masked %masked_sort3A_557 : (vector<16xf32>, vector<16xi32>, vector<16xi1>) -> (vector<16xi1>, vector<16xf32>, vector<16xi32>)
        %rev3A_561 = arith.constant 15 : i32
        %rev3A_562 = vector.broadcast %rev3A_561 : i32 to vector<16xi32>
        %rev3A_563 = tpu.iota {dimensions = array<i32: 0>} : vector<16xi32>
        %rev3A_564 = arith.subi %rev3A_562, %rev3A_563 : vector<16xi32>
        %rev3A_565 = tpu.dynamic_gather %masked_sort3A_559[%rev3A_564] in [0] : vector<16xf32>, vector<16xi32> -> vector<16xf32>
        %rev3A_566 = arith.constant 15 : i32
        %rev3A_567 = vector.broadcast %rev3A_566 : i32 to vector<16xi32>
        %rev3A_568 = tpu.iota {dimensions = array<i32: 0>} : vector<16xi32>
        %rev3A_569 = arith.subi %rev3A_567, %rev3A_568 : vector<16xi32>
        %rev3A_570 = tpu.dynamic_gather %masked_sort3A_560[%rev3A_569] in [0] : vector<16xi32>, vector<16xi32> -> vector<16xi32>
        %lt3A_571 = arith.cmpf olt, %rev3A_565, %cond3A_183#0 : vector<16xf32>
        %select_n3A_572 = arith.select %lt3A_571, %rev3A_565, %cond3A_183#0 : vector<16xi1>, vector<16xf32>
        %select_n3A_573 = arith.select %lt3A_571, %rev3A_570, %cond3A_183#1 : vector<16xi1>, vector<16xi32>
        %masked_sort3A_574 = arith.constant dense<true> : vector<16xi1>
        %masked_sort3A_575, %masked_sort3A_576, %masked_sort3A_577 = tpu.sort %select_n3A_572, %select_n3A_573 masked %masked_sort3A_574 : (vector<16xf32>, vector<16xi32>, vector<16xi1>) -> (vector<16xi1>, vector<16xf32>, vector<16xi32>)
        %broadcast_in_dim3A_578 = arith.constant 15 : i32
        %broadcast_in_dim3A_579 = vector.broadcast %broadcast_in_dim3A_578 : i32 to vector<16xi32>
        %lt3A_580 = arith.constant 0 : i32
        %lt3A_581 = vector.broadcast %lt3A_580 : i32 to vector<16xi32>
        %lt3A_582 = arith.cmpi slt, %broadcast_in_dim3A_579, %lt3A_581 : vector<16xi32>
        %add3A_583 = arith.constant 16 : i32
        %add3A_584 = vector.broadcast %add3A_583 : i32 to vector<16xi32>
        %add3A_585 = arith.addi %broadcast_in_dim3A_579, %add3A_584 : vector<16xi32>
        %select_n3A_586 = arith.select %lt3A_582, %add3A_585, %broadcast_in_dim3A_579 : vector<16xi1>, vector<16xi32>
        %broadcast_in_dim3A_587 = vector.shape_cast %select_n3A_586 : vector<16xi32> to vector<16x1xi32>
        %gather3A_588 = vector.shape_cast %broadcast_in_dim3A_587 : vector<16x1xi32> to vector<16xi32>
        %gather3A_589 = tpu.dynamic_gather %masked_sort3A_576[%gather3A_588] in [0] : vector<16xf32>, vector<16xi32> -> vector<16xf32>
        %add3A_590 = arith.constant 1 : i32
        %add3A_591 = vector.broadcast %add3A_590 : i32 to vector<16xi32>
        %add3A_592 = arith.addi %iota3A, %add3A_591 : vector<16xi32>
        %min3A = arith.constant 15 : i32
        %min3A_593 = vector.broadcast %min3A : i32 to vector<16xi32>
        %min3A_594 = arith.minsi %add3A_592, %min3A_593 : vector<16xi32>
        %sub3A_595 = arith.constant 1 : i32
        %sub3A_596 = vector.broadcast %sub3A_595 : i32 to vector<16xi32>
        %sub3A_597 = arith.subi %iota3A, %sub3A_596 : vector<16xi32>
        %max3A = arith.constant 0 : i32
        %max3A_598 = vector.broadcast %max3A : i32 to vector<16xi32>
        %max3A_599 = arith.maxsi %sub3A_597, %max3A_598 : vector<16xi32>
        %lt3A_600 = arith.constant 0 : i32
        %lt3A_601 = vector.broadcast %lt3A_600 : i32 to vector<16xi32>
        %lt3A_602 = arith.cmpi slt, %min3A_594, %lt3A_601 : vector<16xi32>
        %add3A_603 = arith.constant 16 : i32
        %add3A_604 = vector.broadcast %add3A_603 : i32 to vector<16xi32>
        %add3A_605 = arith.addi %min3A_594, %add3A_604 : vector<16xi32>
        %select_n3A_606 = arith.select %lt3A_602, %add3A_605, %min3A_594 : vector<16xi1>, vector<16xi32>
        %broadcast_in_dim3A_607 = vector.shape_cast %select_n3A_606 : vector<16xi32> to vector<16x1xi32>
        %gather3A_608 = vector.shape_cast %broadcast_in_dim3A_607 : vector<16x1xi32> to vector<16xi32>
        %gather3A_609 = tpu.dynamic_gather %masked_sort3A_576[%gather3A_608] in [0] : vector<16xf32>, vector<16xi32> -> vector<16xf32>
        %lt3A_610 = arith.constant 0 : i32
        %lt3A_611 = vector.broadcast %lt3A_610 : i32 to vector<16xi32>
        %lt3A_612 = arith.cmpi slt, %min3A_594, %lt3A_611 : vector<16xi32>
        %add3A_613 = arith.constant 16 : i32
        %add3A_614 = vector.broadcast %add3A_613 : i32 to vector<16xi32>
        %add3A_615 = arith.addi %min3A_594, %add3A_614 : vector<16xi32>
        %select_n3A_616 = arith.select %lt3A_612, %add3A_615, %min3A_594 : vector<16xi1>, vector<16xi32>
        %broadcast_in_dim3A_617 = vector.shape_cast %select_n3A_616 : vector<16xi32> to vector<16x1xi32>
        %gather3A_618 = vector.shape_cast %broadcast_in_dim3A_617 : vector<16x1xi32> to vector<16xi32>
        %gather3A_619 = tpu.dynamic_gather %masked_sort3A_577[%gather3A_618] in [0] : vector<16xi32>, vector<16xi32> -> vector<16xi32>
        %lt3A_620 = arith.constant 0 : i32
        %lt3A_621 = vector.broadcast %lt3A_620 : i32 to vector<16xi32>
        %lt3A_622 = arith.cmpi slt, %max3A_599, %lt3A_621 : vector<16xi32>
        %add3A_623 = arith.constant 16 : i32
        %add3A_624 = vector.broadcast %add3A_623 : i32 to vector<16xi32>
        %add3A_625 = arith.addi %max3A_599, %add3A_624 : vector<16xi32>
        %select_n3A_626 = arith.select %lt3A_622, %add3A_625, %max3A_599 : vector<16xi1>, vector<16xi32>
        %broadcast_in_dim3A_627 = vector.shape_cast %select_n3A_626 : vector<16xi32> to vector<16x1xi32>
        %gather3A_628 = vector.shape_cast %broadcast_in_dim3A_627 : vector<16x1xi32> to vector<16xi32>
        %gather3A_629 = tpu.dynamic_gather %masked_sort3A_576[%gather3A_628] in [0] : vector<16xf32>, vector<16xi32> -> vector<16xf32>
        %lt3A_630 = arith.constant 0 : i32
        %lt3A_631 = vector.broadcast %lt3A_630 : i32 to vector<16xi32>
        %lt3A_632 = arith.cmpi slt, %max3A_599, %lt3A_631 : vector<16xi32>
        %add3A_633 = arith.constant 16 : i32
        %add3A_634 = vector.broadcast %add3A_633 : i32 to vector<16xi32>
        %add3A_635 = arith.addi %max3A_599, %add3A_634 : vector<16xi32>
        %select_n3A_636 = arith.select %lt3A_632, %add3A_635, %max3A_599 : vector<16xi1>, vector<16xi32>
        %broadcast_in_dim3A_637 = vector.shape_cast %select_n3A_636 : vector<16xi32> to vector<16x1xi32>
        %gather3A_638 = vector.shape_cast %broadcast_in_dim3A_637 : vector<16x1xi32> to vector<16xi32>
        %gather3A_639 = tpu.dynamic_gather %masked_sort3A_577[%gather3A_638] in [0] : vector<16xi32>, vector<16xi32> -> vector<16xi32>
        %eq3A_640 = arith.cmpf oeq, %masked_sort3A_576, %gather3A_609 : vector<16xf32>
        %gt3A_641 = arith.cmpi sgt, %masked_sort3A_577, %gather3A_619 : vector<16xi32>
        %and3A_642 = arith.andi %eq3A_640, %gt3A_641 : vector<16xi1>
        %eq3A_643 = arith.cmpf oeq, %masked_sort3A_576, %gather3A_629 : vector<16xf32>
        %gt3A_644 = arith.cmpi sgt, %gather3A_639, %masked_sort3A_577 : vector<16xi32>
        %and3A_645 = arith.andi %eq3A_643, %gt3A_644 : vector<16xi1>
        %select_n3A_646 = arith.select %and3A_645, %gather3A_639, %masked_sort3A_577 : vector<16xi1>, vector<16xi32>
        %select_n3A_647 = arith.select %and3A_642, %gather3A_619, %select_n3A_646 : vector<16xi1>, vector<16xi32>
        %mul3A_648 = arith.constant 16 : i32
        %mul3A_649 = arith.muli %scan3A_55, %mul3A_648 : i32
        %add3A_650 = arith.addi %mul3A_649, %scan3A_118 : i32
        %mul3A_651 = arith.constant 16 : i32
        %mul3A_652 = arith.muli %add3A_650, %mul3A_651 : i32
        %swap3A = arith.index_cast %mul3A_652 : i32 to index
        %swap3A_653 = tpu.vector_load %arg15[%swap3A] {strides = array<i32>} : memref<8192xi32, #tpu.memory_space<vmem>>, vector<16xi32>,
        tpu.vector_store %arg15[%swap3A], %select_n3A_647 {strides = array<i32>} : memref<8192xi32, #tpu.memory_space<vmem>>, vector<16xi32>,
      }
      %scan3A_117 = arith.constant 16 : i32
    }
    %scan3A_49 = arith.constant 32 : i32
    %mul3A_50 = arith.constant 4096 : i32
    %mul3A_51 = arith.muli %select_n3A, %mul3A_50 : i32
    %add3A_52 = arith.addi %mul3A_51, %mul3A_32 : i32
    %mul3A_53 = arith.constant 16 : i32
    %mul3A_54 = arith.muli %add3A_52, %mul3A_53 : i32
    "tpu.region"() ({
      %run_scoped3A = tpu.sem_alloc : memref<!tpu.dma_semaphore, #tpu.memory_space<semaphore_mem>>
      %dma_start3A = tpu.memref_slice %arg5[%mul3A_54] : memref<262144xi32, #tpu.memory_space<hbm>> -> memref<8192xi32, #tpu.memory_space<hbm>>
      %dma_start3A_55 = tpu.memref_slice %arg5[%mul3A_54] : memref<262144xi32, #tpu.memory_space<hbm>> -> memref<8192xi32, #tpu.memory_space<hbm>>
      tpu.enqueue_dma source(%arg15 : memref<8192xi32, #tpu.memory_space<vmem>>) target(%dma_start3A_55 : memref<8192xi32, #tpu.memory_space<hbm>>) target_semaphore(%run_scoped3A : memref<!tpu.dma_semaphore, #tpu.memory_space<semaphore_mem>>)
      %dma_wait3A = tpu.memref_slice %arg5[%mul3A_54] : memref<262144xi32, #tpu.memory_space<hbm>> -> memref<8192xi32, #tpu.memory_space<hbm>>
      %dma_wait3A_56 = tpu.memref_slice %arg5[%mul3A_54] : memref<262144xi32, #tpu.memory_space<hbm>> -> memref<8192xi32, #tpu.memory_space<hbm>>
      tpu.wait_dma2 semaphore(%run_scoped3A : memref<!tpu.dma_semaphore, #tpu.memory_space<semaphore_mem>>) src(%arg15 : memref<8192xi32, #tpu.memory_space<vmem>>) dst(%dma_wait3A_56 : memref<8192xi32, #tpu.memory_space<hbm>>)
      tpu.yield
    }) : () -> ()
    return
  }
}

</mosaic_0001>

<sc_bundles>
// kernel: kernel.3.cloned.1.call-start
scs
__scs_entry_jumppad:
0x0: {  	(pc) =	sbr.rel $0x88, $3  }
0x1: {  	(tag) =	ssettag $0x0;
	lr =	simm.s32 $0x1  }
0x2: {  	[smem:$0x3FA0] =	sst lr;
	_ =	strace $0xD0000000  }
0x3: {  	_ = 	snop  }
0x4: {  	_ = 	snop  }
0x5: {  	_ = 	snop  }
0x6: {  	_ = 	snop  }
0x7: {  	_ = 	snop  }
__scs_overlays_trampoline_lowered:
0x8: {  	[smem:$0x3FAF] =	sst s0  }
0x9: {  	[smem:$0x3FB0] =	sst s1  }
0xa: {  	[smem:$0x3FB1] =	sst s2  }
0xb: {  	[smem:$0x3FB2] =	sst s3  }
0xc: {  	[smem:$0x3FB3] =	sst s4  }
0xd: {  	[smem:$0x3FB4] =	sst s5  }
0xe: {  	[smem:$0x3FB5] =	sst s6  }
0xf: {  	[smem:$0x3FB6] =	sst s7  }
0x10: {  	[smem:$0x3FB7] =	sst s8  }
0x11: {  	[smem:$0x3FB8] =	sst s9;
	s0 =	simm.s32 @!p0 $0x0  }
0x12: {  	s1 =	sld [smem:$0x3F9E];
	s0 =	simm.s32 @p0 $0x1  }
0x13: {  	[smem:$0x3FB9] =	sst s0;
	s0 =	simm.s32 @!p1 $0x0  }
0x14: {  	s2 =	sld [smem:$0x3F9D];
	s0 =	simm.s32 @p1 $0x1  }
0x15: {  	[smem:$0x3FBA] =	sst s0;
	s0 =	simm.s32 @!p2 $0x0  }
0x16: {  	s3 =	sld [smem:$0x3FDB];
	s0 =	simm.s32 @p2 $0x1  }
0x17: {  	s4 =	simm.s32 $0x1BF5;
	[smem:$0x3FBC] =	sst s0  }
0x18: {  	s0 =	sld [smem:$0x3F9F];
	_ =	swait.ge [sflag:s4], $0x0  }
0x19: {  	s7 =	sld [smem:$0x3FA0]  }
0x1a: {  	s8 =	sadd.s32 $0xFFFFE003, lr  }
0x1b: {  	s9 =	sadd.s32 $0xFFFFFEF7, lr;
	s5 =	simm.s32 $0xFFFFFFFF;
	p2 =	slt.u32 s8, $0xFFFFF086  }
0x1c: {  	p1 =	slt.u32 s9, $0xF7A;
	s5 =	simm.s32 @!p2 $0x0  }
0x1d: {  	s5 =	simm.s32 @p1 $0x1;
	p0 =	seq.s32 s7, s2  }
0x1e: {  	s7 =	smul.u32 @!p0 $0xF7A, s2;
	p2 =	seq.s32 @!p0 s5, $0x0  }
0x1f: {  	s9 =	smul.u32 $0xF7A, s1;
	s8 =	simm.s32 @!p0 $0x1BF5;
	p2 =	por !p2, p0  }
0x20: {  	[sflag:s8] =	ssyncset.s32 @!p0 $0xFFFFF086;
	s6 =	sadd.s32 @!p0 s3, s7;
	s7 =	simm.s32 @!p0 $0x108  }
0x21: {  	s3 =	sadd.s32 s3, s9;
	s6 =	sadd.s32 @!p0 $0x88, s6;
	s7 =	simm.s32 @p2 $0x1082  }
0x22: {  	[simem:s7], [sflag:s8] =	dma.local @!p0 [hbm:s6], $0xF7A  }
0x23: {  	s9 =	sor.u32 $0xD0000000, s2;
	s6 =	simm.s32 $0x108;
	_ =	swait.ge @!p0 [sflag:s8], $0x0  }
0x24: {  	s3 =	sadd.s32 $0x88, s3;
	s6 =	simm.s32 @!p1 $0x1082;
	[sflag:s4] =	ssyncset.s32 $0xFFFFF086  }
0x25: {  	[simem:s6], [sflag:s4] =	dma.local [hbm:s3], $0xF7A  }
0x26: {  	[smem:$0x3FA0] =	sst s1;
	(tag) =	ssettag s2;
	_ =	strace s9  }
0x27: {  	s1 =	sld [smem:$0x3FB0]  }
0x28: {  	s2 =	sld [smem:$0x3FB1]  }
0x29: {  	s4 =	sld [smem:$0x3FB3]  }
0x2a: {  	p0 =	seq.s32 s5, $0x0;
	s5 =	sld [smem:$0x3FB4]  }
0x2b: {  	s6 =	sld [smem:$0x3FB5]  }
0x2c: {  	s7 =	sld [smem:$0x3FB6]  }
0x2d: {  	s3 =	simm.s32 $0x108;
	s8 =	sld [smem:$0x3FB7]  }
0x2e: {  	s3 =	simm.s32 @!p0 $0x1082;
	s9 =	sld [smem:$0x3FB8]  }
0x2f: {  	lr =	sadd.s32 s0, s3;
	s0 =	sld [smem:$0x3FAF]  }
0x30: {  	s3 =	sld [smem:$0x3FB2]  }
0x31: {  	[smem:$0x3FBB] =	sst s10  }
0x32: {  	s10 =	sld [smem:$0x3FB9];
	_ =	sdelay $0x3  }
0x33: {  	p0 =	seq.s32 s10, $0x1;
	s10 =	sld [smem:$0x3FBB];
	_ =	sdelay $0x3  }
0x34: {  	[smem:$0x3FBB] =	sst s10  }
0x35: {  	s10 =	sld [smem:$0x3FBA];
	_ =	sdelay $0x3  }
0x36: {  	p1 =	seq.s32 s10, $0x1;
	s10 =	sld [smem:$0x3FBB];
	_ =	sdelay $0x3  }
0x37: {  	[smem:$0x3FBB] =	sst s10  }
0x38: {  	s10 =	sld [smem:$0x3FBC]  }
0x39: {  	_ = 	snop;
	(pc) =	sbr.ind lr, $3  }
0x3a: {  	_ = 	snop  }
0x3b: {  	_ = 	snop  }
0x3c: {  	p2 =	seq.s32 s10, $0x1;
	s10 =	sld [smem:$0x3FBB]  }
0x3d: {  	_ =	shalt  }
0x3e: {  	_ =	shalt  }
0x3f: {  	_ =	shalt  }
0x40: {  	_ =	shalt  }
0x41: {  	_ =	shalt  }
0x42: {  	_ =	shalt  }
0x43: {  	_ =	shalt  }
0x44: {  	_ =	shalt  }
0x45: {  	_ =	shalt  }
0x46: {  	_ =	shalt  }
0x47: {  	_ =	shalt  }
0x48: {  	_ =	shalt  }
0x49: {  	_ =	shalt  }
0x4a: {  	_ =	shalt  }
0x4b: {  	_ =	shalt  }
0x4c: {  	_ =	shalt  }
0x4d: {  	_ =	shalt  }
0x4e: {  	_ =	shalt  }
0x4f: {  	_ =	shalt  }
0x50: {  	_ =	shalt  }
0x51: {  	_ =	shalt  }
0x52: {  	_ =	shalt  }
0x53: {  	_ =	shalt  }
0x54: {  	_ =	shalt  }
0x55: {  	_ =	shalt  }
0x56: {  	_ =	shalt  }
0x57: {  	_ =	shalt  }
0x58: {  	_ =	shalt  }
0x59: {  	_ =	shalt  }
0x5a: {  	_ =	shalt  }
0x5b: {  	_ =	shalt  }
0x5c: {  	_ =	shalt  }
0x5d: {  	_ =	shalt  }
0x5e: {  	_ =	shalt  }
0x5f: {  	_ =	shalt  }
0x60: {  	_ =	shalt  }
0x61: {  	_ =	shalt  }
0x62: {  	_ =	shalt  }
0x63: {  	_ =	shalt  }
0x64: {  	_ =	shalt  }
0x65: {  	_ =	shalt  }
0x66: {  	_ =	shalt  }
0x67: {  	_ =	shalt  }
0x68: {  	_ =	shalt  }
0x69: {  	_ =	shalt  }
0x6a: {  	_ =	shalt  }
0x6b: {  	_ =	shalt  }
0x6c: {  	_ =	shalt  }
0x6d: {  	_ =	shalt  }
0x6e: {  	_ =	shalt  }
0x6f: {  	_ =	shalt  }
0x70: {  	_ =	shalt  }
0x71: {  	_ =	shalt  }
0x72: {  	_ =	shalt  }
0x73: {  	_ =	shalt  }
0x74: {  	_ =	shalt  }
0x75: {  	_ =	shalt  }
0x76: {  	_ =	shalt  }
0x77: {  	_ =	shalt  }
0x78: {  	_ =	shalt  }
0x79: {  	_ =	shalt  }
0x7a: {  	_ =	shalt  }
0x7b: {  	_ =	shalt  }
0x7c: {  	_ =	shalt  }
0x7d: {  	_ =	shalt  }
0x7e: {  	_ =	shalt  }
0x7f: {  	_ =	shalt  }
0x80: {  	_ =	shalt  }
0x81: {  	_ =	shalt  }
0x82: {  	_ =	shalt  }
0x83: {  	_ =	shalt  }
0x84: {  	_ =	shalt  }
0x85: {  	_ =	shalt  }
0x86: {  	_ =	shalt  }
0x87: {  	_ =	shalt  }
.Lfunc_end0:
.L_simem_size_0:
called_computation_lowered:
.L_overlay_start_0:
0x88: {  	s2 =	sld [smem:$0x3FD9]  }
0x89: {  	s3 =	sld [smem:$0x3FFE];
	_ =	sdelay $0x1  }
0x8a: {  	s1 =	srdreg.scid  }
0x8b: {  	s0 =	sand.u32 $0x1, s1  }
0x8c: {  	s17 =	sshll.u32 s0, $0xA;
	s2 =	sadd.s32 s3, s2  }
0x8d: {  	s2 =	sadd.s32 s2, s17  }
0x8e: {  	[smem:$0x3FC7] =	sst s2  }
0x8f: {  	_ = 	snop  }
0x90: {  	s2 =	sld [smem:$0x3FD0];
	(tm) =	ssettm $0x1  }
0x91: {  	s18 =	sld [smem:$0x3FFB];
	_ =	sdelay $0x3  }
0x92: {  	_ =	strace s18  }
0x93: {  	s3 =	sld [smem:$0x3FFC];
	_ =	sdelay $0x3  }
0x94: {  	_ =	strace s3  }
0x95: {  	s3 =	sld [smem:$0x3FFD];
	_ =	sdelay $0x3  }
0x96: {  	_ =	strace s3  }
0x97: {  	_ =	strace $0x8FFFFFFF  }
0x98: {  	s19 =	sld [smem:$0x3FDB];
	_ =	sdelay $0x1  }
0x99: {  	s4 =	simm.s32 $_scs_section_size  }
0x9a: {  	s5 =	simm.s32 $_size__tile_overlayer_lowered;
	s6 =	simm.s32 $_tile_overlayer_lowered  }
0x9b: {  	s22 =	simm.s32 $0x1BFF;
	s21 =	sshll.u32 s6, $0x1;
	s3 =	sadd.s32 s4, s19  }
0x9c: {  	s7 =	simm.s32 $0x0;
	s20 =	sshll.u32 s5, $0x1;
	s5 =	sadd.s32 s21, s3  }
0x9d: {  	[timem:s7], [sflag:s22] =	dma.local [hbm:s5], s20  }
0x9e: {  	_ =	swait.ge [sflag:s22], s20  }
0x9f: {  	s4 =	ssub.s32 $0x0, s20;
	[sflag:s22] =	ssyncset.done $0x0  }
0xa0: {  	[sflag:s22] =	ssyncadd.s32 s4;
	_ =	sdelay $0x1  }
0xa1: {  	s23 =	simm.s32 $0x1B8B  }
0xa2: {  	_ =	swait.ge [sflag:s23], $0x1  }
0xa3: {  	[sflag:s23] =	ssyncset.done $0x0  }
0xa4: {  	s25 =	simm.s32 $0x1B8E;
	s24 =	sld [smem:$0x3FFE];
	[sflag:s23] =	ssyncadd.s32 $0xFFFFFFFF  }
0xa5: {  	s26 =	simm.s32 $execute0_lowered;
	[smem:$0x3FD2] =	sst s25  }
0xa6: {  	s5 =	sshll.u32 s26, $0x1;
	_ =	strace $0x80000046;
	[dreg:$0x1] =	wrdreg $0xFFFFFFFF  }
0xa7: {  	s28 =	simm.s32 $_size_execute0_lowered;
	s3 =	sadd.s32 s3, s5;
	[dreg:$0x0] =	wrdreg $0x0  }
0xa8: {  	s5 =	sshll.u32 s28, $0x1;
	[dreg:$0x2] =	wrdreg s3  }
0xa9: {  	[dreg:$0x3] =	wrdreg s5  }
0xaa: {  	[dreg:$0x4] =	wrdreg $0xC0  }
0xab: {  	_ =	task [dreg:s7], $0x5FFFF  }
0xac: {  	[dreg:$0x1] =	wrdreg $0xFFFFFFFF  }
0xad: {  	[dreg:$0x0] =	wrdreg $0x60  }
0xae: {  	[dreg:$0x2] =	wrdreg s24  }
0xaf: {  	[dreg:$0x3] =	wrdreg s2  }
0xb0: {  	[dreg:$0x4] =	wrdreg $0x9  }
0xb1: {  	_ =	task.clear_ibuf [dreg:s7], $0x5FFFF;
	_ =	strace $0x90000046  }
0xb2: {  	s29 =	simm.s32 $0x9;
	_ =	strace $0x80000048  }
0xb3: {  	_ =	swait.ge [sflag:s29], $0x1  }
0xb4: {  	[sflag:s29] =	ssyncadd.s32 $0xFFFFFFFF  }
0xb5: {  	_ =	strace $0x90000048  }
0xb6: {  	_ =	sfence  }
0xb7: {  	s30 =	sld [smem:$0x0];
	_ =	sdelay $0x2  }
0xb8: {  	s31 =	sshll.u32 s1, $0xD;
	s1 =	sshrl.u32 s1, $0x2  }
0xb9: {  	s3 =	sand.u32 $0x4000, s31;
	s1 =	sadd.s32 s1, s30  }
0xba: {  	s0 =	sor.u32 s3, s0;
	s1 =	sshll.u32 s1, $0x11  }
0xbb: {  	s0 =	sor.u32 s1, s0  }
0xbc: {  	s0 =	sadd.s32 $0x8F2B, s0  }
0xbd: {  	[sflag:s0] =	ssyncadd.remote.s32 $0x1  }
0xbe: {  	_ =	sfence.sel $0xFFFF  }
0xbf: {  	[dreg:$0x0] =	wrdreg $0xFFFFFFFF;
	(pc) =	sbr.abs _section_cstart, $3  }
0xc0: {  	[dreg:$0x1] =	wrdreg $0xFFFFFFFF  }
0xc1: {  	_ =	task.clear_ibuf [dreg:s7], $0x2FFFF;
	_ =	strace $0x9FFFFFFF  }
0xc2: {  	(tm) =	ssettm $0x7FFFFFFF  }
0xc3: {  	_ =	shalt  }
tec
execute0_lowered:
.L_overlay_start_1:
0x0: {  	(tag) =	ssettag $0x1  }
0x1: {  	s4 =	rddreg [dreg:$0x0]  }
0x2: {  	s7 =	rddreg [dreg:$0x1]  }
0x3: {  	v0 =	vlaneseq.u32;
	s0 =	rddreg [dreg:$0x2]  }
0x4: {  	s2 =	simm.s32 $0x0;
	s1 =	stileid.u32;
	s3 =	srdreg.scid;
	v8 =	vimm.s32 $0xFFEDCBA9;
	v9 =	vimm.s32 $0x87654321;
	v11 =	vimm.s32 $0xEDCBA987  }
0x5: {  	v12 =	vimm.s32 $0x65432100;
	s11 =	simm.s32 $0x2000;
	s12 =	simm.s32 $0x7200;
	s13 =	simm.s32 $0x0;
	v1 =	vor.u32 $0x10, v0;
	v2 =	vor.u32 $0x20, v0  }
0x6: {  	v3 =	vor.u32 $0x30, v0;
	[smem:$0x7FF] =	sst s2;
	s5 =	sshll.u32 s1, $0x1;
	v4 =	vor.u32 $0x40, v0;
	v5 =	vor.u32 $0x50, v0;
	s6 =	sshll.u32 s1, $0xA  }
0x7: {  	v6 =	vor.u32 $0x60, v0;
	s3 =	sand.u32 $0x1, s3;
	v10 =	vunpack.c.l.s4.s8 v8;
	v9 =	vunpack.c.l.s4.s8 v9;
	s5 =	sand.u32 $0x6, s5;
	_ =	strace $0x80000047  }
0x8: {  	v7 =	vor.u32 $0x70, v0;
	v8 =	vor.u32 $0x80, v0;
	v11 =	vunpack.c.l.s4.s8 v11;
	s6 =	sand.u32 $0x3000, s6;
	s9 =	ssub.s32 $0x2, s3;
	s5 =	sor.u32 s3, s5  }
.Ltmp0:
0x9: {  	v12 =	vunpack.c.l.s4.s8 v12;
	s8 =	sshrl.u32 s6, $0x3;
	s31 =	sshrl.u32 s9, $0x1;
	v13 =	vunpack.c.0.s8.s32 v10;
	v14 =	vunpack.c.0.s8.s32 v9;
	(pc) =	sbr.rel .LBB2_1-.Ltmp0, $4  }
0xa: {  	v15 =	vmul.u32 $0xFFFFFFFF, v0;
	v9 =	vor.u32 $0x90, v0;
	v16 =	vunpack.c.0.s8.s32 v11;
	s3 =	sshll.u32 s5, $0x9;
	s8 =	sadd.s32 s8, s4;
	s9 =	ssub.s32 s9, s31  }
0xb: {  	v10 =	vor.u32 $0xA0, v0;
	v17 =	vunpack.c.0.s8.s32 v12;
	s5 =	sor.u32 s6, s3;
	s4 =	sadd.s32 $0x600, s8;
	s6 =	sadd.s32 $0x1600, s8;
	v14 =	vcombine.low v14, v13  }
0xc: {  	v11 =	vor.u32 $0xB0, v0;
	v12 =	vadd.s32 $0xF, v15;
	v15 =	vand.u32 $0xF, v16;
	s10 =	sshll.u32 s5, $0x1;
	s5 =	sadd.s32 $0xE00, s8;
	s8 =	smax.u32 s9, $0x1  }
0xd: {  	v13 =	vimm.s32 $0xF;
	s9 =	simm.s32 $0x1;
	v15 =	vcombine.low v17, v15;
	s7 =	sadd.s32 s7, s10;
	s10 =	simm.s32 $0x1000;
	v14 =	vand.u32 $0xF, v14  }
.LBB2_15:
0xe: {  	s13 =	sadd.s32 $0x1, s13  }
0xf: {  	p0 =	sne.s32 s13, s8  }
.Ltmp1:
0x10: {  	_ = 	snop;
	(pc) =	sbr.rel @!p0 .LBB2_16-.Ltmp1, $4  }
0x11: {  	[hbm4b:s7+s2] =	stream.linear.scatter [tilespmem:s12], [sflag:$0x1], $0x2000, $0x38;
	[tilespmem:$0x9200] =	vst v63  }
0x12: {  	_ =	swait.ge [sflag:s9], $0x2000  }
0x13: {  	[sflag:s9] =	ssyncset.done $0x0  }
0x14: {  	[sflag:s9] =	ssyncadd.s32 $0xFFFFE000  }
.LBB2_1:
0x15: {  	[tilespmem:s2], [sflag:$0x1] =	stream.linear.gather [hbm4b:s4+s2], $0x1000, $0x38;
	[tilespmem:$0x9200] =	vst v63  }
0x16: {  	_ =	swait.ge [sflag:s9], $0x1000  }
0x17: {  	[sflag:s9] =	ssyncset.done $0x0  }
0x18: {  	[sflag:s9] =	ssyncadd.s32 $0xFFFFF000  }
0x19: {  	[tilespmem:s10], [sflag:$0x1] =	stream.linear.gather [hbm4b:s5+s2], $0x1000, $0x38;
	[tilespmem:$0x9200] =	vst v63  }
0x1a: {  	_ =	swait.ge [sflag:s9], $0x1000  }
0x1b: {  	[sflag:s9] =	ssyncset.done $0x0  }
0x1c: {  	[sflag:s9] =	ssyncadd.s32 $0xFFFFF000  }
0x1d: {  	[tilespmem:s11], [sflag:$0x1] =	stream.linear.gather [hbm4b:s6+s2], $0x1000, $0x38;
	[tilespmem:$0x9200] =	vst v63  }
0x1e: {  	_ =	swait.ge [sflag:s9], $0x1000  }
0x1f: {  	[sflag:s9] =	ssyncset.done $0x0  }
0x20: {  	s15 =	simm.s32 $0x0;
	[sflag:s9] =	ssyncadd.s32 $0xFFFFF000  }
0x21: {  	v16 =	vld [tilespmem:s15+$0x2000]  }
0x22: {  	v17 =	vld [tilespmem:s15+$0x0]  }
0x23: {  	v18 =	vld [tilespmem:s15+$0x1000];
	_ =	sdelay $0x2  }
0x24: {  	v19 =	vshrl.u32 v16, $0x10  }
0x25: {  	v20 =	vmul.f32 v16, v16;
	v21 =	vshrl.u32 v17, $0x10;
	v22 =	vmul.f32 v17, v17  }
0x26: {  	s14 =	simm.s32 $0x10;
	v23 =	vshrl.u32 v18, $0x10;
	v25 =	vmul.f32 v18, v18;
	v19 =	vand.u32 $0x1, v19  }
0x27: {  	v24 =	vld [tilespmem:s14+$0x2000];
	v21 =	vand.u32 $0x1, v21;
	v16 =	vadd.s32 v19, v16;
	v19 =	vand.u32 $0x1, v23  }
0x28: {  	v17 =	vadd.s32 v21, v17;
	v22 =	vadd.f32 v25, v22;
	v23 =	vadd.s32 $0x7FFF, v16;
	v16 =	vld [tilespmem:s14+$0x0]  }
0x29: {  	v19 =	vadd.s32 v19, v18;
	v18 =	vld [tilespmem:s14+$0x1000];
	v17 =	vadd.s32 $0x7FFF, v17;
	v21 =	vand.u32 $0xFFFF0000, v23  }
0x2a: {  	v19 =	vadd.s32 $0x7FFF, v19;
	v17 =	vand.u32 $0xFFFF0000, v17;
	v21 =	vmul.f32 $-2.000000000e+00, v21  }
0x2b: {  	v20 =	vadd.f32 v20, v22;
	v19 =	vand.u32 $0xFFFF0000, v19;
	v23 =	vmul.f32 $-2.000000000e+00, v17  }
0x2c: {  	v17 =	vmul.f32 v24, v24;
	v63 =	vmul.f32 $-2.000000000e+00, v19;
	v19 =	vshrl.u32 v24, $0x10;
	[tilespmem:s15+$0x5000] =	vst v21  }
0x2d: {  	v26 =	vand.u32 $0x1, v19;
	[tilespmem:s15+$0x3000] =	vst v23;
	v21 =	vshrl.u32 v16, $0x10;
	v19 =	vmul.f32 v16, v16  }
0x2e: {  	s16 =	simm.s32 $0x20;
	s17 =	simm.s32 $0xC0;
	v22 =	vshrl.u32 v18, $0x10;
	v23 =	vadd.s32 v26, v24;
	[tilespmem:s15+$0x4000] =	vst v63;
	v21 =	vand.u32 $0x1, v21  }
.LBB2_2:
0x2f: {  	p0 =	sne.s32 s17, $0x3FC0;
	v24 =	vld [tilespmem:s16+$0x2000];
	v22 =	vand.u32 $0x1, v22;
	v23 =	vadd.s32 $0x7FFF, v23;
	v25 =	vmul.f32 v18, v18;
	[tilespmem:s15+$0x6000] =	vst v20;
	s15 =	smov.u32 s14;
	s14 =	smov.u32 s16  }
0x30: {  	v20 =	vadd.s32 v21, v16;
	v16 =	vld [tilespmem:s14+$0x0];
	v21 =	vadd.s32 v22, v18;
	v22 =	vand.u32 $0xFFFF0000, v23  }
0x31: {  	v20 =	vadd.s32 $0x7FFF, v20;
	v18 =	vld [tilespmem:s14+$0x1000];
	v21 =	vadd.s32 $0x7FFF, v21;
	v22 =	vmul.f32 $-2.000000000e+00, v22  }
.Ltmp2:
0x32: {  	v20 =	vand.u32 $0xFFFF0000, v20;
	v19 =	vadd.f32 v25, v19;
	v21 =	vand.u32 $0xFFFF0000, v21;
	(pc) =	sbr.rel @p0 .LBB2_2-.Ltmp2, $4  }
0x33: {  	v23 =	vmul.f32 $-2.000000000e+00, v20;
	v25 =	vmul.f32 $-2.000000000e+00, v21;
	[tilespmem:s15+$0x5000] =	vst v22  }
0x34: {  	v20 =	vadd.f32 v17, v19;
	v21 =	vshrl.u32 v24, $0x10;
	v17 =	vmul.f32 v24, v24  }
0x35: {  	v22 =	vshrl.u32 v16, $0x10;
	v26 =	vand.u32 $0x1, v21;
	v19 =	vmul.f32 v16, v16;
	[tilespmem:s15+$0x3000] =	vst v23  }
0x36: {  	s16 =	sshra.s32 s17, $0x2;
	s17 =	sadd.s32 $0x40, s17;
	v21 =	vand.u32 $0x1, v22;
	v22 =	vshrl.u32 v18, $0x10;
	v23 =	vadd.s32 v26, v24;
	[tilespmem:s15+$0x4000] =	vst v25  }
0x37: {  	v24 =	vld [tilespmem:s16+$0x2000];
	[tilespmem:s15+$0x6000] =	vst v20  }
0x38: {  	v49 =	vand.u32 $0x1, v22;
	v50 =	vadd.s32 $0x7FFF, v23;
	v51 =	vmul.f32 v18, v18;
	v25 =	vld [tilespmem:s16+$0x0]  }
0x39: {  	v16 =	vadd.s32 v21, v16;
	v52 =	vadd.s32 v49, v18;
	v53 =	vand.u32 $0xFFFF0000, v50;
	v54 =	vld [tilespmem:s16+$0x1000]  }
0x3a: {  	v16 =	vadd.s32 $0x7FFF, v16;
	v18 =	vadd.s32 $0x7FFF, v52;
	v20 =	vmul.f32 $-2.000000000e+00, v53  }
0x3b: {  	v16 =	vand.u32 $0xFFFF0000, v16;
	v19 =	vadd.f32 v51, v19;
	v18 =	vand.u32 $0xFFFF0000, v18  }
0x3c: {  	v16 =	vmul.f32 $-2.000000000e+00, v16;
	v18 =	vmul.f32 $-2.000000000e+00, v18  }
0x3d: {  	v17 =	vadd.f32 v17, v19;
	v55 =	vshrl.u32 v24, $0x10;
	v56 =	vmul.f32 v24, v24  }
0x3e: {  	v57 =	vand.u32 $0x1, v55;
	v58 =	vshrl.u32 v25, $0x10;
	v26 =	vshrl.u32 v54, $0x10  }
0x3f: {  	v59 =	vmul.f32 v25, v25;
	v61 =	vmul.f32 v54, v54;
	v19 =	vadd.s32 v57, v24  }
0x40: {  	[tilespmem:s14+$0x5000] =	vst v20;
	v22 =	vand.u32 $0x1, v58;
	v26 =	vand.u32 $0x1, v26;
	v19 =	vadd.s32 $0x7FFF, v19  }
0x41: {  	[tilespmem:s14+$0x6000] =	vst v17;
	v60 =	vadd.s32 v22, v25;
	v17 =	vadd.f32 v61, v59;
	v19 =	vand.u32 $0xFFFF0000, v19  }
0x42: {  	[tilespmem:s14+$0x3000] =	vst v16;
	v16 =	vadd.s32 v26, v54;
	v20 =	vadd.s32 $0x7FFF, v60;
	v62 =	vmul.f32 $-2.000000000e+00, v19  }
.Ltmp3:
0x43: {  	[tilespmem:s14+$0x4000] =	vst v18;
	v16 =	vadd.s32 $0x7FFF, v16;
	v63 =	vand.u32 $0xFFFF0000, v20;
	v17 =	vadd.f32 v56, v17;
	(pc) =	sbr.rel .LBB2_4-.Ltmp3, $4  }
0x44: {  	v16 =	vand.u32 $0xFFFF0000, v16;
	v19 =	vmul.f32 $-2.000000000e+00, v63;
	[tilespmem:s16+$0x5000] =	vst v62  }
0x45: {  	v16 =	vmul.f32 $-2.000000000e+00, v16;
	[tilespmem:s16+$0x6000] =	vst v17  }
0x46: {  	[tilespmem:s16+$0x3000] =	vst v19  }
0x47: {  	s14 =	simm.s32 $0x0;
	[tilespmem:s16+$0x4000] =	vst v16  }
.LBB2_14:
0x48: {  	s14 =	sadd.s32 $0x1, s14  }
0x49: {  	p0 =	sne.s32 s14, $0x20  }
.Ltmp4:
0x4a: {  	_ = 	snop;
	(pc) =	sbr.rel @!p0 .LBB2_15-.Ltmp4, $1  }
0x4b: {  	_ =	sdelay $0x3  }
.LBB2_4:
0x4c: {  	s15 =	sshll.u32 s14, $0x4  }
0x4d: {  	s16 =	sor.u32 s3, s15  }
0x4e: {  	v16 =	vld [tilespmem:s16+$0x0]  }
0x4f: {  	v17 =	vld [tilespmem:s16+$0x1000]  }
0x50: {  	v18 =	vld [tilespmem:s16+$0x2000];
	_ =	sdelay $0x3  }
0x51: {  	v19 =	vshrl.u32 v16, $0x10;
	v20 =	vshrl.u32 v17, $0x10  }
0x52: {  	v21 =	vshrl.u32 v18, $0x10;
	v22 =	vmul.f32 v17, v17;
	v19 =	vand.u32 $0x1, v19  }
.Ltmp5:
0x53: {  	v20 =	vand.u32 $0x1, v20;
	v19 =	vadd.s32 v19, v16;
	v16 =	vmul.f32 v16, v16;
	(pc) =	sbr.rel .LBB2_5-.Ltmp5, $4  }
0x54: {  	v63 =	vmul.f32 v18, v18;
	v17 =	vadd.s32 v20, v17;
	v20 =	vand.u32 $0x1, v21  }
0x55: {  	v19 =	vadd.s32 $0x7FFF, v19;
	v20 =	vadd.s32 v20, v18;
	v62 =	vadd.f32 v22, v16  }
0x56: {  	v17 =	vadd.s32 $0x7FFF, v17;
	v16 =	vand.u32 $0xFFFF0000, v19;
	v18 =	vadd.s32 $0x7FFF, v20  }
0x57: {  	s16 =	simm.s32 $0x0;
	v17 =	vand.u32 $0xFFFF0000, v17;
	v18 =	vand.u32 $0xFFFF0000, v18;
	v19 =	vadd.f32 v63, v62  }
.LBB2_12:
0x58: {  	v22 =	vld [tilespmem:$0x7000]  }
0x59: {  	v23 =	vld [tilespmem:$0x7100]  }
0x5a: {  	v24 =	vld [tilespmem:$0x7010]  }
0x5b: {  	v25 =	vld [tilespmem:$0x7110]  }
0x5c: {  	v26 =	vld [tilespmem:$0x7020]  }
0x5d: {  	v27 =	vld [tilespmem:$0x7120]  }
0x5e: {  	v28 =	vld [tilespmem:$0x7030]  }
0x5f: {  	v29 =	vld [tilespmem:$0x7130]  }
0x60: {  	v30 =	vld [tilespmem:$0x7040]  }
0x61: {  	v31 =	vld [tilespmem:$0x7140]  }
0x62: {  	v32 =	vmov s17;
	v33 =	vld [tilespmem:$0x7050]  }
0x63: {  	v34 =	vld [tilespmem:$0x7150];
	vm0 =	vgt.s32 v32, v0  }
0x64: {  	v35 =	vld [tilespmem:$0x7060];
	vm5 =	vgt.s32 v32, v1;
	v22 =	vnsel vm0, $0x7F800000, v22  }
0x65: {  	v40 =	vld [tilespmem:$0x7070];
	vm6 =	vgt.s32 v32, v2;
	(xrf1) =	vsort.ascd.msk.f32 $0xffff, v22, v23;
	v22 =	vnsel vm5, $0x7F800000, v24  }
0x66: {  	vm7 =	vgt.s32 v32, v3;
	v23 =	vld [tilespmem:$0x7160];
	(xrf1) =	vsort.ascd.msk.f32 $0xffff, v22, v25;
	v22 =	vnsel vm6, $0x7F800000, v26  }
0x67: {  	v41 =	vld [tilespmem:$0x7170];
	vm8 =	vgt.s32 v32, v4;
	(xrf1) =	vsort.ascd.msk.f32 $0xffff, v22, v27;
	v22 =	vnsel vm7, $0x7F800000, v28  }
0x68: {  	vm9 =	vgt.s32 v32, v5;
	(xrf1) =	vsort.ascd.msk.f32 $0xffff, v22, v29;
	v22 =	vnsel vm8, $0x7F800000, v30  }
0x69: {  	vm10 =	vgt.s32 v32, v6;
	(xrf1) =	vsort.ascd.msk.f32 $0xffff, v22, v31;
	v22 =	vnsel vm9, $0x7F800000, v33  }
0x6a: {  	vm11 =	vgt.s32 v32, v7;
	(xrf1) =	vsort.ascd.msk.f32 $0xffff, v22, v34;
	v22 =	vnsel vm10, $0x7F800000, v35  }
0x6b: {  	(xrf1) =	vsort.ascd.msk.f32 $0xffff, v22, v23;
	v22 =	vnsel vm11, $0x7F800000, v40  }
0x6c: {  	v42 =	vld [tilespmem:$0x7090];
	(xrf1) =	vsort.ascd.msk.f32 $0xffff, v22, v41  }
0x6d: {  	v23 =	vld [tilespmem:$0x7080]  }
0x6e: {  	v43 =	vld [tilespmem:$0x7190]  }
0x6f: {  	v44 =	vld [tilespmem:$0x70A0]  }
0x70: {  	v22 =	vld [tilespmem:$0x7180]  }
0x71: {  	v45 =	vld [tilespmem:$0x71A0];
	vm12 =	vgt.s32 v32, v8  }
0x72: {  	v46 =	vld [tilespmem:$0x70B0];
	v23 =	vnsel vm12, $0x7F800000, v23  }
0x73: {  	v49 =	vld [tilespmem:$0x71B0];
	v47, v48, _ =	vpop (xrf1)  }
0x74: {  	vm13 =	vgt.s32 v32, v9;
	v50, v51, _ =	vpop (xrf1)  }
0x75: {  	vm14 =	vgt.s32 v32, v10;
	(xrf1) =	vsort.ascd.msk.f32 $0xffff, v23, v22;
	v22 =	vnsel vm13, $0x7F800000, v42;
	v23, v52, _ =	vpop (xrf1)  }
0x76: {  	vm15 =	vgt.s32 v32, v11;
	(xrf1) =	vsort.ascd.msk.f32 $0xffff, v22, v43;
	v22 =	vnsel vm14, $0x7F800000, v44;
	v53 =	vperm.xlane v50, v12;
	v54, v55, _ =	vpop (xrf1)  }
0x77: {  	(xrf1) =	vsort.ascd.msk.f32 $0xffff, v22, v45;
	v22 =	vnsel vm15, $0x7F800000, v46;
	v58 =	vperm.xlane v51, v12;
	v56, v57, _ =	vpop (xrf1);
	v26 =	vperm.xlane v54, v12  }
0x78: {  	(xrf1) =	vsort.ascd.msk.f32 $0xffff, v22, v49;
	vm4 =	vlt.f32 v53, v47;
	v61 =	vperm.xlane v55, v12;
	v60, v59, _ =	vpop (xrf1)  }
0x79: {  	v22 =	vsel vm4, v53, v47;
	v30 =	vsel vm4, v58, v48;
	v25, v29, _ =	vpop (xrf1);
	vm5 =	vlt.f32 v26, v23  }
0x7a: {  	(xrf1) =	vsort.ascd.msk.f32 $0xffff, v22, v30;
	v63, v62, _ =	vpop (xrf1);
	v22 =	vsel vm5, v26, v23;
	v23 =	vperm.xlane v60, v12  }
0x7b: {  	v34 =	vperm.xlane v59, v12;
	v24 =	vsel vm5, v61, v52;
	v35 =	vperm.xlane v63, v12  }
0x7c: {  	(xrf1) =	vsort.ascd.msk.f32 $0xffff, v22, v24;
	v22 =	vperm.xlane v62, v12;
	vm6 =	vlt.f32 v23, v56  }
0x7d: {  	v23 =	vsel vm6, v23, v56;
	v36 =	vsel vm6, v34, v57;
	vm7 =	vlt.f32 v35, v25  }
0x7e: {  	(xrf1) =	vsort.ascd.msk.f32 $0xffff, v23, v36;
	v23 =	vsel vm7, v35, v25;
	v22 =	vsel vm7, v22, v29  }
0x7f: {  	(xrf1) =	vsort.ascd.msk.f32 $0xffff, v23, v22;
	_ =	sdelay $0x6  }
0x80: {  	v22, v23, _ =	vpop (xrf1)  }
0x81: {  	v37, v38, _ =	vpop (xrf1)  }
0x82: {  	v40, v39, _ =	vpop (xrf1)  }
0x83: {  	v24 =	vperm.xlane v37, v12;
	v41, v42, _ =	vpop (xrf1)  }
0x84: {  	v25 =	vperm.xlane v38, v12;
	v28 =	vperm.xlane v41, v12;
	v44, v43, _ =	vpop (xrf1)  }
0x85: {  	vm8 =	vlt.f32 v24, v22;
	v49 =	vperm.xlane v42, v12;
	v45, v46, _ =	vpop (xrf1)  }
0x86: {  	v22 =	vsel vm8, v24, v22;
	v23 =	vsel vm8, v25, v23;
	vm9 =	vlt.f32 v28, v40;
	v48, v47, _ =	vpop (xrf1)  }
0x87: {  	(xrf1) =	vsort.ascd.msk.f32 $0xffff, v22, v23;
	v22 =	vsel vm9, v28, v40;
	v23 =	vperm.xlane v45, v12;
	v51, v50, _ =	vpop (xrf1)  }
0x88: {  	v25 =	vsel vm9, v49, v39;
	v52 =	vperm.xlane v46, v12;
	v53 =	vperm.xlane v51, v12  }
0x89: {  	(xrf1) =	vsort.ascd.msk.f32 $0xffff, v22, v25;
	vm10 =	vlt.f32 v23, v44;
	v22 =	vperm.xlane v50, v12  }
0x8a: {  	v23 =	vsel vm10, v23, v44;
	v54 =	vsel vm10, v52, v43;
	vm11 =	vlt.f32 v53, v48  }
0x8b: {  	(xrf1) =	vsort.ascd.msk.f32 $0xffff, v23, v54;
	v23 =	vsel vm11, v53, v48;
	v22 =	vsel vm11, v22, v47  }
0x8c: {  	(xrf1) =	vsort.ascd.msk.f32 $0xffff, v23, v22;
	_ =	sdelay $0xa  }
0x8d: {  	v22, v23, _ =	vpop (xrf1)  }
0x8e: {  	v56, v55, _ =	vpop (xrf1)  }
0x8f: {  	v24 =	vperm.xlane v56, v12;
	v57, v58, _ =	vpop (xrf1)  }
0x90: {  	v25 =	vperm.xlane v55, v12;
	v59, v60, _ =	vpop (xrf1)  }
0x91: {  	vm12 =	vlt.f32 v24, v22;
	v28 =	vperm.xlane v59, v12  }
0x92: {  	v22 =	vsel vm12, v24, v22;
	v23 =	vsel vm12, v25, v23;
	v61 =	vperm.xlane v60, v12  }
0x93: {  	(xrf1) =	vsort.ascd.msk.f32 $0xffff, v22, v23;
	vm13 =	vlt.f32 v28, v57  }
0x94: {  	v22 =	vsel vm13, v28, v57;
	v23 =	vsel vm13, v61, v58  }
0x95: {  	(xrf1) =	vsort.ascd.msk.f32 $0xffff, v22, v23;
	_ =	sdelay $0xb  }
0x96: {  	v22, v23, _ =	vpop (xrf1)  }
0x97: {  	v22 =	vperm.xlane v22, v12  }
0x98: {  	v23 =	vperm.xlane v23, v12;
	v63, v62, _ =	vpop (xrf1)  }
0x99: {  	vm14 =	vlt.f32 v22, v63  }
0x9a: {  	v22 =	vsel vm14, v22, v63;
	v23 =	vsel vm14, v23, v62  }
0x9b: {  	(xrf1) =	vsort.ascd.msk.f32 $0xffff, v22, v23;
	_ =	sdelay $0xd  }
0x9c: {  	v22, v23, _ =	vpop (xrf1)  }
0x9d: {  	v22 =	vperm.xlane v22, v12  }
0x9e: {  	v23 =	vperm.xlane v23, v12  }
0x9f: {  	vm15 =	vlt.f32 v22, v21  }
0xa0: {  	v21 =	vsel vm15, v22, v21;
	v20 =	vsel vm15, v23, v20  }
0xa1: {  	(xrf1) =	vsort.ascd.msk.f32 $0xffff, v21, v20;
	_ =	sdelay $0xd  }
0xa2: {  	s17 =	simm.s32 $0x0;
	v21, v20, _ =	vpop (xrf1)  }
.LBB2_13:
0xa3: {  	v22 =	vld [tilespmem:$0x7000]  }
0xa4: {  	v23 =	vld [tilespmem:$0x7100]  }
0xa5: {  	v24 =	vld [tilespmem:$0x7010]  }
0xa6: {  	v25 =	vld [tilespmem:$0x7110]  }
0xa7: {  	v26 =	vld [tilespmem:$0x7020]  }
0xa8: {  	v27 =	vld [tilespmem:$0x7120]  }
0xa9: {  	v28 =	vld [tilespmem:$0x7030]  }
0xaa: {  	v29 =	vld [tilespmem:$0x7130]  }
0xab: {  	v30 =	vld [tilespmem:$0x7040]  }
0xac: {  	v31 =	vld [tilespmem:$0x7140]  }
0xad: {  	v32 =	vmov s17;
	v33 =	vld [tilespmem:$0x7050]  }
0xae: {  	v34 =	vld [tilespmem:$0x7150];
	vm0 =	vgt.s32 v32, v0  }
0xaf: {  	v35 =	vld [tilespmem:$0x7060];
	vm15 =	vgt.s32 v32, v1;
	v22 =	vnsel vm0, $0x7F800000, v22  }
0xb0: {  	v37 =	vld [tilespmem:$0x7160];
	vm4 =	vgt.s32 v32, v2;
	v36 =	vnsel vm15, $0x7F800000, v24;
	(xrf1) =	vsort.ascd.msk.f32 $0xffff, v22, v23  }
0xb1: {  	v39 =	vld [tilespmem:$0x7070];
	vm5 =	vgt.s32 v32, v3;
	v38 =	vnsel vm4, $0x7F800000, v26;
	(xrf1) =	vsort.ascd.msk.f32 $0xffff, v36, v25  }
0xb2: {  	v41 =	vld [tilespmem:$0x7170];
	vm6 =	vgt.s32 v32, v4;
	v40 =	vnsel vm5, $0x7F800000, v28;
	(xrf1) =	vsort.ascd.msk.f32 $0xffff, v38, v27  }
0xb3: {  	vm7 =	vgt.s32 v32, v5;
	v42 =	vnsel vm6, $0x7F800000, v30;
	(xrf1) =	vsort.ascd.msk.f32 $0xffff, v40, v29  }
0xb4: {  	vm8 =	vgt.s32 v32, v6;
	v43 =	vnsel vm7, $0x7F800000, v33;
	(xrf1) =	vsort.ascd.msk.f32 $0xffff, v42, v31  }
0xb5: {  	vm9 =	vgt.s32 v32, v7;
	v44 =	vnsel vm8, $0x7F800000, v35;
	(xrf1) =	vsort.ascd.msk.f32 $0xffff, v43, v34  }
0xb6: {  	v45 =	vnsel vm9, $0x7F800000, v39;
	(xrf1) =	vsort.ascd.msk.f32 $0xffff, v44, v37  }
0xb7: {  	v46 =	vld [tilespmem:$0x7080];
	(xrf1) =	vsort.ascd.msk.f32 $0xffff, v45, v41  }
0xb8: {  	v47 =	vld [tilespmem:$0x7180]  }
0xb9: {  	v48 =	vld [tilespmem:$0x7090]  }
0xba: {  	v49 =	vld [tilespmem:$0x7190]  }
0xbb: {  	v50 =	vld [tilespmem:$0x70A0]  }
0xbc: {  	v51 =	vld [tilespmem:$0x71A0]  }
0xbd: {  	v52 =	vld [tilespmem:$0x70B0]  }
0xbe: {  	v55 =	vld [tilespmem:$0x71B0];
	vm10 =	vgt.s32 v32, v8;
	v53, v54, _ =	vpop (xrf1)  }
0xbf: {  	vm11 =	vgt.s32 v32, v9;
	v23 =	vnsel vm10, $0x7F800000, v46;
	v56, v57, _ =	vpop (xrf1)  }
0xc0: {  	vm12 =	vgt.s32 v32, v10;
	v58 =	vnsel vm11, $0x7F800000, v48;
	(xrf1) =	vsort.ascd.msk.f32 $0xffff, v23, v47;
	v59, v60, _ =	vpop (xrf1)  }
0xc1: {  	vm13 =	vgt.s32 v32, v11;
	v61 =	vnsel vm12, $0x7F800000, v50;
	(xrf1) =	vsort.ascd.msk.f32 $0xffff, v58, v49;
	v62 =	vperm.xlane v56, v12;
	v63, v36, _ =	vpop (xrf1)  }
0xc2: {  	v37 =	vnsel vm13, $0x7F800000, v52;
	(xrf1) =	vsort.ascd.msk.f32 $0xffff, v61, v51;
	v40 =	vperm.xlane v57, v12;
	v38, v39, _ =	vpop (xrf1);
	v26 =	vperm.xlane v63, v12  }
0xc3: {  	(xrf1) =	vsort.ascd.msk.f32 $0xffff, v37, v55;
	vm14 =	vlt.f32 v62, v53;
	v44 =	vperm.xlane v36, v12;
	v42, v41, _ =	vpop (xrf1)  }
0xc4: {  	v43 =	vsel vm14, v62, v53;
	v30 =	vsel vm14, v40, v54;
	v25, v29, _ =	vpop (xrf1);
	vm15 =	vlt.f32 v26, v59  }
0xc5: {  	(xrf1) =	vsort.ascd.msk.f32 $0xffff, v43, v30;
	v48 =	vperm.xlane v42, v12;
	v49 =	vperm.xlane v41, v12;
	v46, v45, _ =	vpop (xrf1)  }
0xc6: {  	v47 =	vsel vm15, v26, v59;
	v24 =	vsel vm15, v44, v60;
	v50 =	vperm.xlane v46, v12  }
0xc7: {  	(xrf1) =	vsort.ascd.msk.f32 $0xffff, v47, v24;
	vm4 =	vlt.f32 v48, v38;
	v51 =	vperm.xlane v45, v12  }
0xc8: {  	v23 =	vsel vm4, v48, v38;
	v52 =	vsel vm4, v49, v39;
	vm5 =	vlt.f32 v50, v25  }
0xc9: {  	(xrf1) =	vsort.ascd.msk.f32 $0xffff, v23, v52;
	v53 =	vsel vm5, v50, v25;
	v22 =	vsel vm5, v51, v29  }
0xca: {  	(xrf1) =	vsort.ascd.msk.f32 $0xffff, v53, v22;
	_ =	sdelay $0x6  }
0xcb: {  	v22, v23, _ =	vpop (xrf1)  }
0xcc: {  	v54, v55, _ =	vpop (xrf1)  }
0xcd: {  	v57, v56, _ =	vpop (xrf1)  }
0xce: {  	v24 =	vperm.xlane v54, v12;
	v58, v59, _ =	vpop (xrf1)  }
0xcf: {  	v25 =	vperm.xlane v55, v12;
	v28 =	vperm.xlane v58, v12;
	v61, v60, _ =	vpop (xrf1)  }
0xd0: {  	vm6 =	vlt.f32 v24, v22;
	v38 =	vperm.xlane v59, v12;
	v62, v63, _ =	vpop (xrf1)  }
0xd1: {  	v22 =	vsel vm6, v24, v22;
	v23 =	vsel vm6, v25, v23;
	vm7 =	vlt.f32 v28, v57;
	v37, v36, _ =	vpop (xrf1)  }
0xd2: {  	(xrf1) =	vsort.ascd.msk.f32 $0xffff, v22, v23;
	v41 =	vsel vm7, v28, v57;
	v42 =	vperm.xlane v62, v12;
	v40, v39, _ =	vpop (xrf1)  }
0xd3: {  	v25 =	vsel vm7, v38, v56;
	v43 =	vperm.xlane v63, v12;
	v44 =	vperm.xlane v40, v12  }
0xd4: {  	(xrf1) =	vsort.ascd.msk.f32 $0xffff, v41, v25;
	vm8 =	vlt.f32 v42, v61;
	v45 =	vperm.xlane v39, v12  }
0xd5: {  	v23 =	vsel vm8, v42, v61;
	v46 =	vsel vm8, v43, v60;
	vm9 =	vlt.f32 v44, v37  }
0xd6: {  	(xrf1) =	vsort.ascd.msk.f32 $0xffff, v23, v46;
	v47 =	vsel vm9, v44, v37;
	v22 =	vsel vm9, v45, v36  }
0xd7: {  	(xrf1) =	vsort.ascd.msk.f32 $0xffff, v47, v22;
	_ =	sdelay $0xa  }
0xd8: {  	v22, v23, _ =	vpop (xrf1)  }
0xd9: {  	v49, v48, _ =	vpop (xrf1)  }
0xda: {  	v24 =	vperm.xlane v49, v12;
	v50, v51, _ =	vpop (xrf1)  }
0xdb: {  	v25 =	vperm.xlane v48, v12;
	v52, v53, _ =	vpop (xrf1)  }
0xdc: {  	vm10 =	vlt.f32 v24, v22;
	v28 =	vperm.xlane v52, v12  }
0xdd: {  	v22 =	vsel vm10, v24, v22;
	v23 =	vsel vm10, v25, v23;
	v54 =	vperm.xlane v53, v12  }
0xde: {  	(xrf1) =	vsort.ascd.msk.f32 $0xffff, v22, v23;
	vm11 =	vlt.f32 v28, v50  }
0xdf: {  	v55 =	vsel vm11, v28, v50;
	v56 =	vsel vm11, v54, v51  }
0xe0: {  	(xrf1) =	vsort.ascd.msk.f32 $0xffff, v55, v56;
	_ =	sdelay $0xb  }
0xe1: {  	v22, v23, _ =	vpop (xrf1)  }
0xe2: {  	v22 =	vperm.xlane v22, v12  }
0xe3: {  	v23 =	vperm.xlane v23, v12;
	v58, v57, _ =	vpop (xrf1)  }
0xe4: {  	vm12 =	vlt.f32 v22, v58  }
0xe5: {  	v22 =	vsel vm12, v22, v58;
	v23 =	vsel vm12, v23, v57  }
0xe6: {  	(xrf1) =	vsort.ascd.msk.f32 $0xffff, v22, v23;
	_ =	sdelay $0xd  }
0xe7: {  	v22, v23, _ =	vpop (xrf1)  }
0xe8: {  	v22 =	vperm.xlane v22, v12  }
0xe9: {  	v23 =	vperm.xlane v23, v12  }
0xea: {  	vm13 =	vlt.f32 v22, v21  }
0xeb: {  	v21 =	vsel vm13, v22, v21;
	v20 =	vsel vm13, v23, v20  }
0xec: {  	(xrf1) =	vsort.ascd.msk.f32 $0xffff, v21, v20;
	_ =	sdelay $0xd  }
0xed: {  	v20, v21, _ =	vpop (xrf1)  }
0xee: {  	s31 =	sadd.s32 s15, s16;
	s16 =	sadd.s32 $0x1, s16;
	v59 =	vperm.xlane v20, v14;
	v60 =	vperm.xlane v21, v15  }
0xef: {  	p0 =	sne.s32 s16, $0x10;
	v61 =	vperm.xlane v21, v14;
	v62 =	vperm.xlane v20, v15  }
.Ltmp6:
0xf0: {  	vm14 =	veq.f32 v20, v59;
	vm1 =	vgt.s32 v60, v21;
	(pc) =	sbr.rel @!p0 .LBB2_14-.Ltmp6, $4  }
0xf1: {  	vm2 =	vgt.s32 v21, v61;
	vm15 =	veq.f32 v20, v62;
	v63 =	vsel vm1, v60, v21  }
0xf2: {  	s17 =	sshll.u32 s31, $0x4;
	vm0 =	vmand vm14, vm2;
	v20 =	vsel vm15, v63, v21  }
0xf3: {  	s17 =	sand.u32 $0x3FFFFFF0, s17;
	v20 =	vsel vm0, v61, v20  }
0xf4: {  	[tilespmem:s17+$0x7200] =	vst v20  }
.LBB2_5:
0xf5: {  	v20 =	vmov s16  }
0xf6: {  	v35 =	vimm.f32 $+Inf;
	v22 =	vimm.f32 $0.0e+00;
	v23 =	vimm.f32 $0.0e+00  }
0xf7: {  	v24 =	vimm.f32 $0.0e+00;
	v25 =	vimm.f32 $0.0e+00;
	v26 =	vimm.f32 $0.0e+00  }
0xf8: {  	v27 =	vimm.f32 $0.0e+00;
	vm6 =	vmxor vm6, vm6;
	v21 =	vimm.s32 $0x0  }
.Ltmp7:
0xf9: {  	v28 =	vimm.f32 $0.0e+00;
	v29 =	vperm.xlane v16, v20;
	v31 =	vperm.xlane v17, v20;
	(pc) =	sbr.rel .LBB2_6-.Ltmp7, $4  }
0xfa: {  	v30 =	vimm.f32 $0.0e+00;
	v32 =	vperm.xlane v18, v20;
	v33 =	vperm.xlane v19, v20  }
0xfb: {  	v20 =	vlaneseq.u32;
	v21 =	vsel vm6, $0xFFFFFFFF, v21;
	vm2 =	vmmov vm6  }
0xfc: {  	s19 =	simm.s32 $0x0;
	s17 =	simm.s32 $0x0;
	vm0 =	vmmov vm6;
	vm4 =	vmmov vm6;
	vm5 =	vmmov vm6  }
0xfd: {  	s21 =	simm.s32 $0x0;
	s20 =	simm.s32 $0x0;
	s18 =	simm.s32 $0x0;
	vm7 =	vmmov vm6;
	vm8 =	vmmov vm6;
	[tilespmem:$0x1FFF0] =	vst v21;
	v21 =	vimm.f32 $+Inf  }
.LBB2_8:
0xfe: {  	v35 =	vld [tilespmem:$0x7000]  }
0xff: {  	v36 =	vld [tilespmem:$0x7100]  }
0x100: {  	v37 =	vld [tilespmem:$0x7010]  }
0x101: {  	v38 =	vld [tilespmem:$0x7110]  }
0x102: {  	v39 =	vld [tilespmem:$0x7020]  }
0x103: {  	v40 =	vld [tilespmem:$0x7120]  }
0x104: {  	v41 =	vld [tilespmem:$0x7030]  }
0x105: {  	v42 =	vld [tilespmem:$0x7130]  }
0x106: {  	v43 =	vld [tilespmem:$0x7040]  }
0x107: {  	v44 =	vld [tilespmem:$0x7140]  }
0x108: {  	v45 =	vmov s22;
	v46 =	vld [tilespmem:$0x7050]  }
0x109: {  	v47 =	vld [tilespmem:$0x7150];
	vm1 =	vgt.s32 v45, v0  }
0x10a: {  	v48 =	vld [tilespmem:$0x7060];
	v35 =	vnsel vm1, $0x7F800000, v35;
	vm1 =	vgt.s32 v45, v1  }
0x10b: {  	v51 =	vld [tilespmem:$0x7160];
	(xrf1) =	vsort.ascd.msk.f32 $0xffff, v35, v36;
	v50 =	vnsel vm1, $0x7F800000, v37;
	vm1 =	vgt.s32 v45, v2  }
0x10c: {  	v53 =	vld [tilespmem:$0x7070];
	(xrf1) =	vsort.ascd.msk.f32 $0xffff, v50, v38;
	v52 =	vnsel vm1, $0x7F800000, v39;
	vm1 =	vgt.s32 v45, v3  }
0x10d: {  	v55 =	vld [tilespmem:$0x7170];
	(xrf1) =	vsort.ascd.msk.f32 $0xffff, v52, v40;
	v54 =	vnsel vm1, $0x7F800000, v41;
	vm1 =	vgt.s32 v45, v4  }
0x10e: {  	(xrf1) =	vsort.ascd.msk.f32 $0xffff, v54, v42;
	v56 =	vnsel vm1, $0x7F800000, v43;
	vm1 =	vgt.s32 v45, v5  }
0x10f: {  	(xrf1) =	vsort.ascd.msk.f32 $0xffff, v56, v44;
	v57 =	vnsel vm1, $0x7F800000, v46;
	vm1 =	vgt.s32 v45, v6  }
0x110: {  	(xrf1) =	vsort.ascd.msk.f32 $0xffff, v57, v47;
	v58 =	vnsel vm1, $0x7F800000, v48;
	vm1 =	vgt.s32 v45, v7  }
0x111: {  	(xrf1) =	vsort.ascd.msk.f32 $0xffff, v58, v51;
	v59 =	vnsel vm1, $0x7F800000, v53  }
0x112: {  	v60 =	vld [tilespmem:$0x7080];
	(xrf1) =	vsort.ascd.msk.f32 $0xffff, v59, v55  }
0x113: {  	v61 =	vld [tilespmem:$0x7180]  }
0x114: {  	v62 =	vld [tilespmem:$0x7090]  }
0x115: {  	v63 =	vld [tilespmem:$0x7190]  }
0x116: {  	v49 =	vld [tilespmem:$0x71A0]  }
0x117: {  	v48 =	vld [tilespmem:$0x70A0];
	vm1 =	vgt.s32 v45, v8  }
0x118: {  	v50 =	vld [tilespmem:$0x70B0];
	v36 =	vnsel vm1, $0x7F800000, v60  }
0x119: {  	v44 =	vld [tilespmem:$0x71B0];
	v42, v43, _ =	vpop (xrf1)  }
0x11a: {  	vm1 =	vgt.s32 v45, v9;
	v51, v52, _ =	vpop (xrf1)  }
0x11b: {  	v53 =	vnsel vm1, $0x7F800000, v62;
	vm1 =	vgt.s32 v45, v10;
	(xrf1) =	vsort.ascd.msk.f32 $0xffff, v36, v61;
	v36, v37, _ =	vpop (xrf1)  }
0x11c: {  	v54 =	vnsel vm1, $0x7F800000, v48;
	vm1 =	vgt.s32 v45, v11;
	(xrf1) =	vsort.ascd.msk.f32 $0xffff, v53, v63;
	v55 =	vperm.xlane v51, v12;
	v56, v57, _ =	vpop (xrf1)  }
0x11d: {  	v58 =	vnsel vm1, $0x7F800000, v50;
	(xrf1) =	vsort.ascd.msk.f32 $0xffff, v54, v49;
	v61 =	vperm.xlane v52, v12;
	v59, v60, _ =	vpop (xrf1);
	v39 =	vperm.xlane v56, v12  }
0x11e: {  	(xrf1) =	vsort.ascd.msk.f32 $0xffff, v58, v44;
	vm1 =	vlt.f32 v55, v42;
	v51 =	vperm.xlane v57, v12;
	v63, v62, _ =	vpop (xrf1)  }
0x11f: {  	v50 =	vsel vm1, v55, v42;
	v43 =	vsel vm1, v61, v43;
	v38, v42, _ =	vpop (xrf1);
	vm1 =	vlt.f32 v39, v36  }
0x120: {  	(xrf1) =	vsort.ascd.msk.f32 $0xffff, v50, v43;
	v55 =	vperm.xlane v63, v12;
	v56 =	vperm.xlane v62, v12;
	v53, v52, _ =	vpop (xrf1)  }
0x121: {  	v54 =	vsel vm1, v39, v36;
	v37 =	vsel vm1, v51, v37;
	v57 =	vperm.xlane v53, v12  }
0x122: {  	(xrf1) =	vsort.ascd.msk.f32 $0xffff, v54, v37;
	vm1 =	vlt.f32 v55, v59;
	v58 =	vperm.xlane v52, v12  }
0x123: {  	v36 =	vsel vm1, v55, v59;
	v59 =	vsel vm1, v56, v60;
	vm1 =	vlt.f32 v57, v38  }
0x124: {  	(xrf1) =	vsort.ascd.msk.f32 $0xffff, v36, v59;
	v60 =	vsel vm1, v57, v38;
	v35 =	vsel vm1, v58, v42  }
0x125: {  	(xrf1) =	vsort.ascd.msk.f32 $0xffff, v60, v35;
	_ =	sdelay $0x6  }
0x126: {  	v35, v36, _ =	vpop (xrf1)  }
0x127: {  	v61, v62, _ =	vpop (xrf1)  }
0x128: {  	v63, v40, _ =	vpop (xrf1)  }
0x129: {  	v37 =	vperm.xlane v61, v12;
	v52, v53, _ =	vpop (xrf1)  }
0x12a: {  	v38 =	vperm.xlane v62, v12;
	v41 =	vperm.xlane v52, v12;
	v55, v54, _ =	vpop (xrf1)  }
0x12b: {  	vm1 =	vlt.f32 v37, v35;
	v60 =	vperm.xlane v53, v12;
	v56, v57, _ =	vpop (xrf1)  }
0x12c: {  	v35 =	vsel vm1, v37, v35;
	v36 =	vsel vm1, v38, v36;
	vm1 =	vlt.f32 v41, v63;
	v59, v58, _ =	vpop (xrf1)  }
0x12d: {  	(xrf1) =	vsort.ascd.msk.f32 $0xffff, v35, v36;
	v63 =	vsel vm1, v41, v63;
	v45 =	vperm.xlane v56, v12;
	v62, v61, _ =	vpop (xrf1)  }
0x12e: {  	v38 =	vsel vm1, v60, v40;
	v46 =	vperm.xlane v57, v12;
	v49 =	vperm.xlane v62, v12  }
0x12f: {  	(xrf1) =	vsort.ascd.msk.f32 $0xffff, v63, v38;
	vm1 =	vlt.f32 v45, v55;
	v50 =	vperm.xlane v61, v12  }
0x130: {  	v36 =	vsel vm1, v45, v55;
	v51 =	vsel vm1, v46, v54;
	vm1 =	vlt.f32 v49, v59  }
0x131: {  	(xrf1) =	vsort.ascd.msk.f32 $0xffff, v36, v51;
	v52 =	vsel vm1, v49, v59;
	v35 =	vsel vm1, v50, v58  }
0x132: {  	(xrf1) =	vsort.ascd.msk.f32 $0xffff, v52, v35;
	_ =	sdelay $0xa  }
0x133: {  	v35, v36, _ =	vpop (xrf1)  }
0x134: {  	v54, v53, _ =	vpop (xrf1)  }
0x135: {  	v37 =	vperm.xlane v54, v12;
	v55, v56, _ =	vpop (xrf1)  }
0x136: {  	v38 =	vperm.xlane v53, v12;
	v57, v58, _ =	vpop (xrf1)  }
0x137: {  	vm1 =	vlt.f32 v37, v35;
	v41 =	vperm.xlane v57, v12  }
0x138: {  	v35 =	vsel vm1, v37, v35;
	v36 =	vsel vm1, v38, v36;
	v59 =	vperm.xlane v58, v12  }
0x139: {  	(xrf1) =	vsort.ascd.msk.f32 $0xffff, v35, v36;
	vm1 =	vlt.f32 v41, v55  }
0x13a: {  	v60 =	vsel vm1, v41, v55;
	v61 =	vsel vm1, v59, v56  }
0x13b: {  	(xrf1) =	vsort.ascd.msk.f32 $0xffff, v60, v61;
	_ =	sdelay $0xb  }
0x13c: {  	v35, v36, _ =	vpop (xrf1)  }
0x13d: {  	v35 =	vperm.xlane v35, v12  }
0x13e: {  	v36 =	vperm.xlane v36, v12;
	v63, v62, _ =	vpop (xrf1)  }
0x13f: {  	vm1 =	vlt.f32 v35, v63  }
0x140: {  	v35 =	vsel vm1, v35, v63;
	v36 =	vsel vm1, v36, v62  }
0x141: {  	(xrf1) =	vsort.ascd.msk.f32 $0xffff, v35, v36;
	_ =	sdelay $0xd  }
0x142: {  	v35, v36, _ =	vpop (xrf1)  }
0x143: {  	v35 =	vperm.xlane v35, v12  }
0x144: {  	v36 =	vperm.xlane v36, v12  }
0x145: {  	vm1 =	vlt.f32 v35, v21  }
0x146: {  	v21 =	vsel vm1, v35, v21;
	v20 =	vsel vm1, v36, v20  }
0x147: {  	(xrf1) =	vsort.ascd.msk.f32 $0xffff, v21, v20;
	_ =	sdelay $0xd  }
0x148: {  	v21, v20, _ =	vpop (xrf1)  }
0x149: {  	s20 =	simm.s32 $0x0;
	v35 =	vperm.xlane v21, v13  }
.LBB2_9:
0x14a: {  	s17 =	sadd.s32 $0x200, s17  }
0x14b: {  	v36 =	vld [tilespmem:$0x1FFE0];
	p0 =	sne.s32 s17, $0x4000  }
.Ltmp8:
0x14c: {  	_ = 	snop;
	(pc) =	sbr.rel @!p0 .LBB2_10-.Ltmp8, $2  }
0x14d: {  	_ =	sdelay $0x2  }
0x14e: {  	s21 =	sshll.u32 s18, $0x7;
	s18 =	sadd.s32 $0x1, s18;
	vm0 =	vnez.u8 v36  }
.LBB2_6:
0x14f: {  	s22 =	sshra.s32 s17, $0x2  }
0x150: {  	v34 =	vld [tilespmem:s22+$0x3000]  }
0x151: {  	v36 =	vld [tilespmem:s22+$0x4000]  }
0x152: {  	v37 =	vld [tilespmem:s22+$0x5000]  }
0x153: {  	v38 =	vld [tilespmem:s22+$0x6000]  }
0x154: {  	v39 =	vld [tilespmem:s22+$0x3010]  }
0x155: {  	v40 =	vld [tilespmem:s22+$0x4010]  }
0x156: {  	v41 =	vld [tilespmem:s22+$0x5010]  }
0x157: {  	v42 =	vld [tilespmem:s22+$0x6010]  }
0x158: {  	v43 =	vld [tilespmem:s22+$0x3020]  }
0x159: {  	v44 =	vld [tilespmem:s22+$0x4020]  }
0x15a: {  	v45 =	vld [tilespmem:s22+$0x5020]  }
0x15b: {  	v46 =	vld [tilespmem:s22+$0x6020]  }
0x15c: {  	v47 =	vld [tilespmem:s22+$0x3030]  }
0x15d: {  	v59 =	vld [tilespmem:s22+$0x3040]  }
0x15e: {  	v60 =	vld [tilespmem:s22+$0x4040];
	v34 =	vmul.f32 v34, v29  }
0x15f: {  	vm9 =	vmmov vm6;
	v48 =	vld [tilespmem:s22+$0x4030];
	v36 =	vmul.f32 v36, v31;
	v39 =	vmul.f32 v39, v29  }
0x160: {  	vm11 =	vmmov vm8;
	v63 =	vld [tilespmem:s22+$0x5040];
	v40 =	vmul.f32 v40, v31;
	v56 =	vmul.f32 v37, v32  }
0x161: {  	vm10 =	vmmov vm7;
	v57 =	vld [tilespmem:s22+$0x5030];
	v58 =	vmul.f32 v41, v32;
	v61 =	vmul.f32 v43, v29  }
0x162: {  	v49 =	vld [tilespmem:s22+$0x3050];
	v62 =	vmul.f32 v44, v31;
	v34 =	vadd.f32 v36, v34;
	v39 =	vadd.f32 v40, v39  }
0x163: {  	vm13 =	vmmov vm5;
	v50 =	vld [tilespmem:s22+$0x4050];
	v36 =	vmul.f32 v59, v29;
	v40 =	vmul.f32 v60, v31  }
0x164: {  	v54 =	vld [tilespmem:s22+$0x5050];
	v52 =	vmul.f32 v47, v29;
	v34 =	vadd.f32 v56, v34;
	v39 =	vadd.f32 v58, v39  }
0x165: {  	v53 =	vmul.f32 v48, v31;
	v59 =	vld [tilespmem:s22+$0x4060];
	v60 =	vmul.f32 v63, v32;
	v36 =	vadd.f32 v40, v36  }
0x166: {  	v55 =	vmul.f32 v45, v32;
	v63 =	vld [tilespmem:s22+$0x4070];
	v34 =	vadd.f32 v34, v33;
	v39 =	vadd.f32 v39, v33  }
0x167: {  	v37 =	vmul.f32 v57, v32;
	v57 =	vmul.f32 v49, v29;
	v56 =	vld [tilespmem:s22+$0x3060];
	v36 =	vadd.f32 v60, v36  }
0x168: {  	v45 =	vld [tilespmem:s22+$0x6040];
	v58 =	vmul.f32 v50, v31;
	v38 =	vadd.f32 v34, v38;
	v39 =	vadd.f32 v39, v42  }
0x169: {  	vm15 =	vmmov vm4;
	v41 =	vld [tilespmem:s22+$0x6030];
	v34 =	vadd.f32 v62, v61;
	v42 =	vadd.f32 v53, v52  }
0x16a: {  	v43 =	vadd.f32 v58, v57;
	v61 =	vld [tilespmem:s22+$0x3070];
	v62 =	vmul.f32 v54, v32;
	v36 =	vadd.f32 v36, v33  }
0x16b: {  	v57 =	vmul.f32 v63, v31;
	v53 =	vld [tilespmem:s22+$0x5060];
	v34 =	vadd.f32 v55, v34;
	v37 =	vadd.f32 v37, v42  }
0x16c: {  	v54 =	vld [tilespmem:s22+$0x5070];
	v52 =	vadd.f32 v62, v43;
	v55 =	vmul.f32 v56, v29;
	v56 =	vmul.f32 v59, v31  }
0x16d: {  	v51 =	vld [tilespmem:s22+$0x6050];
	v36 =	vadd.f32 v36, v45;
	vm3 =	vgt.f32 v38, $5.000000000e-01;
	v34 =	vadd.f32 v34, v33  }
0x16e: {  	v47 =	vmovc v30;
	v30 =	vsel vm3, $0x7F800000, v38;
	vm3 =	vgt.f32 v39, $5.000000000e-01;
	v37 =	vadd.f32 v37, v33  }
0x16f: {  	v42 =	vmul.f32 v61, v29;
	v46 =	vadd.f32 v34, v46;
	v34 =	vadd.f32 v52, v33  }
0x170: {  	v44 =	vadd.f32 v56, v55;
	v38 =	vmovc v28;
	v28 =	vsel vm3, $0x7F800000, v39;
	v37 =	vadd.f32 v37, v41  }
0x171: {  	v58 =	vmul.f32 v53, v32;
	v41 =	vmul.f32 v54, v32;
	v42 =	vadd.f32 v57, v42  }
0x172: {  	v40 =	vadd.f32 v34, v51;
	vm3 =	vgt.f32 v46, $5.000000000e-01;
	vm12 =	vgt.f32 v37, $5.000000000e-01  }
0x173: {  	v43 =	vmovc v27;
	v59 =	vld [tilespmem:s22+$0x6060];
	v27 =	vsel vm3, $0x7F800000, v46;
	v41 =	vadd.f32 v41, v42;
	v34 =	vmovc v35;
	v35 =	vadd.f32 v58, v44  }
0x174: {  	v60 =	vld [tilespmem:s22+$0x6070];
	v44 =	vmovc v26;
	v26 =	vsel vm12, $0x7F800000, v37;
	vm12 =	vgt.f32 v36, $5.000000000e-01;
	vm6 =	vlt.f32 v30, v34  }
0x175: {  	v37 =	vmovc v25;
	vm8 =	vlt.f32 v28, v34;
	v25 =	vsel vm12, $0x7F800000, v36;
	vm12 =	vgt.f32 v40, $5.000000000e-01  }
0x176: {  	vm7 =	vlt.f32 v27, v34;
	v36 =	vmovc v24;
	v35 =	vadd.f32 v35, v33;
	v24 =	vsel vm12, $0x7F800000, v40;
	v40 =	vmovc v22;
	v22 =	vld [tilespmem:$0x1FFF0]  }
0x177: {  	vm5 =	vlt.f32 v26, v34;
	v41 =	vadd.f32 v41, v33;
	vm3 =	vmor vm6, vm8  }
0x178: {  	vm4 =	vlt.f32 v25, v34;
	vm3 =	vmor vm3, vm7;
	v35 =	vadd.f32 v35, v59  }
0x179: {  	v61 =	vadd.f32 v41, v60;
	vm14 =	vmor vm3, vm5;
	vm3 =	vmmov vm0  }
0x17a: {  	vm0 =	vlt.f32 v24, v34;
	vm1 =	vmor vm14, vm4;
	vm12 =	vgt.f32 v35, $5.000000000e-01  }
0x17b: {  	v41 =	vmovc v23;
	v23 =	vsel vm12, $0x7F800000, v35;
	vm12 =	vnez.u8 v22;
	v22 =	vimm.s32 $0x0  }
0x17c: {  	vm14 =	vmmov vm2;
	vm2 =	vgt.f32 v61, $5.000000000e-01;
	v22 =	vsel vm0, $0xFFFFFFFF, v22  }
0x17d: {  	vm1 =	vmor vm1, vm0;
	[tilespmem:$0x1FFE0] =	vst v22;
	v22 =	vsel vm2, $0x7F800000, v61;
	vm2 =	vlt.f32 v23, v34  }
0x17e: {  	vm1 =	vmor vm1, vm2;
	vm0 =	vlt.f32 v22, v34  }
0x17f: {  	vm1 =	vmor vm1, vm0  }
0x180: {  	p0 =	slt.s32 s19, $0x1;
	v63 =	vmpcnt.ones.xlane vm1  }
0x181: {  	v62 =	vimm.s32 $0x0;
	v39 =	vmpcnt.ones.xlane @!p0 vm9  }
0x182: {  	v35 =	vsel vm0, $0xFFFFFFFF, v62;
	(v2sf) =	vpush v63, $0x0  }
0x183: {  	[tilespmem:$0x1FFF0] =	vst v35;
	v35 =	vmpcnt.ones.xlane @!p0 vm11;
	(v2sf) =	vpush @!p0 v39, $0x0;
	_ =	sdelay $0x1  }
0x184: {  	(v2sf) =	vpush @!p0 v35, $0x0;
	v35 =	vmpcnt.ones.xlane @!p0 vm10;
	_ =	sdelay $0x1  }
0x185: {  	(v2sf) =	vpush @!p0 v35, $0x0;
	v35 =	vmpcnt.ones.xlane @!p0 vm13;
	_ =	sdelay $0x1  }
0x186: {  	(v2sf) =	vpush @!p0 v35, $0x0;
	v35 =	vmpcnt.ones.xlane @!p0 vm15  }
0x187: {  	v39 =	vmpcnt.ones.xlane @!p0 vm3  }
0x188: {  	(v2sf) =	vpush @!p0 v35, $0x0;
	v35 =	vmpcnt.ones.xlane @!p0 vm14  }
0x189: {  	(v2sf) =	vpush @!p0 v39, $0x0;
	v39 =	vmpcnt.ones.xlane @!p0 vm12  }
0x18a: {  	(v2sf) =	vpush @!p0 v35, $0x0  }
0x18b: {  	(v2sf) =	vpush @!p0 v39, $0x0;
	_ =	sdelay $0x2  }
0x18c: {  	v35 =	vlaneseq.u32 @!p0;
	s19 =	spop (v2sf)  }
0x18d: {  	[tilespmem:s20+$0x7000] =	vst.msk @!p0 vm9, v47;
	v39 =	vor.u32 @!p0 s21, v35;
	s22 =	spop @!p0 (v2sf)  }
0x18e: {  	s23 =	sor.u32 @!p0 $0x10, s21;
	[tilespmem:s20+$0x7100] =	vst.msk @!p0 vm9, v39;
	s22 =	sadd.s32 @!p0 s20, s22  }
0x18f: {  	s24 =	spop @!p0 (v2sf);
	[tilespmem:s22+$0x7000] =	vst.msk @!p0 vm11, v38;
	v38 =	vor.u32 @!p0 s23, v35  }
0x190: {  	s23 =	sor.u32 @!p0 $0x20, s21;
	[tilespmem:s22+$0x7100] =	vst.msk @!p0 vm11, v38;
	s22 =	sadd.s32 @!p0 s22, s24  }
0x191: {  	s24 =	spop @!p0 (v2sf);
	v38 =	vor.u32 @!p0 s23, v35;
	[tilespmem:s22+$0x7000] =	vst.msk @!p0 vm10, v43  }
0x192: {  	s23 =	sor.u32 @!p0 $0x30, s21;
	[tilespmem:s22+$0x7100] =	vst.msk @!p0 vm10, v38;
	s22 =	sadd.s32 @!p0 s22, s24  }
0x193: {  	s24 =	spop @!p0 (v2sf);
	v38 =	vor.u32 @!p0 s23, v35;
	[tilespmem:s22+$0x7000] =	vst.msk @!p0 vm13, v44  }
0x194: {  	s23 =	sor.u32 @!p0 $0x40, s21;
	[tilespmem:s22+$0x7100] =	vst.msk @!p0 vm13, v38;
	s22 =	sadd.s32 @!p0 s22, s24  }
0x195: {  	s24 =	spop @!p0 (v2sf);
	[tilespmem:s22+$0x7000] =	vst.msk @!p0 vm15, v37;
	v37 =	vor.u32 @!p0 s23, v35  }
0x196: {  	s23 =	spop @!p0 (v2sf);
	[tilespmem:s22+$0x7100] =	vst.msk @!p0 vm15, v37;
	s22 =	sadd.s32 @!p0 s22, s24;
	s24 =	sor.u32 @!p0 $0x50, s21  }
0x197: {  	s25 =	spop @!p0 (v2sf);
	[tilespmem:s22+$0x7000] =	vst.msk @!p0 vm3, v36;
	v36 =	vor.u32 @!p0 s24, v35;
	s23 =	sadd.s32 @!p0 s22, s23  }
0x198: {  	[tilespmem:s22+$0x7100] =	vst.msk @!p0 vm3, v36;
	s22 =	sor.u32 @!p0 $0x60, s21;
	s24 =	sadd.s32 @!p0 s23, s25;
	s25 =	spop @!p0 (v2sf)  }
0x199: {  	v36 =	vor.u32 @!p0 s22, v35;
	s22 =	sadd.s32 @!p0 s24, s25  }
0x19a: {  	p1 =	slt.s32 @!p0 s22, $0x40  }
0x19b: {  	p1 =	por p0, p1  }
.Ltmp9:
0x19c: {  	_ = 	snop;
	(pc) =	sbr.rel @!p1 .LBB2_8-.Ltmp9, $4  }
0x19d: {  	[tilespmem:s23+$0x7000] =	vst.msk @!p0 vm14, v41  }
0x19e: {  	s21 =	sor.u32 @!p0 $0x70, s21;
	[tilespmem:s23+$0x7100] =	vst.msk @!p0 vm14, v36  }
0x19f: {  	v35 =	vor.u32 @!p0 s21, v35;
	[tilespmem:s24+$0x7000] =	vst.msk @!p0 vm12, v40  }
0x1a0: {  	[tilespmem:s24+$0x7100] =	vst.msk @!p0 vm12, v35  }
.Ltmp10:
0x1a1: {  	(pc) =	sbr.rel .LBB2_9-.Ltmp10, $3  }
0x1a2: {  	_ =	sdelay $0x1  }
0x1a3: {  	s22 =	smov.u32 @p0 s20  }
0x1a4: {  	v21 =	vpsel p0, v21, v21;
	v20 =	vpsel p0, v20, v20;
	v35 =	vpsel p0, v34, v34;
	s20 =	smov.u32 s22  }
.LBB2_10:
0x1a5: {  	p0 =	slt.s32 s19, $0x1  }
0x1a6: {  	vm6 =	vlt.f32 @!p0 v30, v34  }
0x1a7: {  	v29 =	vmpcnt.ones.xlane @!p0 vm6  }
0x1a8: {  	vm7 =	vlt.f32 @!p0 v28, v34  }
0x1a9: {  	(v2sf) =	vpush @!p0 v29, $0x0;
	v29 =	vmpcnt.ones.xlane @!p0 vm7  }
0x1aa: {  	vm5 =	vlt.f32 @!p0 v27, v34  }
0x1ab: {  	(v2sf) =	vpush @!p0 v29, $0x0;
	v29 =	vmpcnt.ones.xlane @!p0 vm5  }
0x1ac: {  	vm4 =	vlt.f32 @!p0 v26, v34  }
0x1ad: {  	(v2sf) =	vpush @!p0 v29, $0x0;
	v29 =	vmpcnt.ones.xlane @!p0 vm4  }
0x1ae: {  	vm3 =	vlt.f32 @!p0 v25, v34  }
0x1af: {  	vm2 =	vlt.f32 @!p0 v24, v34;
	(v2sf) =	vpush @!p0 v29, $0x0;
	v29 =	vmpcnt.ones.xlane @!p0 vm3  }
0x1b0: {  	vm1 =	vlt.f32 @!p0 v23, v34;
	v31 =	vmpcnt.ones.xlane @!p0 vm2  }
0x1b1: {  	vm0 =	vlt.f32 @!p0 v22, v34;
	(v2sf) =	vpush @!p0 v29, $0x0;
	v29 =	vmpcnt.ones.xlane @!p0 vm1  }
0x1b2: {  	(v2sf) =	vpush @!p0 v31, $0x0;
	v31 =	vmpcnt.ones.xlane @!p0 vm0  }
0x1b3: {  	(v2sf) =	vpush @!p0 v29, $0x0  }
0x1b4: {  	(v2sf) =	vpush @!p0 v31, $0x0;
	_ =	sdelay $0x2  }
0x1b5: {  	v29 =	vlaneseq.u32 @!p0  }
0x1b6: {  	[tilespmem:s20+$0x7000] =	vst.msk @!p0 vm6, v30;
	v30 =	vor.u32 @!p0 $0xF80, v29;
	s17 =	spop @!p0 (v2sf)  }
0x1b7: {  	[tilespmem:s20+$0x7100] =	vst.msk @!p0 vm6, v30;
	s17 =	sadd.s32 @!p0 s20, s17  }
0x1b8: {  	s18 =	spop @!p0 (v2sf);
	[tilespmem:s17+$0x7000] =	vst.msk @!p0 vm7, v28;
	v28 =	vor.u32 @!p0 $0xF90, v29  }
0x1b9: {  	[tilespmem:s17+$0x7100] =	vst.msk @!p0 vm7, v28;
	s17 =	sadd.s32 @!p0 s17, s18  }
0x1ba: {  	s18 =	spop @!p0 (v2sf);
	[tilespmem:s17+$0x7000] =	vst.msk @!p0 vm5, v27;
	v27 =	vor.u32 @!p0 $0xFA0, v29  }
0x1bb: {  	[tilespmem:s17+$0x7100] =	vst.msk @!p0 vm5, v27;
	s17 =	sadd.s32 @!p0 s17, s18  }
0x1bc: {  	s18 =	spop @!p0 (v2sf);
	[tilespmem:s17+$0x7000] =	vst.msk @!p0 vm4, v26;
	v26 =	vor.u32 @!p0 $0xFB0, v29  }
0x1bd: {  	[tilespmem:s17+$0x7100] =	vst.msk @!p0 vm4, v26;
	s17 =	sadd.s32 @!p0 s17, s18  }
0x1be: {  	s18 =	spop @!p0 (v2sf);
	[tilespmem:s17+$0x7000] =	vst.msk @!p0 vm3, v25;
	v25 =	vor.u32 @!p0 $0xFC0, v29  }
0x1bf: {  	s19 =	spop @!p0 (v2sf);
	[tilespmem:s17+$0x7100] =	vst.msk @!p0 vm3, v25;
	s17 =	sadd.s32 @!p0 s17, s18  }
0x1c0: {  	s18 =	spop @!p0 (v2sf);
	[tilespmem:s17+$0x7000] =	vst.msk @!p0 vm2, v24;
	v24 =	vor.u32 @!p0 $0xFD0, v29;
	s19 =	sadd.s32 @!p0 s17, s19  }
0x1c1: {  	[tilespmem:s17+$0x7100] =	vst.msk @!p0 vm2, v24;
	s18 =	sadd.s32 @!p0 s19, s18;
	s17 =	spop @!p0 (v2sf)  }
0x1c2: {  	s17 =	sadd.s32 @!p0 s18, s17  }
0x1c3: {  	p1 =	slt.s32 @!p0 s17, $0x40  }
0x1c4: {  	p1 =	por p0, p1  }
.Ltmp11:
0x1c5: {  	_ = 	snop;
	(pc) =	sbr.rel @!p1 .LBB2_12-.Ltmp11, $4  }
0x1c6: {  	[tilespmem:s19+$0x7000] =	vst.msk @!p0 vm1, v23;
	v23 =	vor.u32 @!p0 $0xFE0, v29  }
0x1c7: {  	[tilespmem:s19+$0x7100] =	vst.msk @!p0 vm1, v23  }
0x1c8: {  	[tilespmem:s18+$0x7000] =	vst.msk @!p0 vm0, v22;
	v22 =	vor.u32 @!p0 $0xFF0, v29  }
0x1c9: {  	[tilespmem:s18+$0x7100] =	vst.msk @!p0 vm0, v22  }
.Ltmp12:
0x1ca: {  	(pc) =	sbr.rel .LBB2_13-.Ltmp12, $2  }
0x1cb: {  	_ =	sdelay $0x2  }
0x1cc: {  	v21 =	vpsel p0, v21, v21;
	v20 =	vpsel p0, v20, v20;
	s17 =	smov.u32 @p0 s20  }
.LBB2_16:
0x1cd: {  	_ =	sfence.sel $0x180000  }
0x1ce: {  	[bflag:$0x0] =	sbarrier.arrive $0xFFFF  }
0x1cf: {  	p0 =	sne.s32 s1, $0x0;
	_ =	strace $0x90000047  }
0x1d0: {  	s0 =	sadd.s32 @!p0 $0x100000, s0;
	[bflag:$0x2] =	sbarrier.arrive $0xFFFF  }
0x1d1: {  	[sflag:s0] =	ssyncadd.tile.s32 @!p0 $0x1;
	_ =	shalt  }
.Lfunc_end2:
_tile_overlayer_lowered:
.L_overlay_start_2:
0x1d2: {  	(tag) =	ssettag $0x2  }
0x1d3: {  	s0 =	rddreg [dreg:$0x0];
	s2 =	stileid.u32  }
0x1d4: {  	s1 =	rddreg [dreg:$0x1];
	p0 =	sne.s32 s2, $0x0  }
0x1d5: {  	s3 =	rddreg [dreg:$0x2];
	[bflag:$0x3] =	sbarrier.arrive $0xFFFF;
	s2 =	simm.s32 @!p0 $0x1C01  }
0x1d6: {  	[timem:s3], [sflag:s2] =	dma.local @!p0 [hbm:s0], s1  }
0x1d7: {  	s0 =	simm.s32 @!p0 $0x1  }
0x1d8: {  	_ =	swait.ge @!p0 [sflag:s0], s1  }
0x1d9: {  	s1 =	ssub.s32 @!p0 $0x0, s1;
	[sflag:s0] =	ssyncset.done @!p0 $0x0  }
0x1da: {  	[sflag:s0] =	ssyncadd.s32 @!p0 s1  }
0x1db: {  	[bflag:$0x3] =	sbarrier.arrive $0xFFFF  }
0x1dc: {  	_ =	shalt  }

</sc_bundles>
